<compile_context>
chip_gen: v7x
topology: tpu7x:2x2x1
jax: 0.10.2.dev20260603
libtpu: 0.0.44.dev20260713+nightly
codegen_flags: <defaults>
</compile_context>

<pallas_src>
import functools

import numpy as np
import jax
import jax.numpy as jnp
from jax import lax
from jax.experimental import pallas as pl
from jax.experimental.pallas import tpu as pltpu
from jax.experimental.pallas import tpu_sc as plsc

T_STEPS = 2048
S = 32
B = 16
LANES = 16
K = 32
L_PACK = 17408
EXP_ROWS = 512

_bs_static = 16 - (np.arange(T_STEPS) // 128)
_off_static = np.concatenate([[0], np.cumsum(_bs_static)])
_rows_np = np.zeros((B, T_STEPS), np.int32)
for _b in range(B):
    _Lb = T_STEPS - 128 * _b
    _rows_np[_b, :_Lb] = _off_static[:_Lb] + _b


def _bf16_bits(x):
    xb = jax.lax.bitcast_convert_type(x, jnp.int32)
    t = xb + 0x7FFF + ((xb >> 16) & 1)
    return (t >> 16) & 0xFFFF


def _exp_body(x_ref, o_ref):
    x = x_ref[...]
    ea = jnp.exp(x[:, :S * LANES])
    eb = jnp.exp(x[:, S * LANES:])
    o_ref[...] = jax.lax.bitcast_convert_type(
        _bf16_bits(ea) | (_bf16_bits(eb) << 16), jnp.float32)


_exp_tc = pl.pallas_call(
    _exp_body,
    grid=(L_PACK // EXP_ROWS,),
    in_specs=[pl.BlockSpec((EXP_ROWS, S * S), lambda i: (i, 0))],
    out_specs=pl.BlockSpec((EXP_ROWS, S * LANES), lambda i: (i, 0)),
    out_shape=jax.ShapeDtypeStruct((L_PACK, S * LANES), jnp.float32),
)


def _reg_bcast(vec, i):
    return jnp.take_along_axis(vec, jnp.full((LANES,), i, jnp.int32), axis=0,
                               mode="promise_in_bounds")


def _viterbi_tec(p_hbm, rows_hbm, sum_hbm, exp_hbm,
                 idx_v, buf_v, u_v, e_v, res_v, sem0, sem1):
    info = plsc.get_sparse_core_info()
    nc = info.num_cores
    wid = lax.axis_index("s") * nc + lax.axis_index("c")

    @pl.when(wid < B)
    def _run():
        b = wid
        nb = (T_STEPS - 128 * b) // K

        pltpu.sync_copy(rows_hbm.at[b], idx_v)

        u_v[pl.ds(0, LANES)] = jnp.ones((LANES,), jnp.float32)
        u_v[pl.ds(LANES, LANES)] = jnp.ones((LANES,), jnp.float32)
        e_v[...] = jnp.zeros((LANES,), jnp.float32)

        def _gather(blk, slot, sem):
            return pltpu.make_async_copy(
                p_hbm.at[idx_v.at[pl.ds(blk * K, K)]], buf_v.at[slot], sem)

        sems = (sem0, sem1)
        _gather(0, 0, sem0).start()

        def _row_step(r, slot):
            u0v = u_v[pl.ds(0, LANES)]
            u1v = u_v[pl.ds(LANES, LANES)]
            p0 = [jnp.zeros((LANES,), jnp.float32) for _ in range(4)]
            p1 = [jnp.zeros((LANES,), jnp.float32) for _ in range(4)]
            for k in range(S):
                uhalf = u0v if k < LANES else u1v
                uk = _reg_bcast(uhalf, k % LANES)
                w = buf_v[slot, r, pl.ds(k * LANES, LANES)]
                x = plsc.bitcast(w, jnp.bfloat16)
                a0, a1 = plsc.unpack(x, format=plsc.PackFormat.INTERLEAVED)
                p0[k % 4] = p0[k % 4] + a0 * uk
                p1[k % 4] = p1[k % 4] + a1 * uk
            acc0 = (p0[0] + p0[1]) + (p0[2] + p0[3])
            acc1 = (p1[0] + p1[1]) + (p1[2] + p1[3])
            u_v[pl.ds(0, LANES)] = acc0
            u_v[pl.ds(LANES, LANES)] = acc1

            @pl.when((r & 3) == 3)
            def _rescale():
                u0 = u_v[pl.ds(0, LANES)]
                u1 = u_v[pl.ds(LANES, LANES)]
                s = jnp.sum(u0 + u1)
                sv = jnp.full((LANES,), s, jnp.float32)
                e = (plsc.bitcast(sv, jnp.int32) >> 23) - 127
                f = plsc.bitcast((127 - e) << 23, jnp.float32)
                u_v[pl.ds(0, LANES)] = u0 * f
                u_v[pl.ds(LANES, LANES)] = u1 * f
                e_v[...] = e_v[...] + e.astype(jnp.float32)

        def _pair_body(i2, carry):
            for par in (0, 1):
                blk = 2 * i2 + par
                nxt = blk + 1

                @pl.when(nxt < nb)
                def _prefetch():
                    _gather(nxt, 1 - par, sems[1 - par]).start()

                _gather(blk, par, sems[par]).wait()

                def _rows(r, c):
                    _row_step(r, par)
                    return c
                lax.fori_loop(0, K, _rows, 0)
            return carry

        lax.fori_loop(0, nb // 2, _pair_body, 0)

        tot = jnp.sum(u_v[pl.ds(0, LANES)] + u_v[pl.ds(LANES, LANES)])
        res_v[...] = jnp.full((LANES,), tot, jnp.float32)
        pltpu.sync_copy(res_v, sum_hbm.at[b])
        pltpu.sync_copy(e_v, exp_hbm.at[b])


@functools.partial(
    pl.kernel,
    out_type=(jax.ShapeDtypeStruct((B, LANES), jnp.float32),
              jax.ShapeDtypeStruct((B, LANES), jnp.float32)),
    mesh=plsc.VectorSubcoreMesh(core_axis_name="c", subcore_axis_name="s"),
    compiler_params=pltpu.CompilerParams(needs_layout_passes=False),
    scratch_types=[
        pltpu.VMEM((T_STEPS,), jnp.int32),
        pltpu.VMEM((2, K, S * LANES), jnp.float32),
        pltpu.VMEM((S,), jnp.float32),
        pltpu.VMEM((LANES,), jnp.float32),
        pltpu.VMEM((LANES,), jnp.float32),
        pltpu.SemaphoreType.DMA,
        pltpu.SemaphoreType.DMA,
    ],
)
def _viterbi_sc(p_hbm, rows_hbm, sum_hbm, exp_hbm,
                idx_v, buf_v, u_v, e_v, res_v, sem0, sem1):
    _viterbi_tec(p_hbm, rows_hbm, sum_hbm, exp_hbm,
                 idx_v, buf_v, u_v, e_v, res_v, sem0, sem1)


@jax.jit
def kernel(theta_data, batch_sizes):
    theta2d = jnp.transpose(
        theta_data.reshape(L_PACK, 2, LANES, S), (0, 1, 3, 2)
    ).reshape(L_PACK, S * S)
    p_i32 = _exp_tc(theta2d)
    usum, eacc = _viterbi_sc(p_i32, jnp.asarray(_rows_np))
    delta = (jnp.sum(batch_sizes) - L_PACK).astype(jnp.float32)
    ln2 = jnp.float32(np.log(2.0))
    return jnp.log(usum[:, 0]) + eacc[:, 0] * ln2 + delta

# --- scband reference (transcript-rebuilt; emitter-appended) ---
"""Pipeline reference for scband-packed-viterbi-47605417508874 (READ-ONLY COPY).

The authoritative reference and input builder live on the scoring server;
editing this copy changes nothing except your own understanding.
"""

import jax, jax.numpy as jnp
import numpy as np

T_STEPS = 2048
N_STATES = 32


def _make_batch_sizes():
    # 16 sequences with lengths 2048, 1920, ..., 128 (step 128), packed (sorted desc).
    # batch_sizes[t] = number of sequences with length > t = 16 - t // 128.
    bs = 16 - (np.arange(T_STEPS) // 128)
    return bs.astype(np.int64)


def setup_inputs(seed: int = 0):
    key = jax.random.key(seed)
    bs = _make_batch_sizes()
    L = int(bs.sum())  # 17408 packed transition slots
    theta = jax.random.normal(key, (L, N_STATES, N_STATES), dtype=jnp.float32)
    return {"theta_data": theta, "batch_sizes": jnp.asarray(bs)}


def _softmax_max(X):
    # SoftMaxOp.max: logsumexp over last dim + softmax probabilities
    M = jnp.max(X, axis=2)
    A = jnp.exp(X - M[:, :, None])
    Sm = jnp.sum(A, axis=2)
    return M + jnp.log(Sm), A / Sm[:, :, None]


def reference(theta_data, batch_sizes):
    # Faithful functional translation of _topological_loop (operator='softmax',
    # adjoint=False) over a packed sequence. Instead of in-place writes into a
    # big V buffer, we keep only the previous time-chunk V_prev (the torch code
    # only ever reads V[prev_left:prev_cut] and V[prev_cut:left], i.e. the
    # previous chunk), and collect terminal values Vt, which is the forward
    # output of PackedViterbi.
    T = batch_sizes.shape[0]
    bs = (16 - (np.arange(T) // 128)).astype(np.int64)
    B = int(bs[0])
    S = theta_data.shape[1]
    V_prev = jnp.zeros((B, S), dtype=theta_data.dtype)  # virtual V[0:B] init
    vt_chunks = []
    theta_off = 0
    prev = B
    for t in range(T + 1):
        cur = int(bs[t]) if t < T else 0
        if cur != 0:
            M = theta_data[theta_off:theta_off + cur] + V_prev[:cur][:, None, :]
            V_new, _Q = _softmax_max(M)
            theta_off += cur
        else:
            V_new = jnp.zeros((0, S), dtype=theta_data.dtype)
        len_term = prev - cur
        if len_term != 0:
            M2 = V_prev[cur:prev][:, None, :]
            vt, _qt = _softmax_max(M2)
            vt_chunks.append(vt[:, 0])
        V_prev = V_new
        prev = cur
    # terminal slots are filled from index B downward, so reverse chunk order
    Vt = jnp.concatenate(vt_chunks[::-1], axis=0)
    Vt = Vt + (batch_sizes - jnp.asarray(bs)).sum().astype(Vt.dtype)
    return Vt

if __name__ == "__main__":
    import jax
    _d = setup_inputs()
    print(jax.jit(kernel)(*tuple(_d.values())))

</pallas_src>

<mosaic_0001>
#map = affine_map<(d0, d1) -> (0, 0)>
module attributes {stable_mosaic.version = 14 : i64} {
  func.func @_viterbi_sc(%arg0: i32, %arg1: i32, %arg2: memref<17408x512xf32, #tpu.memory_space<hbm>>, %arg3: memref<16x2048xi32, #tpu.memory_space<hbm>>, %arg4: memref<16x16xf32, #tpu.memory_space<hbm>>, %arg5: memref<16x16xf32, #tpu.memory_space<hbm>>, %arg6: memref<2048xi32, #tpu.memory_space<vmem>>, %arg7: memref<2x32x512xf32, #tpu.memory_space<vmem>>, %arg8: memref<32xf32, #tpu.memory_space<vmem>>, %arg9: memref<16xf32, #tpu.memory_space<vmem>>, %arg10: memref<16xf32, #tpu.memory_space<vmem>>, %arg11: memref<!tpu.dma_semaphore, #tpu.memory_space<semaphore_mem>>, %arg12: memref<!tpu.dma_semaphore, #tpu.memory_space<semaphore_mem>>) attributes {dimension_semantics = [#tpu.dimension_semantics<core_parallel>, #tpu.dimension_semantics<subcore_parallel>], iteration_bounds = array<i64: 2, 16>, scalar_prefetch = 0 : i64, scratch_operands = 7 : i64, tpu.core_type = #tpu.core_type<sc_vector_subcore>, window_params = [{transform_indices = #map}, {transform_indices = #map}, {transform_indices = #map}, {transform_indices = #map}]} {
    %mul3A = arith.constant 2 : i32
    %mul3A_0 = arith.muli %arg1, %mul3A : i32
    %add3A = arith.addi %mul3A_0, %arg0 : i32
    %lt3A = arith.constant 16 : i32
    %lt3A_1 = arith.cmpi slt, %add3A, %lt3A : i32
    %convert_element_type3A = arith.extui %lt3A_1 : i1 to i32
    %cond3A = arith.constant 0 : i32
    %cond3A_2 = arith.cmpi ne, %convert_element_type3A, %cond3A : i32
    scf.if %cond3A_2 {
      %mul3A_3 = arith.constant 128 : i32
      %mul3A_4 = arith.muli %mul3A_3, %add3A : i32
      %sub3A = arith.constant 2048 : i32
      %sub3A_5 = arith.subi %sub3A, %mul3A_4 : i32
      %jit3A = arith.constant 32 : i32
      %div3A = arith.divsi %sub3A_5, %jit3A : i32
      %sign3A = arith.constant 0 : i32
      %sign3A_6 = arith.cmpi sgt, %sub3A_5, %sign3A : i32
      %sign3A_7 = arith.extui %sign3A_6 : i1 to i32
      %sign3A_8 = arith.constant 0 : i32
      %sign3A_9 = arith.cmpi slt, %sub3A_5, %sign3A_8 : i32
      %sign3A_10 = arith.extui %sign3A_9 : i1 to i32
      %sign3A_11 = arith.subi %sign3A_7, %sign3A_10 : i32
      %sign3A_12 = arith.constant 0 : i32
      %sign3A_13 = arith.cmpi sgt, %jit3A, %sign3A_12 : i32
      %sign3A_14 = arith.extui %sign3A_13 : i1 to i32
      %sign3A_15 = arith.constant 0 : i32
      %sign3A_16 = arith.cmpi slt, %jit3A, %sign3A_15 : i32
      %sign3A_17 = arith.extui %sign3A_16 : i1 to i32
      %sign3A_18 = arith.subi %sign3A_14, %sign3A_17 : i32
      %ne3A = arith.cmpi ne, %sign3A_11, %sign3A_18 : i32
      %rem3A = arith.remsi %sub3A_5, %jit3A : i32
      %ne3A_19 = arith.constant 0 : i32
      %ne3A_20 = arith.cmpi ne, %rem3A, %ne3A_19 : i32
      %and3A = arith.andi %ne3A, %ne3A_20 : i1
      %sub3A_21 = arith.constant 1 : i32
      %sub3A_22 = arith.subi %div3A, %sub3A_21 : i32
      %select_n3A = arith.select %and3A, %sub3A_22, %div3A : i32
      "tpu.region"() ({
        %run_scoped3A = tpu.sem_alloc : memref<!tpu.dma_semaphore, #tpu.memory_space<semaphore_mem>>
        %dma_start3A_85 = arith.constant 0 : i32
        %dma_start3A_86 = tpu.memref_slice %arg3[%add3A, %dma_start3A_85] : memref<16x2048xi32, #tpu.memory_space<hbm>> -> memref<1x2048xi32, #tpu.memory_space<hbm>>
        %dma_start3A_87 = tpu.memref_squeeze %dma_start3A_86 : memref<1x2048xi32, #tpu.memory_space<hbm>> -> memref<2048xi32, #tpu.memory_space<hbm>>
        %dma_start3A_88 = arith.constant 0 : i32
        %dma_start3A_89 = tpu.memref_slice %arg3[%add3A, %dma_start3A_88] : memref<16x2048xi32, #tpu.memory_space<hbm>> -> memref<1x2048xi32, #tpu.memory_space<hbm>>
        %dma_start3A_90 = tpu.memref_squeeze %dma_start3A_89 : memref<1x2048xi32, #tpu.memory_space<hbm>> -> memref<2048xi32, #tpu.memory_space<hbm>>
        tpu.enqueue_dma source(%dma_start3A_90 : memref<2048xi32, #tpu.memory_space<hbm>>) target(%arg6 : memref<2048xi32, #tpu.memory_space<vmem>>) target_semaphore(%run_scoped3A : memref<!tpu.dma_semaphore, #tpu.memory_space<semaphore_mem>>)
        %dma_wait3A = arith.constant 0 : i32
        %dma_wait3A_91 = tpu.memref_slice %arg3[%add3A, %dma_wait3A] : memref<16x2048xi32, #tpu.memory_space<hbm>> -> memref<1x2048xi32, #tpu.memory_space<hbm>>
        %dma_wait3A_92 = tpu.memref_squeeze %dma_wait3A_91 : memref<1x2048xi32, #tpu.memory_space<hbm>> -> memref<2048xi32, #tpu.memory_space<hbm>>
        %dma_wait3A_93 = arith.constant 0 : i32
        %dma_wait3A_94 = tpu.memref_slice %arg3[%add3A, %dma_wait3A_93] : memref<16x2048xi32, #tpu.memory_space<hbm>> -> memref<1x2048xi32, #tpu.memory_space<hbm>>
        %dma_wait3A_95 = tpu.memref_squeeze %dma_wait3A_94 : memref<1x2048xi32, #tpu.memory_space<hbm>> -> memref<2048xi32, #tpu.memory_space<hbm>>
        tpu.wait_dma2 semaphore(%run_scoped3A : memref<!tpu.dma_semaphore, #tpu.memory_space<semaphore_mem>>) src(%dma_wait3A_95 : memref<2048xi32, #tpu.memory_space<hbm>>) dst(%arg6 : memref<2048xi32, #tpu.memory_space<vmem>>)
        tpu.yield
      }) : () -> ()
      %broadcast_in_dim3A = arith.constant 1.000000e+00 : f32
      %broadcast_in_dim3A_23 = vector.broadcast %broadcast_in_dim3A : f32 to vector<16xf32>
      %swap3A = arith.constant 0 : index
      %swap3A_24 = tpu.vector_load %arg8[%swap3A] {strides = array<i32>} : memref<32xf32, #tpu.memory_space<vmem>>, vector<16xf32>,
      tpu.vector_store %arg8[%swap3A], %broadcast_in_dim3A_23 {strides = array<i32>} : memref<32xf32, #tpu.memory_space<vmem>>, vector<16xf32>,
      %broadcast_in_dim3A_25 = arith.constant 1.000000e+00 : f32
      %broadcast_in_dim3A_26 = vector.broadcast %broadcast_in_dim3A_25 : f32 to vector<16xf32>
      %swap3A_27 = arith.constant 16 : index
      %swap3A_28 = tpu.vector_load %arg8[%swap3A_27] {strides = array<i32>} : memref<32xf32, #tpu.memory_space<vmem>>, vector<16xf32>,
      tpu.vector_store %arg8[%swap3A_27], %broadcast_in_dim3A_26 {strides = array<i32>} : memref<32xf32, #tpu.memory_space<vmem>>, vector<16xf32>,
      %broadcast_in_dim3A_29 = arith.constant 0.000000e+00 : f32
      %broadcast_in_dim3A_30 = vector.broadcast %broadcast_in_dim3A_29 : f32 to vector<16xf32>
      %swap3A_31 = arith.constant 0 : index
      %swap3A_32 = tpu.vector_load %arg9[%swap3A_31] {strides = array<i32>} : memref<16xf32, #tpu.memory_space<vmem>>, vector<16xf32>,
      tpu.vector_store %arg9[%swap3A_31], %broadcast_in_dim3A_30 {strides = array<i32>} : memref<16xf32, #tpu.memory_space<vmem>>, vector<16xf32>,
      %dma_start3A = arith.constant 0 : i32
      %dma_start3A_33 = arith.constant 0 : i32
      %dma_start3A_34 = arith.constant 0 : i32
      %dma_start3A_35 = tpu.memref_slice %arg7[%dma_start3A, %dma_start3A_33, %dma_start3A_34] : memref<2x32x512xf32, #tpu.memory_space<vmem>> -> memref<1x32x512xf32, #tpu.memory_space<vmem>>
      %dma_start3A_36 = tpu.memref_squeeze %dma_start3A_35 : memref<1x32x512xf32, #tpu.memory_space<vmem>> -> memref<32x512xf32, #tpu.memory_space<vmem>>
      %dma_start3A_37 = arith.constant 0 : i32
      %dma_start3A_38 = tpu.memref_slice %arg6[%dma_start3A_37] : memref<2048xi32, #tpu.memory_space<vmem>> -> memref<32xi32, #tpu.memory_space<vmem>>
      %dma_start3A_39 = arith.constant 0 : i32
      %dma_start3A_40 = arith.constant 0 : i32
      %dma_start3A_41 = tpu.memref_slice %arg2[%dma_start3A_39, %dma_start3A_40] : memref<17408x512xf32, #tpu.memory_space<hbm>> -> memref<17408x512xf32, #tpu.memory_space<hbm>>
      tpu.enqueue_indirect_dma source(%dma_start3A_41 : memref<17408x512xf32, #tpu.memory_space<hbm>>) target(%dma_start3A_36 : memref<32x512xf32, #tpu.memory_space<vmem>>) offsets(%dma_start3A_38 : memref<32xi32, #tpu.memory_space<vmem>>) semaphore(%arg11 : memref<!tpu.dma_semaphore, #tpu.memory_space<semaphore_mem>>)
      %jit3A_42 = arith.constant 2 : i32
      %div3A_43 = arith.divsi %select_n3A, %jit3A_42 : i32
      %sign3A_44 = arith.constant 0 : i32
      %sign3A_45 = arith.cmpi sgt, %select_n3A, %sign3A_44 : i32
      %sign3A_46 = arith.extui %sign3A_45 : i1 to i32
      %sign3A_47 = arith.constant 0 : i32
      %sign3A_48 = arith.cmpi slt, %select_n3A, %sign3A_47 : i32
      %sign3A_49 = arith.extui %sign3A_48 : i1 to i32
      %sign3A_50 = arith.subi %sign3A_46, %sign3A_49 : i32
      %sign3A_51 = arith.constant 0 : i32
      %sign3A_52 = arith.cmpi sgt, %jit3A_42, %sign3A_51 : i32
      %sign3A_53 = arith.extui %sign3A_52 : i1 to i32
      %sign3A_54 = arith.constant 0 : i32
      %sign3A_55 = arith.cmpi slt, %jit3A_42, %sign3A_54 : i32
      %sign3A_56 = arith.extui %sign3A_55 : i1 to i32
      %sign3A_57 = arith.subi %sign3A_53, %sign3A_56 : i32
      %ne3A_58 = arith.cmpi ne, %sign3A_50, %sign3A_57 : i32
      %rem3A_59 = arith.remsi %select_n3A, %jit3A_42 : i32
      %ne3A_60 = arith.constant 0 : i32
      %ne3A_61 = arith.cmpi ne, %rem3A_59, %ne3A_60 : i32
      %and3A_62 = arith.andi %ne3A_58, %ne3A_61 : i1
      %sub3A_63 = arith.constant 1 : i32
      %sub3A_64 = arith.subi %div3A_43, %sub3A_63 : i32
      %select_n3A_65 = arith.select %and3A_62, %sub3A_64, %div3A_43 : i32
      %while3A = arith.constant 0 : i32
      %while3A_66 = arith.constant 0 : i32
      %while3A_67 = arith.subi %select_n3A_65, %while3A_66 : i32
      %while3A_68 = arith.addi %while3A_66, %while3A_67 : i32
      %while3A_69 = arith.constant 1 : i32
      %while3A_70 = arith.divsi %while3A_67, %while3A_69 : i32
      %while3A_71 = arith.muli %while3A_70, %while3A_69 : i32
      %while3A_72 = arith.addi %while3A_66, %while3A_71 : i32
      %while3A_73 = arith.constant 1 : i32
      scf.for %while3A_85 = %while3A_66 to %while3A_72 step %while3A_73  : i32 {
        %mul3A_86 = arith.constant 2 : i32
        %mul3A_87 = arith.muli %mul3A_86, %while3A_85 : i32
        %add3A_88 = arith.constant 0 : i32
        %add3A_89 = arith.addi %mul3A_87, %add3A_88 : i32
        %add3A_90 = arith.constant 1 : i32
        %add3A_91 = arith.addi %add3A_89, %add3A_90 : i32
        %lt3A_92 = arith.cmpi slt, %add3A_91, %select_n3A : i32
        %convert_element_type3A_93 = arith.extui %lt3A_92 : i1 to i32
        %cond3A_94 = arith.constant 0 : i32
        %cond3A_95 = arith.cmpi ne, %convert_element_type3A_93, %cond3A_94 : i32
        scf.if %cond3A_95 {
          %mul3A_138 = arith.constant 32 : i32
          %mul3A_139 = arith.muli %add3A_91, %mul3A_138 : i32
          %dma_start3A_140 = arith.constant 1 : i32
          %dma_start3A_141 = arith.constant 0 : i32
          %dma_start3A_142 = arith.constant 0 : i32
          %dma_start3A_143 = tpu.memref_slice %arg7[%dma_start3A_140, %dma_start3A_141, %dma_start3A_142] : memref<2x32x512xf32, #tpu.memory_space<vmem>> -> memref<1x32x512xf32, #tpu.memory_space<vmem>>
          %dma_start3A_144 = tpu.memref_squeeze %dma_start3A_143 : memref<1x32x512xf32, #tpu.memory_space<vmem>> -> memref<32x512xf32, #tpu.memory_space<vmem>>
          %dma_start3A_145 = tpu.memref_slice %arg6[%mul3A_139] : memref<2048xi32, #tpu.memory_space<vmem>> -> memref<32xi32, #tpu.memory_space<vmem>>
          %dma_start3A_146 = arith.constant 0 : i32
          %dma_start3A_147 = arith.constant 0 : i32
          %dma_start3A_148 = tpu.memref_slice %arg2[%dma_start3A_146, %dma_start3A_147] : memref<17408x512xf32, #tpu.memory_space<hbm>> -> memref<17408x512xf32, #tpu.memory_space<hbm>>
          tpu.enqueue_indirect_dma source(%dma_start3A_148 : memref<17408x512xf32, #tpu.memory_space<hbm>>) target(%dma_start3A_144 : memref<32x512xf32, #tpu.memory_space<vmem>>) offsets(%dma_start3A_145 : memref<32xi32, #tpu.memory_space<vmem>>) semaphore(%arg12 : memref<!tpu.dma_semaphore, #tpu.memory_space<semaphore_mem>>)
        } else {
        }
        %mul3A_96 = arith.constant 32 : i32
        %mul3A_97 = arith.muli %add3A_89, %mul3A_96 : i32
        %dma_wait3A = arith.constant 0 : i32
        %dma_wait3A_98 = arith.constant 0 : i32
        %dma_wait3A_99 = arith.constant 0 : i32
        %dma_wait3A_100 = tpu.memref_slice %arg7[%dma_wait3A, %dma_wait3A_98, %dma_wait3A_99] : memref<2x32x512xf32, #tpu.memory_space<vmem>> -> memref<1x32x512xf32, #tpu.memory_space<vmem>>
        %dma_wait3A_101 = tpu.memref_squeeze %dma_wait3A_100 : memref<1x32x512xf32, #tpu.memory_space<vmem>> -> memref<32x512xf32, #tpu.memory_space<vmem>>
        %dma_wait3A_102 = tpu.memref_slice %arg6[%mul3A_97] : memref<2048xi32, #tpu.memory_space<vmem>> -> memref<32xi32, #tpu.memory_space<vmem>>
        %dma_wait3A_103 = arith.constant 0 : i32
        %dma_wait3A_104 = arith.constant 0 : i32
        %dma_wait3A_105 = tpu.memref_slice %arg2[%dma_wait3A_103, %dma_wait3A_104] : memref<17408x512xf32, #tpu.memory_space<hbm>> -> memref<17408x512xf32, #tpu.memory_space<hbm>>
        tpu.wait_indirect_dma semaphore(%arg11 : memref<!tpu.dma_semaphore, #tpu.memory_space<semaphore_mem>>) src(%dma_wait3A_105 : memref<17408x512xf32, #tpu.memory_space<hbm>>) dst(%dma_wait3A_101 : memref<32x512xf32, #tpu.memory_space<vmem>>)
        %scan3A = arith.constant 0 : i32
        %scan3A_106 = arith.constant 0 : i32
        %scan3A_107 = arith.constant 32 : i32
        %scan3A_108 = arith.addi %scan3A_106, %scan3A_107 : i32
        %scan3A_109 = arith.constant 1 : i32
        scf.for %scan3A_138 = %scan3A_106 to %scan3A_108 step %scan3A_109  : i32 {
          %get3A_139 = arith.constant 0 : index
          %get3A_140 = tpu.vector_load %arg8[%get3A_139] {strides = array<i32>} : memref<32xf32, #tpu.memory_space<vmem>>, vector<16xf32>,
          %get3A_141 = arith.constant 16 : index
          %get3A_142 = tpu.vector_load %arg8[%get3A_141] {strides = array<i32>} : memref<32xf32, #tpu.memory_space<vmem>>, vector<16xf32>,
          %broadcast_in_dim3A_143 = arith.constant 0.000000e+00 : f32
          %broadcast_in_dim3A_144 = vector.broadcast %broadcast_in_dim3A_143 : f32 to vector<16xf32>
          %broadcast_in_dim3A_145 = arith.constant 0.000000e+00 : f32
          %broadcast_in_dim3A_146 = vector.broadcast %broadcast_in_dim3A_145 : f32 to vector<16xf32>
          %broadcast_in_dim3A_147 = arith.constant 0.000000e+00 : f32
          %broadcast_in_dim3A_148 = vector.broadcast %broadcast_in_dim3A_147 : f32 to vector<16xf32>
          %broadcast_in_dim3A_149 = arith.constant 0.000000e+00 : f32
          %broadcast_in_dim3A_150 = vector.broadcast %broadcast_in_dim3A_149 : f32 to vector<16xf32>
          %broadcast_in_dim3A_151 = arith.constant 0.000000e+00 : f32
          %broadcast_in_dim3A_152 = vector.broadcast %broadcast_in_dim3A_151 : f32 to vector<16xf32>
          %broadcast_in_dim3A_153 = arith.constant 0.000000e+00 : f32
          %broadcast_in_dim3A_154 = vector.broadcast %broadcast_in_dim3A_153 : f32 to vector<16xf32>
          %broadcast_in_dim3A_155 = arith.constant 0.000000e+00 : f32
          %broadcast_in_dim3A_156 = vector.broadcast %broadcast_in_dim3A_155 : f32 to vector<16xf32>
          %broadcast_in_dim3A_157 = arith.constant 0.000000e+00 : f32
          %broadcast_in_dim3A_158 = vector.broadcast %broadcast_in_dim3A_157 : f32 to vector<16xf32>
          %broadcast_in_dim3A_159 = arith.constant 0 : i32
          %broadcast_in_dim3A_160 = vector.broadcast %broadcast_in_dim3A_159 : i32 to vector<16xi32>
          %reshape3A = vector.shape_cast %broadcast_in_dim3A_160 : vector<16xi32> to vector<16x1xi32>
          %gather3A = vector.shape_cast %reshape3A : vector<16x1xi32> to vector<16xi32>
          %gather3A_161 = tpu.dynamic_gather %get3A_140[%gather3A] in [0] : vector<16xf32>, vector<16xi32> -> vector<16xf32>
          %get3A_162 = arith.constant 0 : i32
          %get3A_163 = arith.index_cast %get3A_162 : i32 to index
          %get3A_164 = arith.index_cast %scan3A_138 : i32 to index
          %get3A_165 = arith.constant 0 : index
          %get3A_166 = tpu.vector_load %arg7[%get3A_163, %get3A_164, %get3A_165] {strides = array<i32>} : memref<2x32x512xf32, #tpu.memory_space<vmem>>, vector<16xf32>,
          %bitcast3A = vector.bitcast %get3A_166 : vector<16xf32> to vector<32xbf16>
          %unpack3A = tpu.unpack_subelements %bitcast3A, 0 {pack_format = #tpu.pack_format<interleaved>} : vector<32xbf16> -> vector<16xf32>
          %unpack3A_167 = tpu.unpack_subelements %bitcast3A, 1 {pack_format = #tpu.pack_format<interleaved>} : vector<32xbf16> -> vector<16xf32>
          %mul3A_168 = arith.mulf %unpack3A, %gather3A_161 : vector<16xf32>
          %add3A_169 = arith.addf %broadcast_in_dim3A_144, %mul3A_168 : vector<16xf32>
          %mul3A_170 = arith.mulf %unpack3A_167, %gather3A_161 : vector<16xf32>
          %add3A_171 = arith.addf %broadcast_in_dim3A_152, %mul3A_170 : vector<16xf32>
          %broadcast_in_dim3A_172 = arith.constant 1 : i32
          %broadcast_in_dim3A_173 = vector.broadcast %broadcast_in_dim3A_172 : i32 to vector<16xi32>
          %reshape3A_174 = vector.shape_cast %broadcast_in_dim3A_173 : vector<16xi32> to vector<16x1xi32>
          %gather3A_175 = vector.shape_cast %reshape3A_174 : vector<16x1xi32> to vector<16xi32>
          %gather3A_176 = tpu.dynamic_gather %get3A_140[%gather3A_175] in [0] : vector<16xf32>, vector<16xi32> -> vector<16xf32>
          %get3A_177 = arith.constant 0 : i32
          %get3A_178 = arith.index_cast %get3A_177 : i32 to index
          %get3A_179 = arith.index_cast %scan3A_138 : i32 to index
          %get3A_180 = arith.constant 16 : index
          %get3A_181 = tpu.vector_load %arg7[%get3A_178, %get3A_179, %get3A_180] {strides = array<i32>} : memref<2x32x512xf32, #tpu.memory_space<vmem>>, vector<16xf32>,
          %bitcast3A_182 = vector.bitcast %get3A_181 : vector<16xf32> to vector<32xbf16>
          %unpack3A_183 = tpu.unpack_subelements %bitcast3A_182, 0 {pack_format = #tpu.pack_format<interleaved>} : vector<32xbf16> -> vector<16xf32>
          %unpack3A_184 = tpu.unpack_subelements %bitcast3A_182, 1 {pack_format = #tpu.pack_format<interleaved>} : vector<32xbf16> -> vector<16xf32>
          %mul3A_185 = arith.mulf %unpack3A_183, %gather3A_176 : vector<16xf32>
          %add3A_186 = arith.addf %broadcast_in_dim3A_146, %mul3A_185 : vector<16xf32>
          %mul3A_187 = arith.mulf %unpack3A_184, %gather3A_176 : vector<16xf32>
          %add3A_188 = arith.addf %broadcast_in_dim3A_154, %mul3A_187 : vector<16xf32>
          %broadcast_in_dim3A_189 = arith.constant 2 : i32
          %broadcast_in_dim3A_190 = vector.broadcast %broadcast_in_dim3A_189 : i32 to vector<16xi32>
          %reshape3A_191 = vector.shape_cast %broadcast_in_dim3A_190 : vector<16xi32> to vector<16x1xi32>
          %gather3A_192 = vector.shape_cast %reshape3A_191 : vector<16x1xi32> to vector<16xi32>
          %gather3A_193 = tpu.dynamic_gather %get3A_140[%gather3A_192] in [0] : vector<16xf32>, vector<16xi32> -> vector<16xf32>
          %get3A_194 = arith.constant 0 : i32
          %get3A_195 = arith.index_cast %get3A_194 : i32 to index
          %get3A_196 = arith.index_cast %scan3A_138 : i32 to index
          %get3A_197 = arith.constant 32 : index
          %get3A_198 = tpu.vector_load %arg7[%get3A_195, %get3A_196, %get3A_197] {strides = array<i32>} : memref<2x32x512xf32, #tpu.memory_space<vmem>>, vector<16xf32>,
          %bitcast3A_199 = vector.bitcast %get3A_198 : vector<16xf32> to vector<32xbf16>
          %unpack3A_200 = tpu.unpack_subelements %bitcast3A_199, 0 {pack_format = #tpu.pack_format<interleaved>} : vector<32xbf16> -> vector<16xf32>
          %unpack3A_201 = tpu.unpack_subelements %bitcast3A_199, 1 {pack_format = #tpu.pack_format<interleaved>} : vector<32xbf16> -> vector<16xf32>
          %mul3A_202 = arith.mulf %unpack3A_200, %gather3A_193 : vector<16xf32>
          %add3A_203 = arith.addf %broadcast_in_dim3A_148, %mul3A_202 : vector<16xf32>
          %mul3A_204 = arith.mulf %unpack3A_201, %gather3A_193 : vector<16xf32>
          %add3A_205 = arith.addf %broadcast_in_dim3A_156, %mul3A_204 : vector<16xf32>
          %broadcast_in_dim3A_206 = arith.constant 3 : i32
          %broadcast_in_dim3A_207 = vector.broadcast %broadcast_in_dim3A_206 : i32 to vector<16xi32>
          %reshape3A_208 = vector.shape_cast %broadcast_in_dim3A_207 : vector<16xi32> to vector<16x1xi32>
          %gather3A_209 = vector.shape_cast %reshape3A_208 : vector<16x1xi32> to vector<16xi32>
          %gather3A_210 = tpu.dynamic_gather %get3A_140[%gather3A_209] in [0] : vector<16xf32>, vector<16xi32> -> vector<16xf32>
          %get3A_211 = arith.constant 0 : i32
          %get3A_212 = arith.index_cast %get3A_211 : i32 to index
          %get3A_213 = arith.index_cast %scan3A_138 : i32 to index
          %get3A_214 = arith.constant 48 : index
          %get3A_215 = tpu.vector_load %arg7[%get3A_212, %get3A_213, %get3A_214] {strides = array<i32>} : memref<2x32x512xf32, #tpu.memory_space<vmem>>, vector<16xf32>,
          %bitcast3A_216 = vector.bitcast %get3A_215 : vector<16xf32> to vector<32xbf16>
          %unpack3A_217 = tpu.unpack_subelements %bitcast3A_216, 0 {pack_format = #tpu.pack_format<interleaved>} : vector<32xbf16> -> vector<16xf32>
          %unpack3A_218 = tpu.unpack_subelements %bitcast3A_216, 1 {pack_format = #tpu.pack_format<interleaved>} : vector<32xbf16> -> vector<16xf32>
          %mul3A_219 = arith.mulf %unpack3A_217, %gather3A_210 : vector<16xf32>
          %add3A_220 = arith.addf %broadcast_in_dim3A_150, %mul3A_219 : vector<16xf32>
          %mul3A_221 = arith.mulf %unpack3A_218, %gather3A_210 : vector<16xf32>
          %add3A_222 = arith.addf %broadcast_in_dim3A_158, %mul3A_221 : vector<16xf32>
          %broadcast_in_dim3A_223 = arith.constant 4 : i32
          %broadcast_in_dim3A_224 = vector.broadcast %broadcast_in_dim3A_223 : i32 to vector<16xi32>
          %reshape3A_225 = vector.shape_cast %broadcast_in_dim3A_224 : vector<16xi32> to vector<16x1xi32>
          %gather3A_226 = vector.shape_cast %reshape3A_225 : vector<16x1xi32> to vector<16xi32>
          %gather3A_227 = tpu.dynamic_gather %get3A_140[%gather3A_226] in [0] : vector<16xf32>, vector<16xi32> -> vector<16xf32>
          %get3A_228 = arith.constant 0 : i32
          %get3A_229 = arith.index_cast %get3A_228 : i32 to index
          %get3A_230 = arith.index_cast %scan3A_138 : i32 to index
          %get3A_231 = arith.constant 64 : index
          %get3A_232 = tpu.vector_load %arg7[%get3A_229, %get3A_230, %get3A_231] {strides = array<i32>} : memref<2x32x512xf32, #tpu.memory_space<vmem>>, vector<16xf32>,
          %bitcast3A_233 = vector.bitcast %get3A_232 : vector<16xf32> to vector<32xbf16>
          %unpack3A_234 = tpu.unpack_subelements %bitcast3A_233, 0 {pack_format = #tpu.pack_format<interleaved>} : vector<32xbf16> -> vector<16xf32>
          %unpack3A_235 = tpu.unpack_subelements %bitcast3A_233, 1 {pack_format = #tpu.pack_format<interleaved>} : vector<32xbf16> -> vector<16xf32>
          %mul3A_236 = arith.mulf %unpack3A_234, %gather3A_227 : vector<16xf32>
          %add3A_237 = arith.addf %add3A_169, %mul3A_236 : vector<16xf32>
          %mul3A_238 = arith.mulf %unpack3A_235, %gather3A_227 : vector<16xf32>
          %add3A_239 = arith.addf %add3A_171, %mul3A_238 : vector<16xf32>
          %broadcast_in_dim3A_240 = arith.constant 5 : i32
          %broadcast_in_dim3A_241 = vector.broadcast %broadcast_in_dim3A_240 : i32 to vector<16xi32>
          %reshape3A_242 = vector.shape_cast %broadcast_in_dim3A_241 : vector<16xi32> to vector<16x1xi32>
          %gather3A_243 = vector.shape_cast %reshape3A_242 : vector<16x1xi32> to vector<16xi32>
          %gather3A_244 = tpu.dynamic_gather %get3A_140[%gather3A_243] in [0] : vector<16xf32>, vector<16xi32> -> vector<16xf32>
          %get3A_245 = arith.constant 0 : i32
          %get3A_246 = arith.index_cast %get3A_245 : i32 to index
          %get3A_247 = arith.index_cast %scan3A_138 : i32 to index
          %get3A_248 = arith.constant 80 : index
          %get3A_249 = tpu.vector_load %arg7[%get3A_246, %get3A_247, %get3A_248] {strides = array<i32>} : memref<2x32x512xf32, #tpu.memory_space<vmem>>, vector<16xf32>,
          %bitcast3A_250 = vector.bitcast %get3A_249 : vector<16xf32> to vector<32xbf16>
          %unpack3A_251 = tpu.unpack_subelements %bitcast3A_250, 0 {pack_format = #tpu.pack_format<interleaved>} : vector<32xbf16> -> vector<16xf32>
          %unpack3A_252 = tpu.unpack_subelements %bitcast3A_250, 1 {pack_format = #tpu.pack_format<interleaved>} : vector<32xbf16> -> vector<16xf32>
          %mul3A_253 = arith.mulf %unpack3A_251, %gather3A_244 : vector<16xf32>
          %add3A_254 = arith.addf %add3A_186, %mul3A_253 : vector<16xf32>
          %mul3A_255 = arith.mulf %unpack3A_252, %gather3A_244 : vector<16xf32>
          %add3A_256 = arith.addf %add3A_188, %mul3A_255 : vector<16xf32>
          %broadcast_in_dim3A_257 = arith.constant 6 : i32
          %broadcast_in_dim3A_258 = vector.broadcast %broadcast_in_dim3A_257 : i32 to vector<16xi32>
          %reshape3A_259 = vector.shape_cast %broadcast_in_dim3A_258 : vector<16xi32> to vector<16x1xi32>
          %gather3A_260 = vector.shape_cast %reshape3A_259 : vector<16x1xi32> to vector<16xi32>
          %gather3A_261 = tpu.dynamic_gather %get3A_140[%gather3A_260] in [0] : vector<16xf32>, vector<16xi32> -> vector<16xf32>
          %get3A_262 = arith.constant 0 : i32
          %get3A_263 = arith.index_cast %get3A_262 : i32 to index
          %get3A_264 = arith.index_cast %scan3A_138 : i32 to index
          %get3A_265 = arith.constant 96 : index
          %get3A_266 = tpu.vector_load %arg7[%get3A_263, %get3A_264, %get3A_265] {strides = array<i32>} : memref<2x32x512xf32, #tpu.memory_space<vmem>>, vector<16xf32>,
          %bitcast3A_267 = vector.bitcast %get3A_266 : vector<16xf32> to vector<32xbf16>
          %unpack3A_268 = tpu.unpack_subelements %bitcast3A_267, 0 {pack_format = #tpu.pack_format<interleaved>} : vector<32xbf16> -> vector<16xf32>
          %unpack3A_269 = tpu.unpack_subelements %bitcast3A_267, 1 {pack_format = #tpu.pack_format<interleaved>} : vector<32xbf16> -> vector<16xf32>
          %mul3A_270 = arith.mulf %unpack3A_268, %gather3A_261 : vector<16xf32>
          %add3A_271 = arith.addf %add3A_203, %mul3A_270 : vector<16xf32>
          %mul3A_272 = arith.mulf %unpack3A_269, %gather3A_261 : vector<16xf32>
          %add3A_273 = arith.addf %add3A_205, %mul3A_272 : vector<16xf32>
          %broadcast_in_dim3A_274 = arith.constant 7 : i32
          %broadcast_in_dim3A_275 = vector.broadcast %broadcast_in_dim3A_274 : i32 to vector<16xi32>
          %reshape3A_276 = vector.shape_cast %broadcast_in_dim3A_275 : vector<16xi32> to vector<16x1xi32>
          %gather3A_277 = vector.shape_cast %reshape3A_276 : vector<16x1xi32> to vector<16xi32>
          %gather3A_278 = tpu.dynamic_gather %get3A_140[%gather3A_277] in [0] : vector<16xf32>, vector<16xi32> -> vector<16xf32>
          %get3A_279 = arith.constant 0 : i32
          %get3A_280 = arith.index_cast %get3A_279 : i32 to index
          %get3A_281 = arith.index_cast %scan3A_138 : i32 to index
          %get3A_282 = arith.constant 112 : index
          %get3A_283 = tpu.vector_load %arg7[%get3A_280, %get3A_281, %get3A_282] {strides = array<i32>} : memref<2x32x512xf32, #tpu.memory_space<vmem>>, vector<16xf32>,
          %bitcast3A_284 = vector.bitcast %get3A_283 : vector<16xf32> to vector<32xbf16>
          %unpack3A_285 = tpu.unpack_subelements %bitcast3A_284, 0 {pack_format = #tpu.pack_format<interleaved>} : vector<32xbf16> -> vector<16xf32>
          %unpack3A_286 = tpu.unpack_subelements %bitcast3A_284, 1 {pack_format = #tpu.pack_format<interleaved>} : vector<32xbf16> -> vector<16xf32>
          %mul3A_287 = arith.mulf %unpack3A_285, %gather3A_278 : vector<16xf32>
          %add3A_288 = arith.addf %add3A_220, %mul3A_287 : vector<16xf32>
          %mul3A_289 = arith.mulf %unpack3A_286, %gather3A_278 : vector<16xf32>
          %add3A_290 = arith.addf %add3A_222, %mul3A_289 : vector<16xf32>
          %broadcast_in_dim3A_291 = arith.constant 8 : i32
          %broadcast_in_dim3A_292 = vector.broadcast %broadcast_in_dim3A_291 : i32 to vector<16xi32>
          %reshape3A_293 = vector.shape_cast %broadcast_in_dim3A_292 : vector<16xi32> to vector<16x1xi32>
          %gather3A_294 = vector.shape_cast %reshape3A_293 : vector<16x1xi32> to vector<16xi32>
          %gather3A_295 = tpu.dynamic_gather %get3A_140[%gather3A_294] in [0] : vector<16xf32>, vector<16xi32> -> vector<16xf32>
          %get3A_296 = arith.constant 0 : i32
          %get3A_297 = arith.index_cast %get3A_296 : i32 to index
          %get3A_298 = arith.index_cast %scan3A_138 : i32 to index
          %get3A_299 = arith.constant 128 : index
          %get3A_300 = tpu.vector_load %arg7[%get3A_297, %get3A_298, %get3A_299] {strides = array<i32>} : memref<2x32x512xf32, #tpu.memory_space<vmem>>, vector<16xf32>,
          %bitcast3A_301 = vector.bitcast %get3A_300 : vector<16xf32> to vector<32xbf16>
          %unpack3A_302 = tpu.unpack_subelements %bitcast3A_301, 0 {pack_format = #tpu.pack_format<interleaved>} : vector<32xbf16> -> vector<16xf32>
          %unpack3A_303 = tpu.unpack_subelements %bitcast3A_301, 1 {pack_format = #tpu.pack_format<interleaved>} : vector<32xbf16> -> vector<16xf32>
          %mul3A_304 = arith.mulf %unpack3A_302, %gather3A_295 : vector<16xf32>
          %add3A_305 = arith.addf %add3A_237, %mul3A_304 : vector<16xf32>
          %mul3A_306 = arith.mulf %unpack3A_303, %gather3A_295 : vector<16xf32>
          %add3A_307 = arith.addf %add3A_239, %mul3A_306 : vector<16xf32>
          %broadcast_in_dim3A_308 = arith.constant 9 : i32
          %broadcast_in_dim3A_309 = vector.broadcast %broadcast_in_dim3A_308 : i32 to vector<16xi32>
          %reshape3A_310 = vector.shape_cast %broadcast_in_dim3A_309 : vector<16xi32> to vector<16x1xi32>
          %gather3A_311 = vector.shape_cast %reshape3A_310 : vector<16x1xi32> to vector<16xi32>
          %gather3A_312 = tpu.dynamic_gather %get3A_140[%gather3A_311] in [0] : vector<16xf32>, vector<16xi32> -> vector<16xf32>
          %get3A_313 = arith.constant 0 : i32
          %get3A_314 = arith.index_cast %get3A_313 : i32 to index
          %get3A_315 = arith.index_cast %scan3A_138 : i32 to index
          %get3A_316 = arith.constant 144 : index
          %get3A_317 = tpu.vector_load %arg7[%get3A_314, %get3A_315, %get3A_316] {strides = array<i32>} : memref<2x32x512xf32, #tpu.memory_space<vmem>>, vector<16xf32>,
          %bitcast3A_318 = vector.bitcast %get3A_317 : vector<16xf32> to vector<32xbf16>
          %unpack3A_319 = tpu.unpack_subelements %bitcast3A_318, 0 {pack_format = #tpu.pack_format<interleaved>} : vector<32xbf16> -> vector<16xf32>
          %unpack3A_320 = tpu.unpack_subelements %bitcast3A_318, 1 {pack_format = #tpu.pack_format<interleaved>} : vector<32xbf16> -> vector<16xf32>
          %mul3A_321 = arith.mulf %unpack3A_319, %gather3A_312 : vector<16xf32>
          %add3A_322 = arith.addf %add3A_254, %mul3A_321 : vector<16xf32>
          %mul3A_323 = arith.mulf %unpack3A_320, %gather3A_312 : vector<16xf32>
          %add3A_324 = arith.addf %add3A_256, %mul3A_323 : vector<16xf32>
          %broadcast_in_dim3A_325 = arith.constant 10 : i32
          %broadcast_in_dim3A_326 = vector.broadcast %broadcast_in_dim3A_325 : i32 to vector<16xi32>
          %reshape3A_327 = vector.shape_cast %broadcast_in_dim3A_326 : vector<16xi32> to vector<16x1xi32>
          %gather3A_328 = vector.shape_cast %reshape3A_327 : vector<16x1xi32> to vector<16xi32>
          %gather3A_329 = tpu.dynamic_gather %get3A_140[%gather3A_328] in [0] : vector<16xf32>, vector<16xi32> -> vector<16xf32>
          %get3A_330 = arith.constant 0 : i32
          %get3A_331 = arith.index_cast %get3A_330 : i32 to index
          %get3A_332 = arith.index_cast %scan3A_138 : i32 to index
          %get3A_333 = arith.constant 160 : index
          %get3A_334 = tpu.vector_load %arg7[%get3A_331, %get3A_332, %get3A_333] {strides = array<i32>} : memref<2x32x512xf32, #tpu.memory_space<vmem>>, vector<16xf32>,
          %bitcast3A_335 = vector.bitcast %get3A_334 : vector<16xf32> to vector<32xbf16>
          %unpack3A_336 = tpu.unpack_subelements %bitcast3A_335, 0 {pack_format = #tpu.pack_format<interleaved>} : vector<32xbf16> -> vector<16xf32>
          %unpack3A_337 = tpu.unpack_subelements %bitcast3A_335, 1 {pack_format = #tpu.pack_format<interleaved>} : vector<32xbf16> -> vector<16xf32>
          %mul3A_338 = arith.mulf %unpack3A_336, %gather3A_329 : vector<16xf32>
          %add3A_339 = arith.addf %add3A_271, %mul3A_338 : vector<16xf32>
          %mul3A_340 = arith.mulf %unpack3A_337, %gather3A_329 : vector<16xf32>
          %add3A_341 = arith.addf %add3A_273, %mul3A_340 : vector<16xf32>
          %broadcast_in_dim3A_342 = arith.constant 11 : i32
          %broadcast_in_dim3A_343 = vector.broadcast %broadcast_in_dim3A_342 : i32 to vector<16xi32>
          %reshape3A_344 = vector.shape_cast %broadcast_in_dim3A_343 : vector<16xi32> to vector<16x1xi32>
          %gather3A_345 = vector.shape_cast %reshape3A_344 : vector<16x1xi32> to vector<16xi32>
          %gather3A_346 = tpu.dynamic_gather %get3A_140[%gather3A_345] in [0] : vector<16xf32>, vector<16xi32> -> vector<16xf32>
          %get3A_347 = arith.constant 0 : i32
          %get3A_348 = arith.index_cast %get3A_347 : i32 to index
          %get3A_349 = arith.index_cast %scan3A_138 : i32 to index
          %get3A_350 = arith.constant 176 : index
          %get3A_351 = tpu.vector_load %arg7[%get3A_348, %get3A_349, %get3A_350] {strides = array<i32>} : memref<2x32x512xf32, #tpu.memory_space<vmem>>, vector<16xf32>,
          %bitcast3A_352 = vector.bitcast %get3A_351 : vector<16xf32> to vector<32xbf16>
          %unpack3A_353 = tpu.unpack_subelements %bitcast3A_352, 0 {pack_format = #tpu.pack_format<interleaved>} : vector<32xbf16> -> vector<16xf32>
          %unpack3A_354 = tpu.unpack_subelements %bitcast3A_352, 1 {pack_format = #tpu.pack_format<interleaved>} : vector<32xbf16> -> vector<16xf32>
          %mul3A_355 = arith.mulf %unpack3A_353, %gather3A_346 : vector<16xf32>
          %add3A_356 = arith.addf %add3A_288, %mul3A_355 : vector<16xf32>
          %mul3A_357 = arith.mulf %unpack3A_354, %gather3A_346 : vector<16xf32>
          %add3A_358 = arith.addf %add3A_290, %mul3A_357 : vector<16xf32>
          %broadcast_in_dim3A_359 = arith.constant 12 : i32
          %broadcast_in_dim3A_360 = vector.broadcast %broadcast_in_dim3A_359 : i32 to vector<16xi32>
          %reshape3A_361 = vector.shape_cast %broadcast_in_dim3A_360 : vector<16xi32> to vector<16x1xi32>
          %gather3A_362 = vector.shape_cast %reshape3A_361 : vector<16x1xi32> to vector<16xi32>
          %gather3A_363 = tpu.dynamic_gather %get3A_140[%gather3A_362] in [0] : vector<16xf32>, vector<16xi32> -> vector<16xf32>
          %get3A_364 = arith.constant 0 : i32
          %get3A_365 = arith.index_cast %get3A_364 : i32 to index
          %get3A_366 = arith.index_cast %scan3A_138 : i32 to index
          %get3A_367 = arith.constant 192 : index
          %get3A_368 = tpu.vector_load %arg7[%get3A_365, %get3A_366, %get3A_367] {strides = array<i32>} : memref<2x32x512xf32, #tpu.memory_space<vmem>>, vector<16xf32>,
          %bitcast3A_369 = vector.bitcast %get3A_368 : vector<16xf32> to vector<32xbf16>
          %unpack3A_370 = tpu.unpack_subelements %bitcast3A_369, 0 {pack_format = #tpu.pack_format<interleaved>} : vector<32xbf16> -> vector<16xf32>
          %unpack3A_371 = tpu.unpack_subelements %bitcast3A_369, 1 {pack_format = #tpu.pack_format<interleaved>} : vector<32xbf16> -> vector<16xf32>
          %mul3A_372 = arith.mulf %unpack3A_370, %gather3A_363 : vector<16xf32>
          %add3A_373 = arith.addf %add3A_305, %mul3A_372 : vector<16xf32>
          %mul3A_374 = arith.mulf %unpack3A_371, %gather3A_363 : vector<16xf32>
          %add3A_375 = arith.addf %add3A_307, %mul3A_374 : vector<16xf32>
          %broadcast_in_dim3A_376 = arith.constant 13 : i32
          %broadcast_in_dim3A_377 = vector.broadcast %broadcast_in_dim3A_376 : i32 to vector<16xi32>
          %reshape3A_378 = vector.shape_cast %broadcast_in_dim3A_377 : vector<16xi32> to vector<16x1xi32>
          %gather3A_379 = vector.shape_cast %reshape3A_378 : vector<16x1xi32> to vector<16xi32>
          %gather3A_380 = tpu.dynamic_gather %get3A_140[%gather3A_379] in [0] : vector<16xf32>, vector<16xi32> -> vector<16xf32>
          %get3A_381 = arith.constant 0 : i32
          %get3A_382 = arith.index_cast %get3A_381 : i32 to index
          %get3A_383 = arith.index_cast %scan3A_138 : i32 to index
          %get3A_384 = arith.constant 208 : index
          %get3A_385 = tpu.vector_load %arg7[%get3A_382, %get3A_383, %get3A_384] {strides = array<i32>} : memref<2x32x512xf32, #tpu.memory_space<vmem>>, vector<16xf32>,
          %bitcast3A_386 = vector.bitcast %get3A_385 : vector<16xf32> to vector<32xbf16>
          %unpack3A_387 = tpu.unpack_subelements %bitcast3A_386, 0 {pack_format = #tpu.pack_format<interleaved>} : vector<32xbf16> -> vector<16xf32>
          %unpack3A_388 = tpu.unpack_subelements %bitcast3A_386, 1 {pack_format = #tpu.pack_format<interleaved>} : vector<32xbf16> -> vector<16xf32>
          %mul3A_389 = arith.mulf %unpack3A_387, %gather3A_380 : vector<16xf32>
          %add3A_390 = arith.addf %add3A_322, %mul3A_389 : vector<16xf32>
          %mul3A_391 = arith.mulf %unpack3A_388, %gather3A_380 : vector<16xf32>
          %add3A_392 = arith.addf %add3A_324, %mul3A_391 : vector<16xf32>
          %broadcast_in_dim3A_393 = arith.constant 14 : i32
          %broadcast_in_dim3A_394 = vector.broadcast %broadcast_in_dim3A_393 : i32 to vector<16xi32>
          %reshape3A_395 = vector.shape_cast %broadcast_in_dim3A_394 : vector<16xi32> to vector<16x1xi32>
          %gather3A_396 = vector.shape_cast %reshape3A_395 : vector<16x1xi32> to vector<16xi32>
          %gather3A_397 = tpu.dynamic_gather %get3A_140[%gather3A_396] in [0] : vector<16xf32>, vector<16xi32> -> vector<16xf32>
          %get3A_398 = arith.constant 0 : i32
          %get3A_399 = arith.index_cast %get3A_398 : i32 to index
          %get3A_400 = arith.index_cast %scan3A_138 : i32 to index
          %get3A_401 = arith.constant 224 : index
          %get3A_402 = tpu.vector_load %arg7[%get3A_399, %get3A_400, %get3A_401] {strides = array<i32>} : memref<2x32x512xf32, #tpu.memory_space<vmem>>, vector<16xf32>,
          %bitcast3A_403 = vector.bitcast %get3A_402 : vector<16xf32> to vector<32xbf16>
          %unpack3A_404 = tpu.unpack_subelements %bitcast3A_403, 0 {pack_format = #tpu.pack_format<interleaved>} : vector<32xbf16> -> vector<16xf32>
          %unpack3A_405 = tpu.unpack_subelements %bitcast3A_403, 1 {pack_format = #tpu.pack_format<interleaved>} : vector<32xbf16> -> vector<16xf32>
          %mul3A_406 = arith.mulf %unpack3A_404, %gather3A_397 : vector<16xf32>
          %add3A_407 = arith.addf %add3A_339, %mul3A_406 : vector<16xf32>
          %mul3A_408 = arith.mulf %unpack3A_405, %gather3A_397 : vector<16xf32>
          %add3A_409 = arith.addf %add3A_341, %mul3A_408 : vector<16xf32>
          %broadcast_in_dim3A_410 = arith.constant 15 : i32
          %broadcast_in_dim3A_411 = vector.broadcast %broadcast_in_dim3A_410 : i32 to vector<16xi32>
          %reshape3A_412 = vector.shape_cast %broadcast_in_dim3A_411 : vector<16xi32> to vector<16x1xi32>
          %gather3A_413 = vector.shape_cast %reshape3A_412 : vector<16x1xi32> to vector<16xi32>
          %gather3A_414 = tpu.dynamic_gather %get3A_140[%gather3A_413] in [0] : vector<16xf32>, vector<16xi32> -> vector<16xf32>
          %get3A_415 = arith.constant 0 : i32
          %get3A_416 = arith.index_cast %get3A_415 : i32 to index
          %get3A_417 = arith.index_cast %scan3A_138 : i32 to index
          %get3A_418 = arith.constant 240 : index
          %get3A_419 = tpu.vector_load %arg7[%get3A_416, %get3A_417, %get3A_418] {strides = array<i32>} : memref<2x32x512xf32, #tpu.memory_space<vmem>>, vector<16xf32>,
          %bitcast3A_420 = vector.bitcast %get3A_419 : vector<16xf32> to vector<32xbf16>
          %unpack3A_421 = tpu.unpack_subelements %bitcast3A_420, 0 {pack_format = #tpu.pack_format<interleaved>} : vector<32xbf16> -> vector<16xf32>
          %unpack3A_422 = tpu.unpack_subelements %bitcast3A_420, 1 {pack_format = #tpu.pack_format<interleaved>} : vector<32xbf16> -> vector<16xf32>
          %mul3A_423 = arith.mulf %unpack3A_421, %gather3A_414 : vector<16xf32>
          %add3A_424 = arith.addf %add3A_356, %mul3A_423 : vector<16xf32>
          %mul3A_425 = arith.mulf %unpack3A_422, %gather3A_414 : vector<16xf32>
          %add3A_426 = arith.addf %add3A_358, %mul3A_425 : vector<16xf32>
          %broadcast_in_dim3A_427 = arith.constant 0 : i32
          %broadcast_in_dim3A_428 = vector.broadcast %broadcast_in_dim3A_427 : i32 to vector<16xi32>
          %reshape3A_429 = vector.shape_cast %broadcast_in_dim3A_428 : vector<16xi32> to vector<16x1xi32>
          %gather3A_430 = vector.shape_cast %reshape3A_429 : vector<16x1xi32> to vector<16xi32>
          %gather3A_431 = tpu.dynamic_gather %get3A_142[%gather3A_430] in [0] : vector<16xf32>, vector<16xi32> -> vector<16xf32>
          %get3A_432 = arith.constant 0 : i32
          %get3A_433 = arith.index_cast %get3A_432 : i32 to index
          %get3A_434 = arith.index_cast %scan3A_138 : i32 to index
          %get3A_435 = arith.constant 256 : index
          %get3A_436 = tpu.vector_load %arg7[%get3A_433, %get3A_434, %get3A_435] {strides = array<i32>} : memref<2x32x512xf32, #tpu.memory_space<vmem>>, vector<16xf32>,
          %bitcast3A_437 = vector.bitcast %get3A_436 : vector<16xf32> to vector<32xbf16>
          %unpack3A_438 = tpu.unpack_subelements %bitcast3A_437, 0 {pack_format = #tpu.pack_format<interleaved>} : vector<32xbf16> -> vector<16xf32>
          %unpack3A_439 = tpu.unpack_subelements %bitcast3A_437, 1 {pack_format = #tpu.pack_format<interleaved>} : vector<32xbf16> -> vector<16xf32>
          %mul3A_440 = arith.mulf %unpack3A_438, %gather3A_431 : vector<16xf32>
          %add3A_441 = arith.addf %add3A_373, %mul3A_440 : vector<16xf32>
          %mul3A_442 = arith.mulf %unpack3A_439, %gather3A_431 : vector<16xf32>
          %add3A_443 = arith.addf %add3A_375, %mul3A_442 : vector<16xf32>
          %broadcast_in_dim3A_444 = arith.constant 1 : i32
          %broadcast_in_dim3A_445 = vector.broadcast %broadcast_in_dim3A_444 : i32 to vector<16xi32>
          %reshape3A_446 = vector.shape_cast %broadcast_in_dim3A_445 : vector<16xi32> to vector<16x1xi32>
          %gather3A_447 = vector.shape_cast %reshape3A_446 : vector<16x1xi32> to vector<16xi32>
          %gather3A_448 = tpu.dynamic_gather %get3A_142[%gather3A_447] in [0] : vector<16xf32>, vector<16xi32> -> vector<16xf32>
          %get3A_449 = arith.constant 0 : i32
          %get3A_450 = arith.index_cast %get3A_449 : i32 to index
          %get3A_451 = arith.index_cast %scan3A_138 : i32 to index
          %get3A_452 = arith.constant 272 : index
          %get3A_453 = tpu.vector_load %arg7[%get3A_450, %get3A_451, %get3A_452] {strides = array<i32>} : memref<2x32x512xf32, #tpu.memory_space<vmem>>, vector<16xf32>,
          %bitcast3A_454 = vector.bitcast %get3A_453 : vector<16xf32> to vector<32xbf16>
          %unpack3A_455 = tpu.unpack_subelements %bitcast3A_454, 0 {pack_format = #tpu.pack_format<interleaved>} : vector<32xbf16> -> vector<16xf32>
          %unpack3A_456 = tpu.unpack_subelements %bitcast3A_454, 1 {pack_format = #tpu.pack_format<interleaved>} : vector<32xbf16> -> vector<16xf32>
          %mul3A_457 = arith.mulf %unpack3A_455, %gather3A_448 : vector<16xf32>
          %add3A_458 = arith.addf %add3A_390, %mul3A_457 : vector<16xf32>
          %mul3A_459 = arith.mulf %unpack3A_456, %gather3A_448 : vector<16xf32>
          %add3A_460 = arith.addf %add3A_392, %mul3A_459 : vector<16xf32>
          %broadcast_in_dim3A_461 = arith.constant 2 : i32
          %broadcast_in_dim3A_462 = vector.broadcast %broadcast_in_dim3A_461 : i32 to vector<16xi32>
          %reshape3A_463 = vector.shape_cast %broadcast_in_dim3A_462 : vector<16xi32> to vector<16x1xi32>
          %gather3A_464 = vector.shape_cast %reshape3A_463 : vector<16x1xi32> to vector<16xi32>
          %gather3A_465 = tpu.dynamic_gather %get3A_142[%gather3A_464] in [0] : vector<16xf32>, vector<16xi32> -> vector<16xf32>
          %get3A_466 = arith.constant 0 : i32
          %get3A_467 = arith.index_cast %get3A_466 : i32 to index
          %get3A_468 = arith.index_cast %scan3A_138 : i32 to index
          %get3A_469 = arith.constant 288 : index
          %get3A_470 = tpu.vector_load %arg7[%get3A_467, %get3A_468, %get3A_469] {strides = array<i32>} : memref<2x32x512xf32, #tpu.memory_space<vmem>>, vector<16xf32>,
          %bitcast3A_471 = vector.bitcast %get3A_470 : vector<16xf32> to vector<32xbf16>
          %unpack3A_472 = tpu.unpack_subelements %bitcast3A_471, 0 {pack_format = #tpu.pack_format<interleaved>} : vector<32xbf16> -> vector<16xf32>
          %unpack3A_473 = tpu.unpack_subelements %bitcast3A_471, 1 {pack_format = #tpu.pack_format<interleaved>} : vector<32xbf16> -> vector<16xf32>
          %mul3A_474 = arith.mulf %unpack3A_472, %gather3A_465 : vector<16xf32>
          %add3A_475 = arith.addf %add3A_407, %mul3A_474 : vector<16xf32>
          %mul3A_476 = arith.mulf %unpack3A_473, %gather3A_465 : vector<16xf32>
          %add3A_477 = arith.addf %add3A_409, %mul3A_476 : vector<16xf32>
          %broadcast_in_dim3A_478 = arith.constant 3 : i32
          %broadcast_in_dim3A_479 = vector.broadcast %broadcast_in_dim3A_478 : i32 to vector<16xi32>
          %reshape3A_480 = vector.shape_cast %broadcast_in_dim3A_479 : vector<16xi32> to vector<16x1xi32>
          %gather3A_481 = vector.shape_cast %reshape3A_480 : vector<16x1xi32> to vector<16xi32>
          %gather3A_482 = tpu.dynamic_gather %get3A_142[%gather3A_481] in [0] : vector<16xf32>, vector<16xi32> -> vector<16xf32>
          %get3A_483 = arith.constant 0 : i32
          %get3A_484 = arith.index_cast %get3A_483 : i32 to index
          %get3A_485 = arith.index_cast %scan3A_138 : i32 to index
          %get3A_486 = arith.constant 304 : index
          %get3A_487 = tpu.vector_load %arg7[%get3A_484, %get3A_485, %get3A_486] {strides = array<i32>} : memref<2x32x512xf32, #tpu.memory_space<vmem>>, vector<16xf32>,
          %bitcast3A_488 = vector.bitcast %get3A_487 : vector<16xf32> to vector<32xbf16>
          %unpack3A_489 = tpu.unpack_subelements %bitcast3A_488, 0 {pack_format = #tpu.pack_format<interleaved>} : vector<32xbf16> -> vector<16xf32>
          %unpack3A_490 = tpu.unpack_subelements %bitcast3A_488, 1 {pack_format = #tpu.pack_format<interleaved>} : vector<32xbf16> -> vector<16xf32>
          %mul3A_491 = arith.mulf %unpack3A_489, %gather3A_482 : vector<16xf32>
          %add3A_492 = arith.addf %add3A_424, %mul3A_491 : vector<16xf32>
          %mul3A_493 = arith.mulf %unpack3A_490, %gather3A_482 : vector<16xf32>
          %add3A_494 = arith.addf %add3A_426, %mul3A_493 : vector<16xf32>
          %broadcast_in_dim3A_495 = arith.constant 4 : i32
          %broadcast_in_dim3A_496 = vector.broadcast %broadcast_in_dim3A_495 : i32 to vector<16xi32>
          %reshape3A_497 = vector.shape_cast %broadcast_in_dim3A_496 : vector<16xi32> to vector<16x1xi32>
          %gather3A_498 = vector.shape_cast %reshape3A_497 : vector<16x1xi32> to vector<16xi32>
          %gather3A_499 = tpu.dynamic_gather %get3A_142[%gather3A_498] in [0] : vector<16xf32>, vector<16xi32> -> vector<16xf32>
          %get3A_500 = arith.constant 0 : i32
          %get3A_501 = arith.index_cast %get3A_500 : i32 to index
          %get3A_502 = arith.index_cast %scan3A_138 : i32 to index
          %get3A_503 = arith.constant 320 : index
          %get3A_504 = tpu.vector_load %arg7[%get3A_501, %get3A_502, %get3A_503] {strides = array<i32>} : memref<2x32x512xf32, #tpu.memory_space<vmem>>, vector<16xf32>,
          %bitcast3A_505 = vector.bitcast %get3A_504 : vector<16xf32> to vector<32xbf16>
          %unpack3A_506 = tpu.unpack_subelements %bitcast3A_505, 0 {pack_format = #tpu.pack_format<interleaved>} : vector<32xbf16> -> vector<16xf32>
          %unpack3A_507 = tpu.unpack_subelements %bitcast3A_505, 1 {pack_format = #tpu.pack_format<interleaved>} : vector<32xbf16> -> vector<16xf32>
          %mul3A_508 = arith.mulf %unpack3A_506, %gather3A_499 : vector<16xf32>
          %add3A_509 = arith.addf %add3A_441, %mul3A_508 : vector<16xf32>
          %mul3A_510 = arith.mulf %unpack3A_507, %gather3A_499 : vector<16xf32>
          %add3A_511 = arith.addf %add3A_443, %mul3A_510 : vector<16xf32>
          %broadcast_in_dim3A_512 = arith.constant 5 : i32
          %broadcast_in_dim3A_513 = vector.broadcast %broadcast_in_dim3A_512 : i32 to vector<16xi32>
          %reshape3A_514 = vector.shape_cast %broadcast_in_dim3A_513 : vector<16xi32> to vector<16x1xi32>
          %gather3A_515 = vector.shape_cast %reshape3A_514 : vector<16x1xi32> to vector<16xi32>
          %gather3A_516 = tpu.dynamic_gather %get3A_142[%gather3A_515] in [0] : vector<16xf32>, vector<16xi32> -> vector<16xf32>
          %get3A_517 = arith.constant 0 : i32
          %get3A_518 = arith.index_cast %get3A_517 : i32 to index
          %get3A_519 = arith.index_cast %scan3A_138 : i32 to index
          %get3A_520 = arith.constant 336 : index
          %get3A_521 = tpu.vector_load %arg7[%get3A_518, %get3A_519, %get3A_520] {strides = array<i32>} : memref<2x32x512xf32, #tpu.memory_space<vmem>>, vector<16xf32>,
          %bitcast3A_522 = vector.bitcast %get3A_521 : vector<16xf32> to vector<32xbf16>
          %unpack3A_523 = tpu.unpack_subelements %bitcast3A_522, 0 {pack_format = #tpu.pack_format<interleaved>} : vector<32xbf16> -> vector<16xf32>
          %unpack3A_524 = tpu.unpack_subelements %bitcast3A_522, 1 {pack_format = #tpu.pack_format<interleaved>} : vector<32xbf16> -> vector<16xf32>
          %mul3A_525 = arith.mulf %unpack3A_523, %gather3A_516 : vector<16xf32>
          %add3A_526 = arith.addf %add3A_458, %mul3A_525 : vector<16xf32>
          %mul3A_527 = arith.mulf %unpack3A_524, %gather3A_516 : vector<16xf32>
          %add3A_528 = arith.addf %add3A_460, %mul3A_527 : vector<16xf32>
          %broadcast_in_dim3A_529 = arith.constant 6 : i32
          %broadcast_in_dim3A_530 = vector.broadcast %broadcast_in_dim3A_529 : i32 to vector<16xi32>
          %reshape3A_531 = vector.shape_cast %broadcast_in_dim3A_530 : vector<16xi32> to vector<16x1xi32>
          %gather3A_532 = vector.shape_cast %reshape3A_531 : vector<16x1xi32> to vector<16xi32>
          %gather3A_533 = tpu.dynamic_gather %get3A_142[%gather3A_532] in [0] : vector<16xf32>, vector<16xi32> -> vector<16xf32>
          %get3A_534 = arith.constant 0 : i32
          %get3A_535 = arith.index_cast %get3A_534 : i32 to index
          %get3A_536 = arith.index_cast %scan3A_138 : i32 to index
          %get3A_537 = arith.constant 352 : index
          %get3A_538 = tpu.vector_load %arg7[%get3A_535, %get3A_536, %get3A_537] {strides = array<i32>} : memref<2x32x512xf32, #tpu.memory_space<vmem>>, vector<16xf32>,
          %bitcast3A_539 = vector.bitcast %get3A_538 : vector<16xf32> to vector<32xbf16>
          %unpack3A_540 = tpu.unpack_subelements %bitcast3A_539, 0 {pack_format = #tpu.pack_format<interleaved>} : vector<32xbf16> -> vector<16xf32>
          %unpack3A_541 = tpu.unpack_subelements %bitcast3A_539, 1 {pack_format = #tpu.pack_format<interleaved>} : vector<32xbf16> -> vector<16xf32>
          %mul3A_542 = arith.mulf %unpack3A_540, %gather3A_533 : vector<16xf32>
          %add3A_543 = arith.addf %add3A_475, %mul3A_542 : vector<16xf32>
          %mul3A_544 = arith.mulf %unpack3A_541, %gather3A_533 : vector<16xf32>
          %add3A_545 = arith.addf %add3A_477, %mul3A_544 : vector<16xf32>
          %broadcast_in_dim3A_546 = arith.constant 7 : i32
          %broadcast_in_dim3A_547 = vector.broadcast %broadcast_in_dim3A_546 : i32 to vector<16xi32>
          %reshape3A_548 = vector.shape_cast %broadcast_in_dim3A_547 : vector<16xi32> to vector<16x1xi32>
          %gather3A_549 = vector.shape_cast %reshape3A_548 : vector<16x1xi32> to vector<16xi32>
          %gather3A_550 = tpu.dynamic_gather %get3A_142[%gather3A_549] in [0] : vector<16xf32>, vector<16xi32> -> vector<16xf32>
          %get3A_551 = arith.constant 0 : i32
          %get3A_552 = arith.index_cast %get3A_551 : i32 to index
          %get3A_553 = arith.index_cast %scan3A_138 : i32 to index
          %get3A_554 = arith.constant 368 : index
          %get3A_555 = tpu.vector_load %arg7[%get3A_552, %get3A_553, %get3A_554] {strides = array<i32>} : memref<2x32x512xf32, #tpu.memory_space<vmem>>, vector<16xf32>,
          %bitcast3A_556 = vector.bitcast %get3A_555 : vector<16xf32> to vector<32xbf16>
          %unpack3A_557 = tpu.unpack_subelements %bitcast3A_556, 0 {pack_format = #tpu.pack_format<interleaved>} : vector<32xbf16> -> vector<16xf32>
          %unpack3A_558 = tpu.unpack_subelements %bitcast3A_556, 1 {pack_format = #tpu.pack_format<interleaved>} : vector<32xbf16> -> vector<16xf32>
          %mul3A_559 = arith.mulf %unpack3A_557, %gather3A_550 : vector<16xf32>
          %add3A_560 = arith.addf %add3A_492, %mul3A_559 : vector<16xf32>
          %mul3A_561 = arith.mulf %unpack3A_558, %gather3A_550 : vector<16xf32>
          %add3A_562 = arith.addf %add3A_494, %mul3A_561 : vector<16xf32>
          %broadcast_in_dim3A_563 = arith.constant 8 : i32
          %broadcast_in_dim3A_564 = vector.broadcast %broadcast_in_dim3A_563 : i32 to vector<16xi32>
          %reshape3A_565 = vector.shape_cast %broadcast_in_dim3A_564 : vector<16xi32> to vector<16x1xi32>
          %gather3A_566 = vector.shape_cast %reshape3A_565 : vector<16x1xi32> to vector<16xi32>
          %gather3A_567 = tpu.dynamic_gather %get3A_142[%gather3A_566] in [0] : vector<16xf32>, vector<16xi32> -> vector<16xf32>
          %get3A_568 = arith.constant 0 : i32
          %get3A_569 = arith.index_cast %get3A_568 : i32 to index
          %get3A_570 = arith.index_cast %scan3A_138 : i32 to index
          %get3A_571 = arith.constant 384 : index
          %get3A_572 = tpu.vector_load %arg7[%get3A_569, %get3A_570, %get3A_571] {strides = array<i32>} : memref<2x32x512xf32, #tpu.memory_space<vmem>>, vector<16xf32>,
          %bitcast3A_573 = vector.bitcast %get3A_572 : vector<16xf32> to vector<32xbf16>
          %unpack3A_574 = tpu.unpack_subelements %bitcast3A_573, 0 {pack_format = #tpu.pack_format<interleaved>} : vector<32xbf16> -> vector<16xf32>
          %unpack3A_575 = tpu.unpack_subelements %bitcast3A_573, 1 {pack_format = #tpu.pack_format<interleaved>} : vector<32xbf16> -> vector<16xf32>
          %mul3A_576 = arith.mulf %unpack3A_574, %gather3A_567 : vector<16xf32>
          %add3A_577 = arith.addf %add3A_509, %mul3A_576 : vector<16xf32>
          %mul3A_578 = arith.mulf %unpack3A_575, %gather3A_567 : vector<16xf32>
          %add3A_579 = arith.addf %add3A_511, %mul3A_578 : vector<16xf32>
          %broadcast_in_dim3A_580 = arith.constant 9 : i32
          %broadcast_in_dim3A_581 = vector.broadcast %broadcast_in_dim3A_580 : i32 to vector<16xi32>
          %reshape3A_582 = vector.shape_cast %broadcast_in_dim3A_581 : vector<16xi32> to vector<16x1xi32>
          %gather3A_583 = vector.shape_cast %reshape3A_582 : vector<16x1xi32> to vector<16xi32>
          %gather3A_584 = tpu.dynamic_gather %get3A_142[%gather3A_583] in [0] : vector<16xf32>, vector<16xi32> -> vector<16xf32>
          %get3A_585 = arith.constant 0 : i32
          %get3A_586 = arith.index_cast %get3A_585 : i32 to index
          %get3A_587 = arith.index_cast %scan3A_138 : i32 to index
          %get3A_588 = arith.constant 400 : index
          %get3A_589 = tpu.vector_load %arg7[%get3A_586, %get3A_587, %get3A_588] {strides = array<i32>} : memref<2x32x512xf32, #tpu.memory_space<vmem>>, vector<16xf32>,
          %bitcast3A_590 = vector.bitcast %get3A_589 : vector<16xf32> to vector<32xbf16>
          %unpack3A_591 = tpu.unpack_subelements %bitcast3A_590, 0 {pack_format = #tpu.pack_format<interleaved>} : vector<32xbf16> -> vector<16xf32>
          %unpack3A_592 = tpu.unpack_subelements %bitcast3A_590, 1 {pack_format = #tpu.pack_format<interleaved>} : vector<32xbf16> -> vector<16xf32>
          %mul3A_593 = arith.mulf %unpack3A_591, %gather3A_584 : vector<16xf32>
          %add3A_594 = arith.addf %add3A_526, %mul3A_593 : vector<16xf32>
          %mul3A_595 = arith.mulf %unpack3A_592, %gather3A_584 : vector<16xf32>
          %add3A_596 = arith.addf %add3A_528, %mul3A_595 : vector<16xf32>
          %broadcast_in_dim3A_597 = arith.constant 10 : i32
          %broadcast_in_dim3A_598 = vector.broadcast %broadcast_in_dim3A_597 : i32 to vector<16xi32>
          %reshape3A_599 = vector.shape_cast %broadcast_in_dim3A_598 : vector<16xi32> to vector<16x1xi32>
          %gather3A_600 = vector.shape_cast %reshape3A_599 : vector<16x1xi32> to vector<16xi32>
          %gather3A_601 = tpu.dynamic_gather %get3A_142[%gather3A_600] in [0] : vector<16xf32>, vector<16xi32> -> vector<16xf32>
          %get3A_602 = arith.constant 0 : i32
          %get3A_603 = arith.index_cast %get3A_602 : i32 to index
          %get3A_604 = arith.index_cast %scan3A_138 : i32 to index
          %get3A_605 = arith.constant 416 : index
          %get3A_606 = tpu.vector_load %arg7[%get3A_603, %get3A_604, %get3A_605] {strides = array<i32>} : memref<2x32x512xf32, #tpu.memory_space<vmem>>, vector<16xf32>,
          %bitcast3A_607 = vector.bitcast %get3A_606 : vector<16xf32> to vector<32xbf16>
          %unpack3A_608 = tpu.unpack_subelements %bitcast3A_607, 0 {pack_format = #tpu.pack_format<interleaved>} : vector<32xbf16> -> vector<16xf32>
          %unpack3A_609 = tpu.unpack_subelements %bitcast3A_607, 1 {pack_format = #tpu.pack_format<interleaved>} : vector<32xbf16> -> vector<16xf32>
          %mul3A_610 = arith.mulf %unpack3A_608, %gather3A_601 : vector<16xf32>
          %add3A_611 = arith.addf %add3A_543, %mul3A_610 : vector<16xf32>
          %mul3A_612 = arith.mulf %unpack3A_609, %gather3A_601 : vector<16xf32>
          %add3A_613 = arith.addf %add3A_545, %mul3A_612 : vector<16xf32>
          %broadcast_in_dim3A_614 = arith.constant 11 : i32
          %broadcast_in_dim3A_615 = vector.broadcast %broadcast_in_dim3A_614 : i32 to vector<16xi32>
          %reshape3A_616 = vector.shape_cast %broadcast_in_dim3A_615 : vector<16xi32> to vector<16x1xi32>
          %gather3A_617 = vector.shape_cast %reshape3A_616 : vector<16x1xi32> to vector<16xi32>
          %gather3A_618 = tpu.dynamic_gather %get3A_142[%gather3A_617] in [0] : vector<16xf32>, vector<16xi32> -> vector<16xf32>
          %get3A_619 = arith.constant 0 : i32
          %get3A_620 = arith.index_cast %get3A_619 : i32 to index
          %get3A_621 = arith.index_cast %scan3A_138 : i32 to index
          %get3A_622 = arith.constant 432 : index
          %get3A_623 = tpu.vector_load %arg7[%get3A_620, %get3A_621, %get3A_622] {strides = array<i32>} : memref<2x32x512xf32, #tpu.memory_space<vmem>>, vector<16xf32>,
          %bitcast3A_624 = vector.bitcast %get3A_623 : vector<16xf32> to vector<32xbf16>
          %unpack3A_625 = tpu.unpack_subelements %bitcast3A_624, 0 {pack_format = #tpu.pack_format<interleaved>} : vector<32xbf16> -> vector<16xf32>
          %unpack3A_626 = tpu.unpack_subelements %bitcast3A_624, 1 {pack_format = #tpu.pack_format<interleaved>} : vector<32xbf16> -> vector<16xf32>
          %mul3A_627 = arith.mulf %unpack3A_625, %gather3A_618 : vector<16xf32>
          %add3A_628 = arith.addf %add3A_560, %mul3A_627 : vector<16xf32>
          %mul3A_629 = arith.mulf %unpack3A_626, %gather3A_618 : vector<16xf32>
          %add3A_630 = arith.addf %add3A_562, %mul3A_629 : vector<16xf32>
          %broadcast_in_dim3A_631 = arith.constant 12 : i32
          %broadcast_in_dim3A_632 = vector.broadcast %broadcast_in_dim3A_631 : i32 to vector<16xi32>
          %reshape3A_633 = vector.shape_cast %broadcast_in_dim3A_632 : vector<16xi32> to vector<16x1xi32>
          %gather3A_634 = vector.shape_cast %reshape3A_633 : vector<16x1xi32> to vector<16xi32>
          %gather3A_635 = tpu.dynamic_gather %get3A_142[%gather3A_634] in [0] : vector<16xf32>, vector<16xi32> -> vector<16xf32>
          %get3A_636 = arith.constant 0 : i32
          %get3A_637 = arith.index_cast %get3A_636 : i32 to index
          %get3A_638 = arith.index_cast %scan3A_138 : i32 to index
          %get3A_639 = arith.constant 448 : index
          %get3A_640 = tpu.vector_load %arg7[%get3A_637, %get3A_638, %get3A_639] {strides = array<i32>} : memref<2x32x512xf32, #tpu.memory_space<vmem>>, vector<16xf32>,
          %bitcast3A_641 = vector.bitcast %get3A_640 : vector<16xf32> to vector<32xbf16>
          %unpack3A_642 = tpu.unpack_subelements %bitcast3A_641, 0 {pack_format = #tpu.pack_format<interleaved>} : vector<32xbf16> -> vector<16xf32>
          %unpack3A_643 = tpu.unpack_subelements %bitcast3A_641, 1 {pack_format = #tpu.pack_format<interleaved>} : vector<32xbf16> -> vector<16xf32>
          %mul3A_644 = arith.mulf %unpack3A_642, %gather3A_635 : vector<16xf32>
          %add3A_645 = arith.addf %add3A_577, %mul3A_644 : vector<16xf32>
          %mul3A_646 = arith.mulf %unpack3A_643, %gather3A_635 : vector<16xf32>
          %add3A_647 = arith.addf %add3A_579, %mul3A_646 : vector<16xf32>
          %broadcast_in_dim3A_648 = arith.constant 13 : i32
          %broadcast_in_dim3A_649 = vector.broadcast %broadcast_in_dim3A_648 : i32 to vector<16xi32>
          %reshape3A_650 = vector.shape_cast %broadcast_in_dim3A_649 : vector<16xi32> to vector<16x1xi32>
          %gather3A_651 = vector.shape_cast %reshape3A_650 : vector<16x1xi32> to vector<16xi32>
          %gather3A_652 = tpu.dynamic_gather %get3A_142[%gather3A_651] in [0] : vector<16xf32>, vector<16xi32> -> vector<16xf32>
          %get3A_653 = arith.constant 0 : i32
          %get3A_654 = arith.index_cast %get3A_653 : i32 to index
          %get3A_655 = arith.index_cast %scan3A_138 : i32 to index
          %get3A_656 = arith.constant 464 : index
          %get3A_657 = tpu.vector_load %arg7[%get3A_654, %get3A_655, %get3A_656] {strides = array<i32>} : memref<2x32x512xf32, #tpu.memory_space<vmem>>, vector<16xf32>,
          %bitcast3A_658 = vector.bitcast %get3A_657 : vector<16xf32> to vector<32xbf16>
          %unpack3A_659 = tpu.unpack_subelements %bitcast3A_658, 0 {pack_format = #tpu.pack_format<interleaved>} : vector<32xbf16> -> vector<16xf32>
          %unpack3A_660 = tpu.unpack_subelements %bitcast3A_658, 1 {pack_format = #tpu.pack_format<interleaved>} : vector<32xbf16> -> vector<16xf32>
          %mul3A_661 = arith.mulf %unpack3A_659, %gather3A_652 : vector<16xf32>
          %add3A_662 = arith.addf %add3A_594, %mul3A_661 : vector<16xf32>
          %mul3A_663 = arith.mulf %unpack3A_660, %gather3A_652 : vector<16xf32>
          %add3A_664 = arith.addf %add3A_596, %mul3A_663 : vector<16xf32>
          %broadcast_in_dim3A_665 = arith.constant 14 : i32
          %broadcast_in_dim3A_666 = vector.broadcast %broadcast_in_dim3A_665 : i32 to vector<16xi32>
          %reshape3A_667 = vector.shape_cast %broadcast_in_dim3A_666 : vector<16xi32> to vector<16x1xi32>
          %gather3A_668 = vector.shape_cast %reshape3A_667 : vector<16x1xi32> to vector<16xi32>
          %gather3A_669 = tpu.dynamic_gather %get3A_142[%gather3A_668] in [0] : vector<16xf32>, vector<16xi32> -> vector<16xf32>
          %get3A_670 = arith.constant 0 : i32
          %get3A_671 = arith.index_cast %get3A_670 : i32 to index
          %get3A_672 = arith.index_cast %scan3A_138 : i32 to index
          %get3A_673 = arith.constant 480 : index
          %get3A_674 = tpu.vector_load %arg7[%get3A_671, %get3A_672, %get3A_673] {strides = array<i32>} : memref<2x32x512xf32, #tpu.memory_space<vmem>>, vector<16xf32>,
          %bitcast3A_675 = vector.bitcast %get3A_674 : vector<16xf32> to vector<32xbf16>
          %unpack3A_676 = tpu.unpack_subelements %bitcast3A_675, 0 {pack_format = #tpu.pack_format<interleaved>} : vector<32xbf16> -> vector<16xf32>
          %unpack3A_677 = tpu.unpack_subelements %bitcast3A_675, 1 {pack_format = #tpu.pack_format<interleaved>} : vector<32xbf16> -> vector<16xf32>
          %mul3A_678 = arith.mulf %unpack3A_676, %gather3A_669 : vector<16xf32>
          %add3A_679 = arith.addf %add3A_611, %mul3A_678 : vector<16xf32>
          %mul3A_680 = arith.mulf %unpack3A_677, %gather3A_669 : vector<16xf32>
          %add3A_681 = arith.addf %add3A_613, %mul3A_680 : vector<16xf32>
          %broadcast_in_dim3A_682 = arith.constant 15 : i32
          %broadcast_in_dim3A_683 = vector.broadcast %broadcast_in_dim3A_682 : i32 to vector<16xi32>
          %reshape3A_684 = vector.shape_cast %broadcast_in_dim3A_683 : vector<16xi32> to vector<16x1xi32>
          %gather3A_685 = vector.shape_cast %reshape3A_684 : vector<16x1xi32> to vector<16xi32>
          %gather3A_686 = tpu.dynamic_gather %get3A_142[%gather3A_685] in [0] : vector<16xf32>, vector<16xi32> -> vector<16xf32>
          %get3A_687 = arith.constant 0 : i32
          %get3A_688 = arith.index_cast %get3A_687 : i32 to index
          %get3A_689 = arith.index_cast %scan3A_138 : i32 to index
          %get3A_690 = arith.constant 496 : index
          %get3A_691 = tpu.vector_load %arg7[%get3A_688, %get3A_689, %get3A_690] {strides = array<i32>} : memref<2x32x512xf32, #tpu.memory_space<vmem>>, vector<16xf32>,
          %bitcast3A_692 = vector.bitcast %get3A_691 : vector<16xf32> to vector<32xbf16>
          %unpack3A_693 = tpu.unpack_subelements %bitcast3A_692, 0 {pack_format = #tpu.pack_format<interleaved>} : vector<32xbf16> -> vector<16xf32>
          %unpack3A_694 = tpu.unpack_subelements %bitcast3A_692, 1 {pack_format = #tpu.pack_format<interleaved>} : vector<32xbf16> -> vector<16xf32>
          %mul3A_695 = arith.mulf %unpack3A_693, %gather3A_686 : vector<16xf32>
          %add3A_696 = arith.addf %add3A_628, %mul3A_695 : vector<16xf32>
          %mul3A_697 = arith.mulf %unpack3A_694, %gather3A_686 : vector<16xf32>
          %add3A_698 = arith.addf %add3A_630, %mul3A_697 : vector<16xf32>
          %add3A_699 = arith.addf %add3A_645, %add3A_662 : vector<16xf32>
          %add3A_700 = arith.addf %add3A_679, %add3A_696 : vector<16xf32>
          %add3A_701 = arith.addf %add3A_699, %add3A_700 : vector<16xf32>
          %add3A_702 = arith.addf %add3A_647, %add3A_664 : vector<16xf32>
          %add3A_703 = arith.addf %add3A_681, %add3A_698 : vector<16xf32>
          %add3A_704 = arith.addf %add3A_702, %add3A_703 : vector<16xf32>
          %swap3A_705 = arith.constant 0 : index
          %swap3A_706 = tpu.vector_load %arg8[%swap3A_705] {strides = array<i32>} : memref<32xf32, #tpu.memory_space<vmem>>, vector<16xf32>,
          tpu.vector_store %arg8[%swap3A_705], %add3A_701 {strides = array<i32>} : memref<32xf32, #tpu.memory_space<vmem>>, vector<16xf32>,
          %swap3A_707 = arith.constant 16 : index
          %swap3A_708 = tpu.vector_load %arg8[%swap3A_707] {strides = array<i32>} : memref<32xf32, #tpu.memory_space<vmem>>, vector<16xf32>,
          tpu.vector_store %arg8[%swap3A_707], %add3A_704 {strides = array<i32>} : memref<32xf32, #tpu.memory_space<vmem>>, vector<16xf32>,
          %and3A_709 = arith.constant 3 : i32
          %and3A_710 = arith.andi %scan3A_138, %and3A_709 : i32
          %eq3A = arith.constant 3 : i32
          %eq3A_711 = arith.cmpi eq, %and3A_710, %eq3A : i32
          %convert_element_type3A_712 = arith.extui %eq3A_711 : i1 to i32
          %cond3A_713 = arith.constant 0 : i32
          %cond3A_714 = arith.cmpi ne, %convert_element_type3A_712, %cond3A_713 : i32
          scf.if %cond3A_714 {
            %get3A_715 = arith.constant 0 : index
            %get3A_716 = tpu.vector_load %arg8[%get3A_715] {strides = array<i32>} : memref<32xf32, #tpu.memory_space<vmem>>, vector<16xf32>,
            %get3A_717 = arith.constant 16 : index
            %get3A_718 = tpu.vector_load %arg8[%get3A_717] {strides = array<i32>} : memref<32xf32, #tpu.memory_space<vmem>>, vector<16xf32>,
            %add3A_719 = arith.addf %get3A_716, %get3A_718 : vector<16xf32>
            %reduce_sum3A_720 = arith.constant true
            %reduce_sum3A_721 = vector.broadcast %reduce_sum3A_720 : i1 to vector<16xi1>
            %reduce_sum3A_722 = tpu.scan <sum>, %add3A_719 masked %reduce_sum3A_721 : vector<16xf32>, vector<16xi1> -> vector<16xf32>
            %reduce_sum3A_723 = vector.extract %reduce_sum3A_722[15] : f32 from vector<16xf32>
            %broadcast_in_dim3A_724 = vector.broadcast %reduce_sum3A_723 : f32 to vector<16xf32>
            %bitcast3A_725 = vector.bitcast %broadcast_in_dim3A_724 : vector<16xf32> to vector<16xi32>
            %shift_right_arithmetic3A = arith.constant 23 : i32
            %shift_right_arithmetic3A_726 = vector.broadcast %shift_right_arithmetic3A : i32 to vector<16xi32>
            %shift_right_arithmetic3A_727 = arith.shrsi %bitcast3A_725, %shift_right_arithmetic3A_726 : vector<16xi32>
            %sub3A_728 = arith.constant 127 : i32
            %sub3A_729 = vector.broadcast %sub3A_728 : i32 to vector<16xi32>
            %sub3A_730 = arith.subi %shift_right_arithmetic3A_727, %sub3A_729 : vector<16xi32>
            %sub3A_731 = arith.constant 127 : i32
            %sub3A_732 = vector.broadcast %sub3A_731 : i32 to vector<16xi32>
            %sub3A_733 = arith.subi %sub3A_732, %sub3A_730 : vector<16xi32>
            %shift_left3A = arith.constant 23 : i32
            %shift_left3A_734 = vector.broadcast %shift_left3A : i32 to vector<16xi32>
            %shift_left3A_735 = arith.shli %sub3A_733, %shift_left3A_734 : vector<16xi32>
            %bitcast3A_736 = vector.bitcast %shift_left3A_735 : vector<16xi32> to vector<16xf32>
            %mul3A_737 = arith.mulf %get3A_716, %bitcast3A_736 : vector<16xf32>
            %swap3A_738 = arith.constant 0 : index
            %swap3A_739 = tpu.vector_load %arg8[%swap3A_738] {strides = array<i32>} : memref<32xf32, #tpu.memory_space<vmem>>, vector<16xf32>,
            tpu.vector_store %arg8[%swap3A_738], %mul3A_737 {strides = array<i32>} : memref<32xf32, #tpu.memory_space<vmem>>, vector<16xf32>,
            %mul3A_740 = arith.mulf %get3A_718, %bitcast3A_736 : vector<16xf32>
            %swap3A_741 = arith.constant 16 : index
            %swap3A_742 = tpu.vector_load %arg8[%swap3A_741] {strides = array<i32>} : memref<32xf32, #tpu.memory_space<vmem>>, vector<16xf32>,
            tpu.vector_store %arg8[%swap3A_741], %mul3A_740 {strides = array<i32>} : memref<32xf32, #tpu.memory_space<vmem>>, vector<16xf32>,
            %get3A_743 = arith.constant 0 : index
            %get3A_744 = tpu.vector_load %arg9[%get3A_743] {strides = array<i32>} : memref<16xf32, #tpu.memory_space<vmem>>, vector<16xf32>,
            %convert_element_type3A_745 = arith.sitofp %sub3A_730 : vector<16xi32> to vector<16xf32>
            %add3A_746 = arith.addf %get3A_744, %convert_element_type3A_745 : vector<16xf32>
            %swap3A_747 = arith.constant 0 : index
            %swap3A_748 = tpu.vector_load %arg9[%swap3A_747] {strides = array<i32>} : memref<16xf32, #tpu.memory_space<vmem>>, vector<16xf32>,
            tpu.vector_store %arg9[%swap3A_747], %add3A_746 {strides = array<i32>} : memref<16xf32, #tpu.memory_space<vmem>>, vector<16xf32>,
          } else {
          }
        }
        %scan3A_110 = arith.constant 32 : i32
        %mul3A_111 = arith.constant 2 : i32
        %mul3A_112 = arith.muli %mul3A_111, %while3A_85 : i32
        %add3A_113 = arith.constant 1 : i32
        %add3A_114 = arith.addi %mul3A_112, %add3A_113 : i32
        %add3A_115 = arith.constant 1 : i32
        %add3A_116 = arith.addi %add3A_114, %add3A_115 : i32
        %lt3A_117 = arith.cmpi slt, %add3A_116, %select_n3A : i32
        %convert_element_type3A_118 = arith.extui %lt3A_117 : i1 to i32
        %cond3A_119 = arith.constant 0 : i32
        %cond3A_120 = arith.cmpi ne, %convert_element_type3A_118, %cond3A_119 : i32
        scf.if %cond3A_120 {
          %mul3A_138 = arith.constant 32 : i32
          %mul3A_139 = arith.muli %add3A_116, %mul3A_138 : i32
          %dma_start3A_140 = arith.constant 0 : i32
          %dma_start3A_141 = arith.constant 0 : i32
          %dma_start3A_142 = arith.constant 0 : i32
          %dma_start3A_143 = tpu.memref_slice %arg7[%dma_start3A_140, %dma_start3A_141, %dma_start3A_142] : memref<2x32x512xf32, #tpu.memory_space<vmem>> -> memref<1x32x512xf32, #tpu.memory_space<vmem>>
          %dma_start3A_144 = tpu.memref_squeeze %dma_start3A_143 : memref<1x32x512xf32, #tpu.memory_space<vmem>> -> memref<32x512xf32, #tpu.memory_space<vmem>>
          %dma_start3A_145 = tpu.memref_slice %arg6[%mul3A_139] : memref<2048xi32, #tpu.memory_space<vmem>> -> memref<32xi32, #tpu.memory_space<vmem>>
          %dma_start3A_146 = arith.constant 0 : i32
          %dma_start3A_147 = arith.constant 0 : i32
          %dma_start3A_148 = tpu.memref_slice %arg2[%dma_start3A_146, %dma_start3A_147] : memref<17408x512xf32, #tpu.memory_space<hbm>> -> memref<17408x512xf32, #tpu.memory_space<hbm>>
          tpu.enqueue_indirect_dma source(%dma_start3A_148 : memref<17408x512xf32, #tpu.memory_space<hbm>>) target(%dma_start3A_144 : memref<32x512xf32, #tpu.memory_space<vmem>>) offsets(%dma_start3A_145 : memref<32xi32, #tpu.memory_space<vmem>>) semaphore(%arg11 : memref<!tpu.dma_semaphore, #tpu.memory_space<semaphore_mem>>)
        } else {
        }
        %mul3A_121 = arith.constant 32 : i32
        %mul3A_122 = arith.muli %add3A_114, %mul3A_121 : i32
        %dma_wait3A_123 = arith.constant 1 : i32
        %dma_wait3A_124 = arith.constant 0 : i32
        %dma_wait3A_125 = arith.constant 0 : i32
        %dma_wait3A_126 = tpu.memref_slice %arg7[%dma_wait3A_123, %dma_wait3A_124, %dma_wait3A_125] : memref<2x32x512xf32, #tpu.memory_space<vmem>> -> memref<1x32x512xf32, #tpu.memory_space<vmem>>
        %dma_wait3A_127 = tpu.memref_squeeze %dma_wait3A_126 : memref<1x32x512xf32, #tpu.memory_space<vmem>> -> memref<32x512xf32, #tpu.memory_space<vmem>>
        %dma_wait3A_128 = tpu.memref_slice %arg6[%mul3A_122] : memref<2048xi32, #tpu.memory_space<vmem>> -> memref<32xi32, #tpu.memory_space<vmem>>
        %dma_wait3A_129 = arith.constant 0 : i32
        %dma_wait3A_130 = arith.constant 0 : i32
        %dma_wait3A_131 = tpu.memref_slice %arg2[%dma_wait3A_129, %dma_wait3A_130] : memref<17408x512xf32, #tpu.memory_space<hbm>> -> memref<17408x512xf32, #tpu.memory_space<hbm>>
        tpu.wait_indirect_dma semaphore(%arg12 : memref<!tpu.dma_semaphore, #tpu.memory_space<semaphore_mem>>) src(%dma_wait3A_131 : memref<17408x512xf32, #tpu.memory_space<hbm>>) dst(%dma_wait3A_127 : memref<32x512xf32, #tpu.memory_space<vmem>>)
        %scan3A_132 = arith.constant 0 : i32
        %scan3A_133 = arith.constant 0 : i32
        %scan3A_134 = arith.constant 32 : i32
        %scan3A_135 = arith.addi %scan3A_133, %scan3A_134 : i32
        %scan3A_136 = arith.constant 1 : i32
        scf.for %scan3A_138 = %scan3A_133 to %scan3A_135 step %scan3A_136  : i32 {
          %get3A_139 = arith.constant 0 : index
          %get3A_140 = tpu.vector_load %arg8[%get3A_139] {strides = array<i32>} : memref<32xf32, #tpu.memory_space<vmem>>, vector<16xf32>,
          %get3A_141 = arith.constant 16 : index
          %get3A_142 = tpu.vector_load %arg8[%get3A_141] {strides = array<i32>} : memref<32xf32, #tpu.memory_space<vmem>>, vector<16xf32>,
          %broadcast_in_dim3A_143 = arith.constant 0.000000e+00 : f32
          %broadcast_in_dim3A_144 = vector.broadcast %broadcast_in_dim3A_143 : f32 to vector<16xf32>
          %broadcast_in_dim3A_145 = arith.constant 0.000000e+00 : f32
          %broadcast_in_dim3A_146 = vector.broadcast %broadcast_in_dim3A_145 : f32 to vector<16xf32>
          %broadcast_in_dim3A_147 = arith.constant 0.000000e+00 : f32
          %broadcast_in_dim3A_148 = vector.broadcast %broadcast_in_dim3A_147 : f32 to vector<16xf32>
          %broadcast_in_dim3A_149 = arith.constant 0.000000e+00 : f32
          %broadcast_in_dim3A_150 = vector.broadcast %broadcast_in_dim3A_149 : f32 to vector<16xf32>
          %broadcast_in_dim3A_151 = arith.constant 0.000000e+00 : f32
          %broadcast_in_dim3A_152 = vector.broadcast %broadcast_in_dim3A_151 : f32 to vector<16xf32>
          %broadcast_in_dim3A_153 = arith.constant 0.000000e+00 : f32
          %broadcast_in_dim3A_154 = vector.broadcast %broadcast_in_dim3A_153 : f32 to vector<16xf32>
          %broadcast_in_dim3A_155 = arith.constant 0.000000e+00 : f32
          %broadcast_in_dim3A_156 = vector.broadcast %broadcast_in_dim3A_155 : f32 to vector<16xf32>
          %broadcast_in_dim3A_157 = arith.constant 0.000000e+00 : f32
          %broadcast_in_dim3A_158 = vector.broadcast %broadcast_in_dim3A_157 : f32 to vector<16xf32>
          %broadcast_in_dim3A_159 = arith.constant 0 : i32
          %broadcast_in_dim3A_160 = vector.broadcast %broadcast_in_dim3A_159 : i32 to vector<16xi32>
          %reshape3A = vector.shape_cast %broadcast_in_dim3A_160 : vector<16xi32> to vector<16x1xi32>
          %gather3A = vector.shape_cast %reshape3A : vector<16x1xi32> to vector<16xi32>
          %gather3A_161 = tpu.dynamic_gather %get3A_140[%gather3A] in [0] : vector<16xf32>, vector<16xi32> -> vector<16xf32>
          %get3A_162 = arith.constant 1 : i32
          %get3A_163 = arith.index_cast %get3A_162 : i32 to index
          %get3A_164 = arith.index_cast %scan3A_138 : i32 to index
          %get3A_165 = arith.constant 0 : index
          %get3A_166 = tpu.vector_load %arg7[%get3A_163, %get3A_164, %get3A_165] {strides = array<i32>} : memref<2x32x512xf32, #tpu.memory_space<vmem>>, vector<16xf32>,
          %bitcast3A = vector.bitcast %get3A_166 : vector<16xf32> to vector<32xbf16>
          %unpack3A = tpu.unpack_subelements %bitcast3A, 0 {pack_format = #tpu.pack_format<interleaved>} : vector<32xbf16> -> vector<16xf32>
          %unpack3A_167 = tpu.unpack_subelements %bitcast3A, 1 {pack_format = #tpu.pack_format<interleaved>} : vector<32xbf16> -> vector<16xf32>
          %mul3A_168 = arith.mulf %unpack3A, %gather3A_161 : vector<16xf32>
          %add3A_169 = arith.addf %broadcast_in_dim3A_144, %mul3A_168 : vector<16xf32>
          %mul3A_170 = arith.mulf %unpack3A_167, %gather3A_161 : vector<16xf32>
          %add3A_171 = arith.addf %broadcast_in_dim3A_152, %mul3A_170 : vector<16xf32>
          %broadcast_in_dim3A_172 = arith.constant 1 : i32
          %broadcast_in_dim3A_173 = vector.broadcast %broadcast_in_dim3A_172 : i32 to vector<16xi32>
          %reshape3A_174 = vector.shape_cast %broadcast_in_dim3A_173 : vector<16xi32> to vector<16x1xi32>
          %gather3A_175 = vector.shape_cast %reshape3A_174 : vector<16x1xi32> to vector<16xi32>
          %gather3A_176 = tpu.dynamic_gather %get3A_140[%gather3A_175] in [0] : vector<16xf32>, vector<16xi32> -> vector<16xf32>
          %get3A_177 = arith.constant 1 : i32
          %get3A_178 = arith.index_cast %get3A_177 : i32 to index
          %get3A_179 = arith.index_cast %scan3A_138 : i32 to index
          %get3A_180 = arith.constant 16 : index
          %get3A_181 = tpu.vector_load %arg7[%get3A_178, %get3A_179, %get3A_180] {strides = array<i32>} : memref<2x32x512xf32, #tpu.memory_space<vmem>>, vector<16xf32>,
          %bitcast3A_182 = vector.bitcast %get3A_181 : vector<16xf32> to vector<32xbf16>
          %unpack3A_183 = tpu.unpack_subelements %bitcast3A_182, 0 {pack_format = #tpu.pack_format<interleaved>} : vector<32xbf16> -> vector<16xf32>
          %unpack3A_184 = tpu.unpack_subelements %bitcast3A_182, 1 {pack_format = #tpu.pack_format<interleaved>} : vector<32xbf16> -> vector<16xf32>
          %mul3A_185 = arith.mulf %unpack3A_183, %gather3A_176 : vector<16xf32>
          %add3A_186 = arith.addf %broadcast_in_dim3A_146, %mul3A_185 : vector<16xf32>
          %mul3A_187 = arith.mulf %unpack3A_184, %gather3A_176 : vector<16xf32>
          %add3A_188 = arith.addf %broadcast_in_dim3A_154, %mul3A_187 : vector<16xf32>
          %broadcast_in_dim3A_189 = arith.constant 2 : i32
          %broadcast_in_dim3A_190 = vector.broadcast %broadcast_in_dim3A_189 : i32 to vector<16xi32>
          %reshape3A_191 = vector.shape_cast %broadcast_in_dim3A_190 : vector<16xi32> to vector<16x1xi32>
          %gather3A_192 = vector.shape_cast %reshape3A_191 : vector<16x1xi32> to vector<16xi32>
          %gather3A_193 = tpu.dynamic_gather %get3A_140[%gather3A_192] in [0] : vector<16xf32>, vector<16xi32> -> vector<16xf32>
          %get3A_194 = arith.constant 1 : i32
          %get3A_195 = arith.index_cast %get3A_194 : i32 to index
          %get3A_196 = arith.index_cast %scan3A_138 : i32 to index
          %get3A_197 = arith.constant 32 : index
          %get3A_198 = tpu.vector_load %arg7[%get3A_195, %get3A_196, %get3A_197] {strides = array<i32>} : memref<2x32x512xf32, #tpu.memory_space<vmem>>, vector<16xf32>,
          %bitcast3A_199 = vector.bitcast %get3A_198 : vector<16xf32> to vector<32xbf16>
          %unpack3A_200 = tpu.unpack_subelements %bitcast3A_199, 0 {pack_format = #tpu.pack_format<interleaved>} : vector<32xbf16> -> vector<16xf32>
          %unpack3A_201 = tpu.unpack_subelements %bitcast3A_199, 1 {pack_format = #tpu.pack_format<interleaved>} : vector<32xbf16> -> vector<16xf32>
          %mul3A_202 = arith.mulf %unpack3A_200, %gather3A_193 : vector<16xf32>
          %add3A_203 = arith.addf %broadcast_in_dim3A_148, %mul3A_202 : vector<16xf32>
          %mul3A_204 = arith.mulf %unpack3A_201, %gather3A_193 : vector<16xf32>
          %add3A_205 = arith.addf %broadcast_in_dim3A_156, %mul3A_204 : vector<16xf32>
          %broadcast_in_dim3A_206 = arith.constant 3 : i32
          %broadcast_in_dim3A_207 = vector.broadcast %broadcast_in_dim3A_206 : i32 to vector<16xi32>
          %reshape3A_208 = vector.shape_cast %broadcast_in_dim3A_207 : vector<16xi32> to vector<16x1xi32>
          %gather3A_209 = vector.shape_cast %reshape3A_208 : vector<16x1xi32> to vector<16xi32>
          %gather3A_210 = tpu.dynamic_gather %get3A_140[%gather3A_209] in [0] : vector<16xf32>, vector<16xi32> -> vector<16xf32>
          %get3A_211 = arith.constant 1 : i32
          %get3A_212 = arith.index_cast %get3A_211 : i32 to index
          %get3A_213 = arith.index_cast %scan3A_138 : i32 to index
          %get3A_214 = arith.constant 48 : index
          %get3A_215 = tpu.vector_load %arg7[%get3A_212, %get3A_213, %get3A_214] {strides = array<i32>} : memref<2x32x512xf32, #tpu.memory_space<vmem>>, vector<16xf32>,
          %bitcast3A_216 = vector.bitcast %get3A_215 : vector<16xf32> to vector<32xbf16>
          %unpack3A_217 = tpu.unpack_subelements %bitcast3A_216, 0 {pack_format = #tpu.pack_format<interleaved>} : vector<32xbf16> -> vector<16xf32>
          %unpack3A_218 = tpu.unpack_subelements %bitcast3A_216, 1 {pack_format = #tpu.pack_format<interleaved>} : vector<32xbf16> -> vector<16xf32>
          %mul3A_219 = arith.mulf %unpack3A_217, %gather3A_210 : vector<16xf32>
          %add3A_220 = arith.addf %broadcast_in_dim3A_150, %mul3A_219 : vector<16xf32>
          %mul3A_221 = arith.mulf %unpack3A_218, %gather3A_210 : vector<16xf32>
          %add3A_222 = arith.addf %broadcast_in_dim3A_158, %mul3A_221 : vector<16xf32>
          %broadcast_in_dim3A_223 = arith.constant 4 : i32
          %broadcast_in_dim3A_224 = vector.broadcast %broadcast_in_dim3A_223 : i32 to vector<16xi32>
          %reshape3A_225 = vector.shape_cast %broadcast_in_dim3A_224 : vector<16xi32> to vector<16x1xi32>
          %gather3A_226 = vector.shape_cast %reshape3A_225 : vector<16x1xi32> to vector<16xi32>
          %gather3A_227 = tpu.dynamic_gather %get3A_140[%gather3A_226] in [0] : vector<16xf32>, vector<16xi32> -> vector<16xf32>
          %get3A_228 = arith.constant 1 : i32
          %get3A_229 = arith.index_cast %get3A_228 : i32 to index
          %get3A_230 = arith.index_cast %scan3A_138 : i32 to index
          %get3A_231 = arith.constant 64 : index
          %get3A_232 = tpu.vector_load %arg7[%get3A_229, %get3A_230, %get3A_231] {strides = array<i32>} : memref<2x32x512xf32, #tpu.memory_space<vmem>>, vector<16xf32>,
          %bitcast3A_233 = vector.bitcast %get3A_232 : vector<16xf32> to vector<32xbf16>
          %unpack3A_234 = tpu.unpack_subelements %bitcast3A_233, 0 {pack_format = #tpu.pack_format<interleaved>} : vector<32xbf16> -> vector<16xf32>
          %unpack3A_235 = tpu.unpack_subelements %bitcast3A_233, 1 {pack_format = #tpu.pack_format<interleaved>} : vector<32xbf16> -> vector<16xf32>
          %mul3A_236 = arith.mulf %unpack3A_234, %gather3A_227 : vector<16xf32>
          %add3A_237 = arith.addf %add3A_169, %mul3A_236 : vector<16xf32>
          %mul3A_238 = arith.mulf %unpack3A_235, %gather3A_227 : vector<16xf32>
          %add3A_239 = arith.addf %add3A_171, %mul3A_238 : vector<16xf32>
          %broadcast_in_dim3A_240 = arith.constant 5 : i32
          %broadcast_in_dim3A_241 = vector.broadcast %broadcast_in_dim3A_240 : i32 to vector<16xi32>
          %reshape3A_242 = vector.shape_cast %broadcast_in_dim3A_241 : vector<16xi32> to vector<16x1xi32>
          %gather3A_243 = vector.shape_cast %reshape3A_242 : vector<16x1xi32> to vector<16xi32>
          %gather3A_244 = tpu.dynamic_gather %get3A_140[%gather3A_243] in [0] : vector<16xf32>, vector<16xi32> -> vector<16xf32>
          %get3A_245 = arith.constant 1 : i32
          %get3A_246 = arith.index_cast %get3A_245 : i32 to index
          %get3A_247 = arith.index_cast %scan3A_138 : i32 to index
          %get3A_248 = arith.constant 80 : index
          %get3A_249 = tpu.vector_load %arg7[%get3A_246, %get3A_247, %get3A_248] {strides = array<i32>} : memref<2x32x512xf32, #tpu.memory_space<vmem>>, vector<16xf32>,
          %bitcast3A_250 = vector.bitcast %get3A_249 : vector<16xf32> to vector<32xbf16>
          %unpack3A_251 = tpu.unpack_subelements %bitcast3A_250, 0 {pack_format = #tpu.pack_format<interleaved>} : vector<32xbf16> -> vector<16xf32>
          %unpack3A_252 = tpu.unpack_subelements %bitcast3A_250, 1 {pack_format = #tpu.pack_format<interleaved>} : vector<32xbf16> -> vector<16xf32>
          %mul3A_253 = arith.mulf %unpack3A_251, %gather3A_244 : vector<16xf32>
          %add3A_254 = arith.addf %add3A_186, %mul3A_253 : vector<16xf32>
          %mul3A_255 = arith.mulf %unpack3A_252, %gather3A_244 : vector<16xf32>
          %add3A_256 = arith.addf %add3A_188, %mul3A_255 : vector<16xf32>
          %broadcast_in_dim3A_257 = arith.constant 6 : i32
          %broadcast_in_dim3A_258 = vector.broadcast %broadcast_in_dim3A_257 : i32 to vector<16xi32>
          %reshape3A_259 = vector.shape_cast %broadcast_in_dim3A_258 : vector<16xi32> to vector<16x1xi32>
          %gather3A_260 = vector.shape_cast %reshape3A_259 : vector<16x1xi32> to vector<16xi32>
          %gather3A_261 = tpu.dynamic_gather %get3A_140[%gather3A_260] in [0] : vector<16xf32>, vector<16xi32> -> vector<16xf32>
          %get3A_262 = arith.constant 1 : i32
          %get3A_263 = arith.index_cast %get3A_262 : i32 to index
          %get3A_264 = arith.index_cast %scan3A_138 : i32 to index
          %get3A_265 = arith.constant 96 : index
          %get3A_266 = tpu.vector_load %arg7[%get3A_263, %get3A_264, %get3A_265] {strides = array<i32>} : memref<2x32x512xf32, #tpu.memory_space<vmem>>, vector<16xf32>,
          %bitcast3A_267 = vector.bitcast %get3A_266 : vector<16xf32> to vector<32xbf16>
          %unpack3A_268 = tpu.unpack_subelements %bitcast3A_267, 0 {pack_format = #tpu.pack_format<interleaved>} : vector<32xbf16> -> vector<16xf32>
          %unpack3A_269 = tpu.unpack_subelements %bitcast3A_267, 1 {pack_format = #tpu.pack_format<interleaved>} : vector<32xbf16> -> vector<16xf32>
          %mul3A_270 = arith.mulf %unpack3A_268, %gather3A_261 : vector<16xf32>
          %add3A_271 = arith.addf %add3A_203, %mul3A_270 : vector<16xf32>
          %mul3A_272 = arith.mulf %unpack3A_269, %gather3A_261 : vector<16xf32>
          %add3A_273 = arith.addf %add3A_205, %mul3A_272 : vector<16xf32>
          %broadcast_in_dim3A_274 = arith.constant 7 : i32
          %broadcast_in_dim3A_275 = vector.broadcast %broadcast_in_dim3A_274 : i32 to vector<16xi32>
          %reshape3A_276 = vector.shape_cast %broadcast_in_dim3A_275 : vector<16xi32> to vector<16x1xi32>
          %gather3A_277 = vector.shape_cast %reshape3A_276 : vector<16x1xi32> to vector<16xi32>
          %gather3A_278 = tpu.dynamic_gather %get3A_140[%gather3A_277] in [0] : vector<16xf32>, vector<16xi32> -> vector<16xf32>
          %get3A_279 = arith.constant 1 : i32
          %get3A_280 = arith.index_cast %get3A_279 : i32 to index
          %get3A_281 = arith.index_cast %scan3A_138 : i32 to index
          %get3A_282 = arith.constant 112 : index
          %get3A_283 = tpu.vector_load %arg7[%get3A_280, %get3A_281, %get3A_282] {strides = array<i32>} : memref<2x32x512xf32, #tpu.memory_space<vmem>>, vector<16xf32>,
          %bitcast3A_284 = vector.bitcast %get3A_283 : vector<16xf32> to vector<32xbf16>
          %unpack3A_285 = tpu.unpack_subelements %bitcast3A_284, 0 {pack_format = #tpu.pack_format<interleaved>} : vector<32xbf16> -> vector<16xf32>
          %unpack3A_286 = tpu.unpack_subelements %bitcast3A_284, 1 {pack_format = #tpu.pack_format<interleaved>} : vector<32xbf16> -> vector<16xf32>
          %mul3A_287 = arith.mulf %unpack3A_285, %gather3A_278 : vector<16xf32>
          %add3A_288 = arith.addf %add3A_220, %mul3A_287 : vector<16xf32>
          %mul3A_289 = arith.mulf %unpack3A_286, %gather3A_278 : vector<16xf32>
          %add3A_290 = arith.addf %add3A_222, %mul3A_289 : vector<16xf32>
          %broadcast_in_dim3A_291 = arith.constant 8 : i32
          %broadcast_in_dim3A_292 = vector.broadcast %broadcast_in_dim3A_291 : i32 to vector<16xi32>
          %reshape3A_293 = vector.shape_cast %broadcast_in_dim3A_292 : vector<16xi32> to vector<16x1xi32>
          %gather3A_294 = vector.shape_cast %reshape3A_293 : vector<16x1xi32> to vector<16xi32>
          %gather3A_295 = tpu.dynamic_gather %get3A_140[%gather3A_294] in [0] : vector<16xf32>, vector<16xi32> -> vector<16xf32>
          %get3A_296 = arith.constant 1 : i32
          %get3A_297 = arith.index_cast %get3A_296 : i32 to index
          %get3A_298 = arith.index_cast %scan3A_138 : i32 to index
          %get3A_299 = arith.constant 128 : index
          %get3A_300 = tpu.vector_load %arg7[%get3A_297, %get3A_298, %get3A_299] {strides = array<i32>} : memref<2x32x512xf32, #tpu.memory_space<vmem>>, vector<16xf32>,
          %bitcast3A_301 = vector.bitcast %get3A_300 : vector<16xf32> to vector<32xbf16>
          %unpack3A_302 = tpu.unpack_subelements %bitcast3A_301, 0 {pack_format = #tpu.pack_format<interleaved>} : vector<32xbf16> -> vector<16xf32>
          %unpack3A_303 = tpu.unpack_subelements %bitcast3A_301, 1 {pack_format = #tpu.pack_format<interleaved>} : vector<32xbf16> -> vector<16xf32>
          %mul3A_304 = arith.mulf %unpack3A_302, %gather3A_295 : vector<16xf32>
          %add3A_305 = arith.addf %add3A_237, %mul3A_304 : vector<16xf32>
          %mul3A_306 = arith.mulf %unpack3A_303, %gather3A_295 : vector<16xf32>
          %add3A_307 = arith.addf %add3A_239, %mul3A_306 : vector<16xf32>
          %broadcast_in_dim3A_308 = arith.constant 9 : i32
          %broadcast_in_dim3A_309 = vector.broadcast %broadcast_in_dim3A_308 : i32 to vector<16xi32>
          %reshape3A_310 = vector.shape_cast %broadcast_in_dim3A_309 : vector<16xi32> to vector<16x1xi32>
          %gather3A_311 = vector.shape_cast %reshape3A_310 : vector<16x1xi32> to vector<16xi32>
          %gather3A_312 = tpu.dynamic_gather %get3A_140[%gather3A_311] in [0] : vector<16xf32>, vector<16xi32> -> vector<16xf32>
          %get3A_313 = arith.constant 1 : i32
          %get3A_314 = arith.index_cast %get3A_313 : i32 to index
          %get3A_315 = arith.index_cast %scan3A_138 : i32 to index
          %get3A_316 = arith.constant 144 : index
          %get3A_317 = tpu.vector_load %arg7[%get3A_314, %get3A_315, %get3A_316] {strides = array<i32>} : memref<2x32x512xf32, #tpu.memory_space<vmem>>, vector<16xf32>,
          %bitcast3A_318 = vector.bitcast %get3A_317 : vector<16xf32> to vector<32xbf16>
          %unpack3A_319 = tpu.unpack_subelements %bitcast3A_318, 0 {pack_format = #tpu.pack_format<interleaved>} : vector<32xbf16> -> vector<16xf32>
          %unpack3A_320 = tpu.unpack_subelements %bitcast3A_318, 1 {pack_format = #tpu.pack_format<interleaved>} : vector<32xbf16> -> vector<16xf32>
          %mul3A_321 = arith.mulf %unpack3A_319, %gather3A_312 : vector<16xf32>
          %add3A_322 = arith.addf %add3A_254, %mul3A_321 : vector<16xf32>
          %mul3A_323 = arith.mulf %unpack3A_320, %gather3A_312 : vector<16xf32>
          %add3A_324 = arith.addf %add3A_256, %mul3A_323 : vector<16xf32>
          %broadcast_in_dim3A_325 = arith.constant 10 : i32
          %broadcast_in_dim3A_326 = vector.broadcast %broadcast_in_dim3A_325 : i32 to vector<16xi32>
          %reshape3A_327 = vector.shape_cast %broadcast_in_dim3A_326 : vector<16xi32> to vector<16x1xi32>
          %gather3A_328 = vector.shape_cast %reshape3A_327 : vector<16x1xi32> to vector<16xi32>
          %gather3A_329 = tpu.dynamic_gather %get3A_140[%gather3A_328] in [0] : vector<16xf32>, vector<16xi32> -> vector<16xf32>
          %get3A_330 = arith.constant 1 : i32
          %get3A_331 = arith.index_cast %get3A_330 : i32 to index
          %get3A_332 = arith.index_cast %scan3A_138 : i32 to index
          %get3A_333 = arith.constant 160 : index
          %get3A_334 = tpu.vector_load %arg7[%get3A_331, %get3A_332, %get3A_333] {strides = array<i32>} : memref<2x32x512xf32, #tpu.memory_space<vmem>>, vector<16xf32>,
          %bitcast3A_335 = vector.bitcast %get3A_334 : vector<16xf32> to vector<32xbf16>
          %unpack3A_336 = tpu.unpack_subelements %bitcast3A_335, 0 {pack_format = #tpu.pack_format<interleaved>} : vector<32xbf16> -> vector<16xf32>
          %unpack3A_337 = tpu.unpack_subelements %bitcast3A_335, 1 {pack_format = #tpu.pack_format<interleaved>} : vector<32xbf16> -> vector<16xf32>
          %mul3A_338 = arith.mulf %unpack3A_336, %gather3A_329 : vector<16xf32>
          %add3A_339 = arith.addf %add3A_271, %mul3A_338 : vector<16xf32>
          %mul3A_340 = arith.mulf %unpack3A_337, %gather3A_329 : vector<16xf32>
          %add3A_341 = arith.addf %add3A_273, %mul3A_340 : vector<16xf32>
          %broadcast_in_dim3A_342 = arith.constant 11 : i32
          %broadcast_in_dim3A_343 = vector.broadcast %broadcast_in_dim3A_342 : i32 to vector<16xi32>
          %reshape3A_344 = vector.shape_cast %broadcast_in_dim3A_343 : vector<16xi32> to vector<16x1xi32>
          %gather3A_345 = vector.shape_cast %reshape3A_344 : vector<16x1xi32> to vector<16xi32>
          %gather3A_346 = tpu.dynamic_gather %get3A_140[%gather3A_345] in [0] : vector<16xf32>, vector<16xi32> -> vector<16xf32>
          %get3A_347 = arith.constant 1 : i32
          %get3A_348 = arith.index_cast %get3A_347 : i32 to index
          %get3A_349 = arith.index_cast %scan3A_138 : i32 to index
          %get3A_350 = arith.constant 176 : index
          %get3A_351 = tpu.vector_load %arg7[%get3A_348, %get3A_349, %get3A_350] {strides = array<i32>} : memref<2x32x512xf32, #tpu.memory_space<vmem>>, vector<16xf32>,
          %bitcast3A_352 = vector.bitcast %get3A_351 : vector<16xf32> to vector<32xbf16>
          %unpack3A_353 = tpu.unpack_subelements %bitcast3A_352, 0 {pack_format = #tpu.pack_format<interleaved>} : vector<32xbf16> -> vector<16xf32>
          %unpack3A_354 = tpu.unpack_subelements %bitcast3A_352, 1 {pack_format = #tpu.pack_format<interleaved>} : vector<32xbf16> -> vector<16xf32>
          %mul3A_355 = arith.mulf %unpack3A_353, %gather3A_346 : vector<16xf32>
          %add3A_356 = arith.addf %add3A_288, %mul3A_355 : vector<16xf32>
          %mul3A_357 = arith.mulf %unpack3A_354, %gather3A_346 : vector<16xf32>
          %add3A_358 = arith.addf %add3A_290, %mul3A_357 : vector<16xf32>
          %broadcast_in_dim3A_359 = arith.constant 12 : i32
          %broadcast_in_dim3A_360 = vector.broadcast %broadcast_in_dim3A_359 : i32 to vector<16xi32>
          %reshape3A_361 = vector.shape_cast %broadcast_in_dim3A_360 : vector<16xi32> to vector<16x1xi32>
          %gather3A_362 = vector.shape_cast %reshape3A_361 : vector<16x1xi32> to vector<16xi32>
          %gather3A_363 = tpu.dynamic_gather %get3A_140[%gather3A_362] in [0] : vector<16xf32>, vector<16xi32> -> vector<16xf32>
          %get3A_364 = arith.constant 1 : i32
          %get3A_365 = arith.index_cast %get3A_364 : i32 to index
          %get3A_366 = arith.index_cast %scan3A_138 : i32 to index
          %get3A_367 = arith.constant 192 : index
          %get3A_368 = tpu.vector_load %arg7[%get3A_365, %get3A_366, %get3A_367] {strides = array<i32>} : memref<2x32x512xf32, #tpu.memory_space<vmem>>, vector<16xf32>,
          %bitcast3A_369 = vector.bitcast %get3A_368 : vector<16xf32> to vector<32xbf16>
          %unpack3A_370 = tpu.unpack_subelements %bitcast3A_369, 0 {pack_format = #tpu.pack_format<interleaved>} : vector<32xbf16> -> vector<16xf32>
          %unpack3A_371 = tpu.unpack_subelements %bitcast3A_369, 1 {pack_format = #tpu.pack_format<interleaved>} : vector<32xbf16> -> vector<16xf32>
          %mul3A_372 = arith.mulf %unpack3A_370, %gather3A_363 : vector<16xf32>
          %add3A_373 = arith.addf %add3A_305, %mul3A_372 : vector<16xf32>
          %mul3A_374 = arith.mulf %unpack3A_371, %gather3A_363 : vector<16xf32>
          %add3A_375 = arith.addf %add3A_307, %mul3A_374 : vector<16xf32>
          %broadcast_in_dim3A_376 = arith.constant 13 : i32
          %broadcast_in_dim3A_377 = vector.broadcast %broadcast_in_dim3A_376 : i32 to vector<16xi32>
          %reshape3A_378 = vector.shape_cast %broadcast_in_dim3A_377 : vector<16xi32> to vector<16x1xi32>
          %gather3A_379 = vector.shape_cast %reshape3A_378 : vector<16x1xi32> to vector<16xi32>
          %gather3A_380 = tpu.dynamic_gather %get3A_140[%gather3A_379] in [0] : vector<16xf32>, vector<16xi32> -> vector<16xf32>
          %get3A_381 = arith.constant 1 : i32
          %get3A_382 = arith.index_cast %get3A_381 : i32 to index
          %get3A_383 = arith.index_cast %scan3A_138 : i32 to index
          %get3A_384 = arith.constant 208 : index
          %get3A_385 = tpu.vector_load %arg7[%get3A_382, %get3A_383, %get3A_384] {strides = array<i32>} : memref<2x32x512xf32, #tpu.memory_space<vmem>>, vector<16xf32>,
          %bitcast3A_386 = vector.bitcast %get3A_385 : vector<16xf32> to vector<32xbf16>
          %unpack3A_387 = tpu.unpack_subelements %bitcast3A_386, 0 {pack_format = #tpu.pack_format<interleaved>} : vector<32xbf16> -> vector<16xf32>
          %unpack3A_388 = tpu.unpack_subelements %bitcast3A_386, 1 {pack_format = #tpu.pack_format<interleaved>} : vector<32xbf16> -> vector<16xf32>
          %mul3A_389 = arith.mulf %unpack3A_387, %gather3A_380 : vector<16xf32>
          %add3A_390 = arith.addf %add3A_322, %mul3A_389 : vector<16xf32>
          %mul3A_391 = arith.mulf %unpack3A_388, %gather3A_380 : vector<16xf32>
          %add3A_392 = arith.addf %add3A_324, %mul3A_391 : vector<16xf32>
          %broadcast_in_dim3A_393 = arith.constant 14 : i32
          %broadcast_in_dim3A_394 = vector.broadcast %broadcast_in_dim3A_393 : i32 to vector<16xi32>
          %reshape3A_395 = vector.shape_cast %broadcast_in_dim3A_394 : vector<16xi32> to vector<16x1xi32>
          %gather3A_396 = vector.shape_cast %reshape3A_395 : vector<16x1xi32> to vector<16xi32>
          %gather3A_397 = tpu.dynamic_gather %get3A_140[%gather3A_396] in [0] : vector<16xf32>, vector<16xi32> -> vector<16xf32>
          %get3A_398 = arith.constant 1 : i32
          %get3A_399 = arith.index_cast %get3A_398 : i32 to index
          %get3A_400 = arith.index_cast %scan3A_138 : i32 to index
          %get3A_401 = arith.constant 224 : index
          %get3A_402 = tpu.vector_load %arg7[%get3A_399, %get3A_400, %get3A_401] {strides = array<i32>} : memref<2x32x512xf32, #tpu.memory_space<vmem>>, vector<16xf32>,
          %bitcast3A_403 = vector.bitcast %get3A_402 : vector<16xf32> to vector<32xbf16>
          %unpack3A_404 = tpu.unpack_subelements %bitcast3A_403, 0 {pack_format = #tpu.pack_format<interleaved>} : vector<32xbf16> -> vector<16xf32>
          %unpack3A_405 = tpu.unpack_subelements %bitcast3A_403, 1 {pack_format = #tpu.pack_format<interleaved>} : vector<32xbf16> -> vector<16xf32>
          %mul3A_406 = arith.mulf %unpack3A_404, %gather3A_397 : vector<16xf32>
          %add3A_407 = arith.addf %add3A_339, %mul3A_406 : vector<16xf32>
          %mul3A_408 = arith.mulf %unpack3A_405, %gather3A_397 : vector<16xf32>
          %add3A_409 = arith.addf %add3A_341, %mul3A_408 : vector<16xf32>
          %broadcast_in_dim3A_410 = arith.constant 15 : i32
          %broadcast_in_dim3A_411 = vector.broadcast %broadcast_in_dim3A_410 : i32 to vector<16xi32>
          %reshape3A_412 = vector.shape_cast %broadcast_in_dim3A_411 : vector<16xi32> to vector<16x1xi32>
          %gather3A_413 = vector.shape_cast %reshape3A_412 : vector<16x1xi32> to vector<16xi32>
          %gather3A_414 = tpu.dynamic_gather %get3A_140[%gather3A_413] in [0] : vector<16xf32>, vector<16xi32> -> vector<16xf32>
          %get3A_415 = arith.constant 1 : i32
          %get3A_416 = arith.index_cast %get3A_415 : i32 to index
          %get3A_417 = arith.index_cast %scan3A_138 : i32 to index
          %get3A_418 = arith.constant 240 : index
          %get3A_419 = tpu.vector_load %arg7[%get3A_416, %get3A_417, %get3A_418] {strides = array<i32>} : memref<2x32x512xf32, #tpu.memory_space<vmem>>, vector<16xf32>,
          %bitcast3A_420 = vector.bitcast %get3A_419 : vector<16xf32> to vector<32xbf16>
          %unpack3A_421 = tpu.unpack_subelements %bitcast3A_420, 0 {pack_format = #tpu.pack_format<interleaved>} : vector<32xbf16> -> vector<16xf32>
          %unpack3A_422 = tpu.unpack_subelements %bitcast3A_420, 1 {pack_format = #tpu.pack_format<interleaved>} : vector<32xbf16> -> vector<16xf32>
          %mul3A_423 = arith.mulf %unpack3A_421, %gather3A_414 : vector<16xf32>
          %add3A_424 = arith.addf %add3A_356, %mul3A_423 : vector<16xf32>
          %mul3A_425 = arith.mulf %unpack3A_422, %gather3A_414 : vector<16xf32>
          %add3A_426 = arith.addf %add3A_358, %mul3A_425 : vector<16xf32>
          %broadcast_in_dim3A_427 = arith.constant 0 : i32
          %broadcast_in_dim3A_428 = vector.broadcast %broadcast_in_dim3A_427 : i32 to vector<16xi32>
          %reshape3A_429 = vector.shape_cast %broadcast_in_dim3A_428 : vector<16xi32> to vector<16x1xi32>
          %gather3A_430 = vector.shape_cast %reshape3A_429 : vector<16x1xi32> to vector<16xi32>
          %gather3A_431 = tpu.dynamic_gather %get3A_142[%gather3A_430] in [0] : vector<16xf32>, vector<16xi32> -> vector<16xf32>
          %get3A_432 = arith.constant 1 : i32
          %get3A_433 = arith.index_cast %get3A_432 : i32 to index
          %get3A_434 = arith.index_cast %scan3A_138 : i32 to index
          %get3A_435 = arith.constant 256 : index
          %get3A_436 = tpu.vector_load %arg7[%get3A_433, %get3A_434, %get3A_435] {strides = array<i32>} : memref<2x32x512xf32, #tpu.memory_space<vmem>>, vector<16xf32>,
          %bitcast3A_437 = vector.bitcast %get3A_436 : vector<16xf32> to vector<32xbf16>
          %unpack3A_438 = tpu.unpack_subelements %bitcast3A_437, 0 {pack_format = #tpu.pack_format<interleaved>} : vector<32xbf16> -> vector<16xf32>
          %unpack3A_439 = tpu.unpack_subelements %bitcast3A_437, 1 {pack_format = #tpu.pack_format<interleaved>} : vector<32xbf16> -> vector<16xf32>
          %mul3A_440 = arith.mulf %unpack3A_438, %gather3A_431 : vector<16xf32>
          %add3A_441 = arith.addf %add3A_373, %mul3A_440 : vector<16xf32>
          %mul3A_442 = arith.mulf %unpack3A_439, %gather3A_431 : vector<16xf32>
          %add3A_443 = arith.addf %add3A_375, %mul3A_442 : vector<16xf32>
          %broadcast_in_dim3A_444 = arith.constant 1 : i32
          %broadcast_in_dim3A_445 = vector.broadcast %broadcast_in_dim3A_444 : i32 to vector<16xi32>
          %reshape3A_446 = vector.shape_cast %broadcast_in_dim3A_445 : vector<16xi32> to vector<16x1xi32>
          %gather3A_447 = vector.shape_cast %reshape3A_446 : vector<16x1xi32> to vector<16xi32>
          %gather3A_448 = tpu.dynamic_gather %get3A_142[%gather3A_447] in [0] : vector<16xf32>, vector<16xi32> -> vector<16xf32>
          %get3A_449 = arith.constant 1 : i32
          %get3A_450 = arith.index_cast %get3A_449 : i32 to index
          %get3A_451 = arith.index_cast %scan3A_138 : i32 to index
          %get3A_452 = arith.constant 272 : index
          %get3A_453 = tpu.vector_load %arg7[%get3A_450, %get3A_451, %get3A_452] {strides = array<i32>} : memref<2x32x512xf32, #tpu.memory_space<vmem>>, vector<16xf32>,
          %bitcast3A_454 = vector.bitcast %get3A_453 : vector<16xf32> to vector<32xbf16>
          %unpack3A_455 = tpu.unpack_subelements %bitcast3A_454, 0 {pack_format = #tpu.pack_format<interleaved>} : vector<32xbf16> -> vector<16xf32>
          %unpack3A_456 = tpu.unpack_subelements %bitcast3A_454, 1 {pack_format = #tpu.pack_format<interleaved>} : vector<32xbf16> -> vector<16xf32>
          %mul3A_457 = arith.mulf %unpack3A_455, %gather3A_448 : vector<16xf32>
          %add3A_458 = arith.addf %add3A_390, %mul3A_457 : vector<16xf32>
          %mul3A_459 = arith.mulf %unpack3A_456, %gather3A_448 : vector<16xf32>
          %add3A_460 = arith.addf %add3A_392, %mul3A_459 : vector<16xf32>
          %broadcast_in_dim3A_461 = arith.constant 2 : i32
          %broadcast_in_dim3A_462 = vector.broadcast %broadcast_in_dim3A_461 : i32 to vector<16xi32>
          %reshape3A_463 = vector.shape_cast %broadcast_in_dim3A_462 : vector<16xi32> to vector<16x1xi32>
          %gather3A_464 = vector.shape_cast %reshape3A_463 : vector<16x1xi32> to vector<16xi32>
          %gather3A_465 = tpu.dynamic_gather %get3A_142[%gather3A_464] in [0] : vector<16xf32>, vector<16xi32> -> vector<16xf32>
          %get3A_466 = arith.constant 1 : i32
          %get3A_467 = arith.index_cast %get3A_466 : i32 to index
          %get3A_468 = arith.index_cast %scan3A_138 : i32 to index
          %get3A_469 = arith.constant 288 : index
          %get3A_470 = tpu.vector_load %arg7[%get3A_467, %get3A_468, %get3A_469] {strides = array<i32>} : memref<2x32x512xf32, #tpu.memory_space<vmem>>, vector<16xf32>,
          %bitcast3A_471 = vector.bitcast %get3A_470 : vector<16xf32> to vector<32xbf16>
          %unpack3A_472 = tpu.unpack_subelements %bitcast3A_471, 0 {pack_format = #tpu.pack_format<interleaved>} : vector<32xbf16> -> vector<16xf32>
          %unpack3A_473 = tpu.unpack_subelements %bitcast3A_471, 1 {pack_format = #tpu.pack_format<interleaved>} : vector<32xbf16> -> vector<16xf32>
          %mul3A_474 = arith.mulf %unpack3A_472, %gather3A_465 : vector<16xf32>
          %add3A_475 = arith.addf %add3A_407, %mul3A_474 : vector<16xf32>
          %mul3A_476 = arith.mulf %unpack3A_473, %gather3A_465 : vector<16xf32>
          %add3A_477 = arith.addf %add3A_409, %mul3A_476 : vector<16xf32>
          %broadcast_in_dim3A_478 = arith.constant 3 : i32
          %broadcast_in_dim3A_479 = vector.broadcast %broadcast_in_dim3A_478 : i32 to vector<16xi32>
          %reshape3A_480 = vector.shape_cast %broadcast_in_dim3A_479 : vector<16xi32> to vector<16x1xi32>
          %gather3A_481 = vector.shape_cast %reshape3A_480 : vector<16x1xi32> to vector<16xi32>
          %gather3A_482 = tpu.dynamic_gather %get3A_142[%gather3A_481] in [0] : vector<16xf32>, vector<16xi32> -> vector<16xf32>
          %get3A_483 = arith.constant 1 : i32
          %get3A_484 = arith.index_cast %get3A_483 : i32 to index
          %get3A_485 = arith.index_cast %scan3A_138 : i32 to index
          %get3A_486 = arith.constant 304 : index
          %get3A_487 = tpu.vector_load %arg7[%get3A_484, %get3A_485, %get3A_486] {strides = array<i32>} : memref<2x32x512xf32, #tpu.memory_space<vmem>>, vector<16xf32>,
          %bitcast3A_488 = vector.bitcast %get3A_487 : vector<16xf32> to vector<32xbf16>
          %unpack3A_489 = tpu.unpack_subelements %bitcast3A_488, 0 {pack_format = #tpu.pack_format<interleaved>} : vector<32xbf16> -> vector<16xf32>
          %unpack3A_490 = tpu.unpack_subelements %bitcast3A_488, 1 {pack_format = #tpu.pack_format<interleaved>} : vector<32xbf16> -> vector<16xf32>
          %mul3A_491 = arith.mulf %unpack3A_489, %gather3A_482 : vector<16xf32>
          %add3A_492 = arith.addf %add3A_424, %mul3A_491 : vector<16xf32>
          %mul3A_493 = arith.mulf %unpack3A_490, %gather3A_482 : vector<16xf32>
          %add3A_494 = arith.addf %add3A_426, %mul3A_493 : vector<16xf32>
          %broadcast_in_dim3A_495 = arith.constant 4 : i32
          %broadcast_in_dim3A_496 = vector.broadcast %broadcast_in_dim3A_495 : i32 to vector<16xi32>
          %reshape3A_497 = vector.shape_cast %broadcast_in_dim3A_496 : vector<16xi32> to vector<16x1xi32>
          %gather3A_498 = vector.shape_cast %reshape3A_497 : vector<16x1xi32> to vector<16xi32>
          %gather3A_499 = tpu.dynamic_gather %get3A_142[%gather3A_498] in [0] : vector<16xf32>, vector<16xi32> -> vector<16xf32>
          %get3A_500 = arith.constant 1 : i32
          %get3A_501 = arith.index_cast %get3A_500 : i32 to index
          %get3A_502 = arith.index_cast %scan3A_138 : i32 to index
          %get3A_503 = arith.constant 320 : index
          %get3A_504 = tpu.vector_load %arg7[%get3A_501, %get3A_502, %get3A_503] {strides = array<i32>} : memref<2x32x512xf32, #tpu.memory_space<vmem>>, vector<16xf32>,
          %bitcast3A_505 = vector.bitcast %get3A_504 : vector<16xf32> to vector<32xbf16>
          %unpack3A_506 = tpu.unpack_subelements %bitcast3A_505, 0 {pack_format = #tpu.pack_format<interleaved>} : vector<32xbf16> -> vector<16xf32>
          %unpack3A_507 = tpu.unpack_subelements %bitcast3A_505, 1 {pack_format = #tpu.pack_format<interleaved>} : vector<32xbf16> -> vector<16xf32>
          %mul3A_508 = arith.mulf %unpack3A_506, %gather3A_499 : vector<16xf32>
          %add3A_509 = arith.addf %add3A_441, %mul3A_508 : vector<16xf32>
          %mul3A_510 = arith.mulf %unpack3A_507, %gather3A_499 : vector<16xf32>
          %add3A_511 = arith.addf %add3A_443, %mul3A_510 : vector<16xf32>
          %broadcast_in_dim3A_512 = arith.constant 5 : i32
          %broadcast_in_dim3A_513 = vector.broadcast %broadcast_in_dim3A_512 : i32 to vector<16xi32>
          %reshape3A_514 = vector.shape_cast %broadcast_in_dim3A_513 : vector<16xi32> to vector<16x1xi32>
          %gather3A_515 = vector.shape_cast %reshape3A_514 : vector<16x1xi32> to vector<16xi32>
          %gather3A_516 = tpu.dynamic_gather %get3A_142[%gather3A_515] in [0] : vector<16xf32>, vector<16xi32> -> vector<16xf32>
          %get3A_517 = arith.constant 1 : i32
          %get3A_518 = arith.index_cast %get3A_517 : i32 to index
          %get3A_519 = arith.index_cast %scan3A_138 : i32 to index
          %get3A_520 = arith.constant 336 : index
          %get3A_521 = tpu.vector_load %arg7[%get3A_518, %get3A_519, %get3A_520] {strides = array<i32>} : memref<2x32x512xf32, #tpu.memory_space<vmem>>, vector<16xf32>,
          %bitcast3A_522 = vector.bitcast %get3A_521 : vector<16xf32> to vector<32xbf16>
          %unpack3A_523 = tpu.unpack_subelements %bitcast3A_522, 0 {pack_format = #tpu.pack_format<interleaved>} : vector<32xbf16> -> vector<16xf32>
          %unpack3A_524 = tpu.unpack_subelements %bitcast3A_522, 1 {pack_format = #tpu.pack_format<interleaved>} : vector<32xbf16> -> vector<16xf32>
          %mul3A_525 = arith.mulf %unpack3A_523, %gather3A_516 : vector<16xf32>
          %add3A_526 = arith.addf %add3A_458, %mul3A_525 : vector<16xf32>
          %mul3A_527 = arith.mulf %unpack3A_524, %gather3A_516 : vector<16xf32>
          %add3A_528 = arith.addf %add3A_460, %mul3A_527 : vector<16xf32>
          %broadcast_in_dim3A_529 = arith.constant 6 : i32
          %broadcast_in_dim3A_530 = vector.broadcast %broadcast_in_dim3A_529 : i32 to vector<16xi32>
          %reshape3A_531 = vector.shape_cast %broadcast_in_dim3A_530 : vector<16xi32> to vector<16x1xi32>
          %gather3A_532 = vector.shape_cast %reshape3A_531 : vector<16x1xi32> to vector<16xi32>
          %gather3A_533 = tpu.dynamic_gather %get3A_142[%gather3A_532] in [0] : vector<16xf32>, vector<16xi32> -> vector<16xf32>
          %get3A_534 = arith.constant 1 : i32
          %get3A_535 = arith.index_cast %get3A_534 : i32 to index
          %get3A_536 = arith.index_cast %scan3A_138 : i32 to index
          %get3A_537 = arith.constant 352 : index
          %get3A_538 = tpu.vector_load %arg7[%get3A_535, %get3A_536, %get3A_537] {strides = array<i32>} : memref<2x32x512xf32, #tpu.memory_space<vmem>>, vector<16xf32>,
          %bitcast3A_539 = vector.bitcast %get3A_538 : vector<16xf32> to vector<32xbf16>
          %unpack3A_540 = tpu.unpack_subelements %bitcast3A_539, 0 {pack_format = #tpu.pack_format<interleaved>} : vector<32xbf16> -> vector<16xf32>
          %unpack3A_541 = tpu.unpack_subelements %bitcast3A_539, 1 {pack_format = #tpu.pack_format<interleaved>} : vector<32xbf16> -> vector<16xf32>
          %mul3A_542 = arith.mulf %unpack3A_540, %gather3A_533 : vector<16xf32>
          %add3A_543 = arith.addf %add3A_475, %mul3A_542 : vector<16xf32>
          %mul3A_544 = arith.mulf %unpack3A_541, %gather3A_533 : vector<16xf32>
          %add3A_545 = arith.addf %add3A_477, %mul3A_544 : vector<16xf32>
          %broadcast_in_dim3A_546 = arith.constant 7 : i32
          %broadcast_in_dim3A_547 = vector.broadcast %broadcast_in_dim3A_546 : i32 to vector<16xi32>
          %reshape3A_548 = vector.shape_cast %broadcast_in_dim3A_547 : vector<16xi32> to vector<16x1xi32>
          %gather3A_549 = vector.shape_cast %reshape3A_548 : vector<16x1xi32> to vector<16xi32>
          %gather3A_550 = tpu.dynamic_gather %get3A_142[%gather3A_549] in [0] : vector<16xf32>, vector<16xi32> -> vector<16xf32>
          %get3A_551 = arith.constant 1 : i32
          %get3A_552 = arith.index_cast %get3A_551 : i32 to index
          %get3A_553 = arith.index_cast %scan3A_138 : i32 to index
          %get3A_554 = arith.constant 368 : index
          %get3A_555 = tpu.vector_load %arg7[%get3A_552, %get3A_553, %get3A_554] {strides = array<i32>} : memref<2x32x512xf32, #tpu.memory_space<vmem>>, vector<16xf32>,
          %bitcast3A_556 = vector.bitcast %get3A_555 : vector<16xf32> to vector<32xbf16>
          %unpack3A_557 = tpu.unpack_subelements %bitcast3A_556, 0 {pack_format = #tpu.pack_format<interleaved>} : vector<32xbf16> -> vector<16xf32>
          %unpack3A_558 = tpu.unpack_subelements %bitcast3A_556, 1 {pack_format = #tpu.pack_format<interleaved>} : vector<32xbf16> -> vector<16xf32>
          %mul3A_559 = arith.mulf %unpack3A_557, %gather3A_550 : vector<16xf32>
          %add3A_560 = arith.addf %add3A_492, %mul3A_559 : vector<16xf32>
          %mul3A_561 = arith.mulf %unpack3A_558, %gather3A_550 : vector<16xf32>
          %add3A_562 = arith.addf %add3A_494, %mul3A_561 : vector<16xf32>
          %broadcast_in_dim3A_563 = arith.constant 8 : i32
          %broadcast_in_dim3A_564 = vector.broadcast %broadcast_in_dim3A_563 : i32 to vector<16xi32>
          %reshape3A_565 = vector.shape_cast %broadcast_in_dim3A_564 : vector<16xi32> to vector<16x1xi32>
          %gather3A_566 = vector.shape_cast %reshape3A_565 : vector<16x1xi32> to vector<16xi32>
          %gather3A_567 = tpu.dynamic_gather %get3A_142[%gather3A_566] in [0] : vector<16xf32>, vector<16xi32> -> vector<16xf32>
          %get3A_568 = arith.constant 1 : i32
          %get3A_569 = arith.index_cast %get3A_568 : i32 to index
          %get3A_570 = arith.index_cast %scan3A_138 : i32 to index
          %get3A_571 = arith.constant 384 : index
          %get3A_572 = tpu.vector_load %arg7[%get3A_569, %get3A_570, %get3A_571] {strides = array<i32>} : memref<2x32x512xf32, #tpu.memory_space<vmem>>, vector<16xf32>,
          %bitcast3A_573 = vector.bitcast %get3A_572 : vector<16xf32> to vector<32xbf16>
          %unpack3A_574 = tpu.unpack_subelements %bitcast3A_573, 0 {pack_format = #tpu.pack_format<interleaved>} : vector<32xbf16> -> vector<16xf32>
          %unpack3A_575 = tpu.unpack_subelements %bitcast3A_573, 1 {pack_format = #tpu.pack_format<interleaved>} : vector<32xbf16> -> vector<16xf32>
          %mul3A_576 = arith.mulf %unpack3A_574, %gather3A_567 : vector<16xf32>
          %add3A_577 = arith.addf %add3A_509, %mul3A_576 : vector<16xf32>
          %mul3A_578 = arith.mulf %unpack3A_575, %gather3A_567 : vector<16xf32>
          %add3A_579 = arith.addf %add3A_511, %mul3A_578 : vector<16xf32>
          %broadcast_in_dim3A_580 = arith.constant 9 : i32
          %broadcast_in_dim3A_581 = vector.broadcast %broadcast_in_dim3A_580 : i32 to vector<16xi32>
          %reshape3A_582 = vector.shape_cast %broadcast_in_dim3A_581 : vector<16xi32> to vector<16x1xi32>
          %gather3A_583 = vector.shape_cast %reshape3A_582 : vector<16x1xi32> to vector<16xi32>
          %gather3A_584 = tpu.dynamic_gather %get3A_142[%gather3A_583] in [0] : vector<16xf32>, vector<16xi32> -> vector<16xf32>
          %get3A_585 = arith.constant 1 : i32
          %get3A_586 = arith.index_cast %get3A_585 : i32 to index
          %get3A_587 = arith.index_cast %scan3A_138 : i32 to index
          %get3A_588 = arith.constant 400 : index
          %get3A_589 = tpu.vector_load %arg7[%get3A_586, %get3A_587, %get3A_588] {strides = array<i32>} : memref<2x32x512xf32, #tpu.memory_space<vmem>>, vector<16xf32>,
          %bitcast3A_590 = vector.bitcast %get3A_589 : vector<16xf32> to vector<32xbf16>
          %unpack3A_591 = tpu.unpack_subelements %bitcast3A_590, 0 {pack_format = #tpu.pack_format<interleaved>} : vector<32xbf16> -> vector<16xf32>
          %unpack3A_592 = tpu.unpack_subelements %bitcast3A_590, 1 {pack_format = #tpu.pack_format<interleaved>} : vector<32xbf16> -> vector<16xf32>
          %mul3A_593 = arith.mulf %unpack3A_591, %gather3A_584 : vector<16xf32>
          %add3A_594 = arith.addf %add3A_526, %mul3A_593 : vector<16xf32>
          %mul3A_595 = arith.mulf %unpack3A_592, %gather3A_584 : vector<16xf32>
          %add3A_596 = arith.addf %add3A_528, %mul3A_595 : vector<16xf32>
          %broadcast_in_dim3A_597 = arith.constant 10 : i32
          %broadcast_in_dim3A_598 = vector.broadcast %broadcast_in_dim3A_597 : i32 to vector<16xi32>
          %reshape3A_599 = vector.shape_cast %broadcast_in_dim3A_598 : vector<16xi32> to vector<16x1xi32>
          %gather3A_600 = vector.shape_cast %reshape3A_599 : vector<16x1xi32> to vector<16xi32>
          %gather3A_601 = tpu.dynamic_gather %get3A_142[%gather3A_600] in [0] : vector<16xf32>, vector<16xi32> -> vector<16xf32>
          %get3A_602 = arith.constant 1 : i32
          %get3A_603 = arith.index_cast %get3A_602 : i32 to index
          %get3A_604 = arith.index_cast %scan3A_138 : i32 to index
          %get3A_605 = arith.constant 416 : index
          %get3A_606 = tpu.vector_load %arg7[%get3A_603, %get3A_604, %get3A_605] {strides = array<i32>} : memref<2x32x512xf32, #tpu.memory_space<vmem>>, vector<16xf32>,
          %bitcast3A_607 = vector.bitcast %get3A_606 : vector<16xf32> to vector<32xbf16>
          %unpack3A_608 = tpu.unpack_subelements %bitcast3A_607, 0 {pack_format = #tpu.pack_format<interleaved>} : vector<32xbf16> -> vector<16xf32>
          %unpack3A_609 = tpu.unpack_subelements %bitcast3A_607, 1 {pack_format = #tpu.pack_format<interleaved>} : vector<32xbf16> -> vector<16xf32>
          %mul3A_610 = arith.mulf %unpack3A_608, %gather3A_601 : vector<16xf32>
          %add3A_611 = arith.addf %add3A_543, %mul3A_610 : vector<16xf32>
          %mul3A_612 = arith.mulf %unpack3A_609, %gather3A_601 : vector<16xf32>
          %add3A_613 = arith.addf %add3A_545, %mul3A_612 : vector<16xf32>
          %broadcast_in_dim3A_614 = arith.constant 11 : i32
          %broadcast_in_dim3A_615 = vector.broadcast %broadcast_in_dim3A_614 : i32 to vector<16xi32>
          %reshape3A_616 = vector.shape_cast %broadcast_in_dim3A_615 : vector<16xi32> to vector<16x1xi32>
          %gather3A_617 = vector.shape_cast %reshape3A_616 : vector<16x1xi32> to vector<16xi32>
          %gather3A_618 = tpu.dynamic_gather %get3A_142[%gather3A_617] in [0] : vector<16xf32>, vector<16xi32> -> vector<16xf32>
          %get3A_619 = arith.constant 1 : i32
          %get3A_620 = arith.index_cast %get3A_619 : i32 to index
          %get3A_621 = arith.index_cast %scan3A_138 : i32 to index
          %get3A_622 = arith.constant 432 : index
          %get3A_623 = tpu.vector_load %arg7[%get3A_620, %get3A_621, %get3A_622] {strides = array<i32>} : memref<2x32x512xf32, #tpu.memory_space<vmem>>, vector<16xf32>,
          %bitcast3A_624 = vector.bitcast %get3A_623 : vector<16xf32> to vector<32xbf16>
          %unpack3A_625 = tpu.unpack_subelements %bitcast3A_624, 0 {pack_format = #tpu.pack_format<interleaved>} : vector<32xbf16> -> vector<16xf32>
          %unpack3A_626 = tpu.unpack_subelements %bitcast3A_624, 1 {pack_format = #tpu.pack_format<interleaved>} : vector<32xbf16> -> vector<16xf32>
          %mul3A_627 = arith.mulf %unpack3A_625, %gather3A_618 : vector<16xf32>
          %add3A_628 = arith.addf %add3A_560, %mul3A_627 : vector<16xf32>
          %mul3A_629 = arith.mulf %unpack3A_626, %gather3A_618 : vector<16xf32>
          %add3A_630 = arith.addf %add3A_562, %mul3A_629 : vector<16xf32>
          %broadcast_in_dim3A_631 = arith.constant 12 : i32
          %broadcast_in_dim3A_632 = vector.broadcast %broadcast_in_dim3A_631 : i32 to vector<16xi32>
          %reshape3A_633 = vector.shape_cast %broadcast_in_dim3A_632 : vector<16xi32> to vector<16x1xi32>
          %gather3A_634 = vector.shape_cast %reshape3A_633 : vector<16x1xi32> to vector<16xi32>
          %gather3A_635 = tpu.dynamic_gather %get3A_142[%gather3A_634] in [0] : vector<16xf32>, vector<16xi32> -> vector<16xf32>
          %get3A_636 = arith.constant 1 : i32
          %get3A_637 = arith.index_cast %get3A_636 : i32 to index
          %get3A_638 = arith.index_cast %scan3A_138 : i32 to index
          %get3A_639 = arith.constant 448 : index
          %get3A_640 = tpu.vector_load %arg7[%get3A_637, %get3A_638, %get3A_639] {strides = array<i32>} : memref<2x32x512xf32, #tpu.memory_space<vmem>>, vector<16xf32>,
          %bitcast3A_641 = vector.bitcast %get3A_640 : vector<16xf32> to vector<32xbf16>
          %unpack3A_642 = tpu.unpack_subelements %bitcast3A_641, 0 {pack_format = #tpu.pack_format<interleaved>} : vector<32xbf16> -> vector<16xf32>
          %unpack3A_643 = tpu.unpack_subelements %bitcast3A_641, 1 {pack_format = #tpu.pack_format<interleaved>} : vector<32xbf16> -> vector<16xf32>
          %mul3A_644 = arith.mulf %unpack3A_642, %gather3A_635 : vector<16xf32>
          %add3A_645 = arith.addf %add3A_577, %mul3A_644 : vector<16xf32>
          %mul3A_646 = arith.mulf %unpack3A_643, %gather3A_635 : vector<16xf32>
          %add3A_647 = arith.addf %add3A_579, %mul3A_646 : vector<16xf32>
          %broadcast_in_dim3A_648 = arith.constant 13 : i32
          %broadcast_in_dim3A_649 = vector.broadcast %broadcast_in_dim3A_648 : i32 to vector<16xi32>
          %reshape3A_650 = vector.shape_cast %broadcast_in_dim3A_649 : vector<16xi32> to vector<16x1xi32>
          %gather3A_651 = vector.shape_cast %reshape3A_650 : vector<16x1xi32> to vector<16xi32>
          %gather3A_652 = tpu.dynamic_gather %get3A_142[%gather3A_651] in [0] : vector<16xf32>, vector<16xi32> -> vector<16xf32>
          %get3A_653 = arith.constant 1 : i32
          %get3A_654 = arith.index_cast %get3A_653 : i32 to index
          %get3A_655 = arith.index_cast %scan3A_138 : i32 to index
          %get3A_656 = arith.constant 464 : index
          %get3A_657 = tpu.vector_load %arg7[%get3A_654, %get3A_655, %get3A_656] {strides = array<i32>} : memref<2x32x512xf32, #tpu.memory_space<vmem>>, vector<16xf32>,
          %bitcast3A_658 = vector.bitcast %get3A_657 : vector<16xf32> to vector<32xbf16>
          %unpack3A_659 = tpu.unpack_subelements %bitcast3A_658, 0 {pack_format = #tpu.pack_format<interleaved>} : vector<32xbf16> -> vector<16xf32>
          %unpack3A_660 = tpu.unpack_subelements %bitcast3A_658, 1 {pack_format = #tpu.pack_format<interleaved>} : vector<32xbf16> -> vector<16xf32>
          %mul3A_661 = arith.mulf %unpack3A_659, %gather3A_652 : vector<16xf32>
          %add3A_662 = arith.addf %add3A_594, %mul3A_661 : vector<16xf32>
          %mul3A_663 = arith.mulf %unpack3A_660, %gather3A_652 : vector<16xf32>
          %add3A_664 = arith.addf %add3A_596, %mul3A_663 : vector<16xf32>
          %broadcast_in_dim3A_665 = arith.constant 14 : i32
          %broadcast_in_dim3A_666 = vector.broadcast %broadcast_in_dim3A_665 : i32 to vector<16xi32>
          %reshape3A_667 = vector.shape_cast %broadcast_in_dim3A_666 : vector<16xi32> to vector<16x1xi32>
          %gather3A_668 = vector.shape_cast %reshape3A_667 : vector<16x1xi32> to vector<16xi32>
          %gather3A_669 = tpu.dynamic_gather %get3A_142[%gather3A_668] in [0] : vector<16xf32>, vector<16xi32> -> vector<16xf32>
          %get3A_670 = arith.constant 1 : i32
          %get3A_671 = arith.index_cast %get3A_670 : i32 to index
          %get3A_672 = arith.index_cast %scan3A_138 : i32 to index
          %get3A_673 = arith.constant 480 : index
          %get3A_674 = tpu.vector_load %arg7[%get3A_671, %get3A_672, %get3A_673] {strides = array<i32>} : memref<2x32x512xf32, #tpu.memory_space<vmem>>, vector<16xf32>,
          %bitcast3A_675 = vector.bitcast %get3A_674 : vector<16xf32> to vector<32xbf16>
          %unpack3A_676 = tpu.unpack_subelements %bitcast3A_675, 0 {pack_format = #tpu.pack_format<interleaved>} : vector<32xbf16> -> vector<16xf32>
          %unpack3A_677 = tpu.unpack_subelements %bitcast3A_675, 1 {pack_format = #tpu.pack_format<interleaved>} : vector<32xbf16> -> vector<16xf32>
          %mul3A_678 = arith.mulf %unpack3A_676, %gather3A_669 : vector<16xf32>
          %add3A_679 = arith.addf %add3A_611, %mul3A_678 : vector<16xf32>
          %mul3A_680 = arith.mulf %unpack3A_677, %gather3A_669 : vector<16xf32>
          %add3A_681 = arith.addf %add3A_613, %mul3A_680 : vector<16xf32>
          %broadcast_in_dim3A_682 = arith.constant 15 : i32
          %broadcast_in_dim3A_683 = vector.broadcast %broadcast_in_dim3A_682 : i32 to vector<16xi32>
          %reshape3A_684 = vector.shape_cast %broadcast_in_dim3A_683 : vector<16xi32> to vector<16x1xi32>
          %gather3A_685 = vector.shape_cast %reshape3A_684 : vector<16x1xi32> to vector<16xi32>
          %gather3A_686 = tpu.dynamic_gather %get3A_142[%gather3A_685] in [0] : vector<16xf32>, vector<16xi32> -> vector<16xf32>
          %get3A_687 = arith.constant 1 : i32
          %get3A_688 = arith.index_cast %get3A_687 : i32 to index
          %get3A_689 = arith.index_cast %scan3A_138 : i32 to index
          %get3A_690 = arith.constant 496 : index
          %get3A_691 = tpu.vector_load %arg7[%get3A_688, %get3A_689, %get3A_690] {strides = array<i32>} : memref<2x32x512xf32, #tpu.memory_space<vmem>>, vector<16xf32>,
          %bitcast3A_692 = vector.bitcast %get3A_691 : vector<16xf32> to vector<32xbf16>
          %unpack3A_693 = tpu.unpack_subelements %bitcast3A_692, 0 {pack_format = #tpu.pack_format<interleaved>} : vector<32xbf16> -> vector<16xf32>
          %unpack3A_694 = tpu.unpack_subelements %bitcast3A_692, 1 {pack_format = #tpu.pack_format<interleaved>} : vector<32xbf16> -> vector<16xf32>
          %mul3A_695 = arith.mulf %unpack3A_693, %gather3A_686 : vector<16xf32>
          %add3A_696 = arith.addf %add3A_628, %mul3A_695 : vector<16xf32>
          %mul3A_697 = arith.mulf %unpack3A_694, %gather3A_686 : vector<16xf32>
          %add3A_698 = arith.addf %add3A_630, %mul3A_697 : vector<16xf32>
          %add3A_699 = arith.addf %add3A_645, %add3A_662 : vector<16xf32>
          %add3A_700 = arith.addf %add3A_679, %add3A_696 : vector<16xf32>
          %add3A_701 = arith.addf %add3A_699, %add3A_700 : vector<16xf32>
          %add3A_702 = arith.addf %add3A_647, %add3A_664 : vector<16xf32>
          %add3A_703 = arith.addf %add3A_681, %add3A_698 : vector<16xf32>
          %add3A_704 = arith.addf %add3A_702, %add3A_703 : vector<16xf32>
          %swap3A_705 = arith.constant 0 : index
          %swap3A_706 = tpu.vector_load %arg8[%swap3A_705] {strides = array<i32>} : memref<32xf32, #tpu.memory_space<vmem>>, vector<16xf32>,
          tpu.vector_store %arg8[%swap3A_705], %add3A_701 {strides = array<i32>} : memref<32xf32, #tpu.memory_space<vmem>>, vector<16xf32>,
          %swap3A_707 = arith.constant 16 : index
          %swap3A_708 = tpu.vector_load %arg8[%swap3A_707] {strides = array<i32>} : memref<32xf32, #tpu.memory_space<vmem>>, vector<16xf32>,
          tpu.vector_store %arg8[%swap3A_707], %add3A_704 {strides = array<i32>} : memref<32xf32, #tpu.memory_space<vmem>>, vector<16xf32>,
          %and3A_709 = arith.constant 3 : i32
          %and3A_710 = arith.andi %scan3A_138, %and3A_709 : i32
          %eq3A = arith.constant 3 : i32
          %eq3A_711 = arith.cmpi eq, %and3A_710, %eq3A : i32
          %convert_element_type3A_712 = arith.extui %eq3A_711 : i1 to i32
          %cond3A_713 = arith.constant 0 : i32
          %cond3A_714 = arith.cmpi ne, %convert_element_type3A_712, %cond3A_713 : i32
          scf.if %cond3A_714 {
            %get3A_715 = arith.constant 0 : index
            %get3A_716 = tpu.vector_load %arg8[%get3A_715] {strides = array<i32>} : memref<32xf32, #tpu.memory_space<vmem>>, vector<16xf32>,
            %get3A_717 = arith.constant 16 : index
            %get3A_718 = tpu.vector_load %arg8[%get3A_717] {strides = array<i32>} : memref<32xf32, #tpu.memory_space<vmem>>, vector<16xf32>,
            %add3A_719 = arith.addf %get3A_716, %get3A_718 : vector<16xf32>
            %reduce_sum3A_720 = arith.constant true
            %reduce_sum3A_721 = vector.broadcast %reduce_sum3A_720 : i1 to vector<16xi1>
            %reduce_sum3A_722 = tpu.scan <sum>, %add3A_719 masked %reduce_sum3A_721 : vector<16xf32>, vector<16xi1> -> vector<16xf32>
            %reduce_sum3A_723 = vector.extract %reduce_sum3A_722[15] : f32 from vector<16xf32>
            %broadcast_in_dim3A_724 = vector.broadcast %reduce_sum3A_723 : f32 to vector<16xf32>
            %bitcast3A_725 = vector.bitcast %broadcast_in_dim3A_724 : vector<16xf32> to vector<16xi32>
            %shift_right_arithmetic3A = arith.constant 23 : i32
            %shift_right_arithmetic3A_726 = vector.broadcast %shift_right_arithmetic3A : i32 to vector<16xi32>
            %shift_right_arithmetic3A_727 = arith.shrsi %bitcast3A_725, %shift_right_arithmetic3A_726 : vector<16xi32>
            %sub3A_728 = arith.constant 127 : i32
            %sub3A_729 = vector.broadcast %sub3A_728 : i32 to vector<16xi32>
            %sub3A_730 = arith.subi %shift_right_arithmetic3A_727, %sub3A_729 : vector<16xi32>
            %sub3A_731 = arith.constant 127 : i32
            %sub3A_732 = vector.broadcast %sub3A_731 : i32 to vector<16xi32>
            %sub3A_733 = arith.subi %sub3A_732, %sub3A_730 : vector<16xi32>
            %shift_left3A = arith.constant 23 : i32
            %shift_left3A_734 = vector.broadcast %shift_left3A : i32 to vector<16xi32>
            %shift_left3A_735 = arith.shli %sub3A_733, %shift_left3A_734 : vector<16xi32>
            %bitcast3A_736 = vector.bitcast %shift_left3A_735 : vector<16xi32> to vector<16xf32>
            %mul3A_737 = arith.mulf %get3A_716, %bitcast3A_736 : vector<16xf32>
            %swap3A_738 = arith.constant 0 : index
            %swap3A_739 = tpu.vector_load %arg8[%swap3A_738] {strides = array<i32>} : memref<32xf32, #tpu.memory_space<vmem>>, vector<16xf32>,
            tpu.vector_store %arg8[%swap3A_738], %mul3A_737 {strides = array<i32>} : memref<32xf32, #tpu.memory_space<vmem>>, vector<16xf32>,
            %mul3A_740 = arith.mulf %get3A_718, %bitcast3A_736 : vector<16xf32>
            %swap3A_741 = arith.constant 16 : index
            %swap3A_742 = tpu.vector_load %arg8[%swap3A_741] {strides = array<i32>} : memref<32xf32, #tpu.memory_space<vmem>>, vector<16xf32>,
            tpu.vector_store %arg8[%swap3A_741], %mul3A_740 {strides = array<i32>} : memref<32xf32, #tpu.memory_space<vmem>>, vector<16xf32>,
            %get3A_743 = arith.constant 0 : index
            %get3A_744 = tpu.vector_load %arg9[%get3A_743] {strides = array<i32>} : memref<16xf32, #tpu.memory_space<vmem>>, vector<16xf32>,
            %convert_element_type3A_745 = arith.sitofp %sub3A_730 : vector<16xi32> to vector<16xf32>
            %add3A_746 = arith.addf %get3A_744, %convert_element_type3A_745 : vector<16xf32>
            %swap3A_747 = arith.constant 0 : index
            %swap3A_748 = tpu.vector_load %arg9[%swap3A_747] {strides = array<i32>} : memref<16xf32, #tpu.memory_space<vmem>>, vector<16xf32>,
            tpu.vector_store %arg9[%swap3A_747], %add3A_746 {strides = array<i32>} : memref<16xf32, #tpu.memory_space<vmem>>, vector<16xf32>,
          } else {
          }
        }
        %scan3A_137 = arith.constant 32 : i32
      }
      %while3A_74 = arith.constant 1 : i32
      scf.for %while3A_85 = %while3A_72 to %while3A_68 step %while3A_74  : i32 {
        %mul3A_86 = arith.constant 2 : i32
        %mul3A_87 = arith.muli %mul3A_86, %while3A_85 : i32
        %add3A_88 = arith.constant 0 : i32
        %add3A_89 = arith.addi %mul3A_87, %add3A_88 : i32
        %add3A_90 = arith.constant 1 : i32
        %add3A_91 = arith.addi %add3A_89, %add3A_90 : i32
        %lt3A_92 = arith.cmpi slt, %add3A_91, %select_n3A : i32
        %convert_element_type3A_93 = arith.extui %lt3A_92 : i1 to i32
        %cond3A_94 = arith.constant 0 : i32
        %cond3A_95 = arith.cmpi ne, %convert_element_type3A_93, %cond3A_94 : i32
        scf.if %cond3A_95 {
          %mul3A_138 = arith.constant 32 : i32
          %mul3A_139 = arith.muli %add3A_91, %mul3A_138 : i32
          %dma_start3A_140 = arith.constant 1 : i32
          %dma_start3A_141 = arith.constant 0 : i32
          %dma_start3A_142 = arith.constant 0 : i32
          %dma_start3A_143 = tpu.memref_slice %arg7[%dma_start3A_140, %dma_start3A_141, %dma_start3A_142] : memref<2x32x512xf32, #tpu.memory_space<vmem>> -> memref<1x32x512xf32, #tpu.memory_space<vmem>>
          %dma_start3A_144 = tpu.memref_squeeze %dma_start3A_143 : memref<1x32x512xf32, #tpu.memory_space<vmem>> -> memref<32x512xf32, #tpu.memory_space<vmem>>
          %dma_start3A_145 = tpu.memref_slice %arg6[%mul3A_139] : memref<2048xi32, #tpu.memory_space<vmem>> -> memref<32xi32, #tpu.memory_space<vmem>>
          %dma_start3A_146 = arith.constant 0 : i32
          %dma_start3A_147 = arith.constant 0 : i32
          %dma_start3A_148 = tpu.memref_slice %arg2[%dma_start3A_146, %dma_start3A_147] : memref<17408x512xf32, #tpu.memory_space<hbm>> -> memref<17408x512xf32, #tpu.memory_space<hbm>>
          tpu.enqueue_indirect_dma source(%dma_start3A_148 : memref<17408x512xf32, #tpu.memory_space<hbm>>) target(%dma_start3A_144 : memref<32x512xf32, #tpu.memory_space<vmem>>) offsets(%dma_start3A_145 : memref<32xi32, #tpu.memory_space<vmem>>) semaphore(%arg12 : memref<!tpu.dma_semaphore, #tpu.memory_space<semaphore_mem>>)
        } else {
        }
        %mul3A_96 = arith.constant 32 : i32
        %mul3A_97 = arith.muli %add3A_89, %mul3A_96 : i32
        %dma_wait3A = arith.constant 0 : i32
        %dma_wait3A_98 = arith.constant 0 : i32
        %dma_wait3A_99 = arith.constant 0 : i32
        %dma_wait3A_100 = tpu.memref_slice %arg7[%dma_wait3A, %dma_wait3A_98, %dma_wait3A_99] : memref<2x32x512xf32, #tpu.memory_space<vmem>> -> memref<1x32x512xf32, #tpu.memory_space<vmem>>
        %dma_wait3A_101 = tpu.memref_squeeze %dma_wait3A_100 : memref<1x32x512xf32, #tpu.memory_space<vmem>> -> memref<32x512xf32, #tpu.memory_space<vmem>>
        %dma_wait3A_102 = tpu.memref_slice %arg6[%mul3A_97] : memref<2048xi32, #tpu.memory_space<vmem>> -> memref<32xi32, #tpu.memory_space<vmem>>
        %dma_wait3A_103 = arith.constant 0 : i32
        %dma_wait3A_104 = arith.constant 0 : i32
        %dma_wait3A_105 = tpu.memref_slice %arg2[%dma_wait3A_103, %dma_wait3A_104] : memref<17408x512xf32, #tpu.memory_space<hbm>> -> memref<17408x512xf32, #tpu.memory_space<hbm>>
        tpu.wait_indirect_dma semaphore(%arg11 : memref<!tpu.dma_semaphore, #tpu.memory_space<semaphore_mem>>) src(%dma_wait3A_105 : memref<17408x512xf32, #tpu.memory_space<hbm>>) dst(%dma_wait3A_101 : memref<32x512xf32, #tpu.memory_space<vmem>>)
        %scan3A = arith.constant 0 : i32
        %scan3A_106 = arith.constant 0 : i32
        %scan3A_107 = arith.constant 32 : i32
        %scan3A_108 = arith.addi %scan3A_106, %scan3A_107 : i32
        %scan3A_109 = arith.constant 1 : i32
        scf.for %scan3A_138 = %scan3A_106 to %scan3A_108 step %scan3A_109  : i32 {
          %get3A_139 = arith.constant 0 : index
          %get3A_140 = tpu.vector_load %arg8[%get3A_139] {strides = array<i32>} : memref<32xf32, #tpu.memory_space<vmem>>, vector<16xf32>,
          %get3A_141 = arith.constant 16 : index
          %get3A_142 = tpu.vector_load %arg8[%get3A_141] {strides = array<i32>} : memref<32xf32, #tpu.memory_space<vmem>>, vector<16xf32>,
          %broadcast_in_dim3A_143 = arith.constant 0.000000e+00 : f32
          %broadcast_in_dim3A_144 = vector.broadcast %broadcast_in_dim3A_143 : f32 to vector<16xf32>
          %broadcast_in_dim3A_145 = arith.constant 0.000000e+00 : f32
          %broadcast_in_dim3A_146 = vector.broadcast %broadcast_in_dim3A_145 : f32 to vector<16xf32>
          %broadcast_in_dim3A_147 = arith.constant 0.000000e+00 : f32
          %broadcast_in_dim3A_148 = vector.broadcast %broadcast_in_dim3A_147 : f32 to vector<16xf32>
          %broadcast_in_dim3A_149 = arith.constant 0.000000e+00 : f32
          %broadcast_in_dim3A_150 = vector.broadcast %broadcast_in_dim3A_149 : f32 to vector<16xf32>
          %broadcast_in_dim3A_151 = arith.constant 0.000000e+00 : f32
          %broadcast_in_dim3A_152 = vector.broadcast %broadcast_in_dim3A_151 : f32 to vector<16xf32>
          %broadcast_in_dim3A_153 = arith.constant 0.000000e+00 : f32
          %broadcast_in_dim3A_154 = vector.broadcast %broadcast_in_dim3A_153 : f32 to vector<16xf32>
          %broadcast_in_dim3A_155 = arith.constant 0.000000e+00 : f32
          %broadcast_in_dim3A_156 = vector.broadcast %broadcast_in_dim3A_155 : f32 to vector<16xf32>
          %broadcast_in_dim3A_157 = arith.constant 0.000000e+00 : f32
          %broadcast_in_dim3A_158 = vector.broadcast %broadcast_in_dim3A_157 : f32 to vector<16xf32>
          %broadcast_in_dim3A_159 = arith.constant 0 : i32
          %broadcast_in_dim3A_160 = vector.broadcast %broadcast_in_dim3A_159 : i32 to vector<16xi32>
          %reshape3A = vector.shape_cast %broadcast_in_dim3A_160 : vector<16xi32> to vector<16x1xi32>
          %gather3A = vector.shape_cast %reshape3A : vector<16x1xi32> to vector<16xi32>
          %gather3A_161 = tpu.dynamic_gather %get3A_140[%gather3A] in [0] : vector<16xf32>, vector<16xi32> -> vector<16xf32>
          %get3A_162 = arith.constant 0 : i32
          %get3A_163 = arith.index_cast %get3A_162 : i32 to index
          %get3A_164 = arith.index_cast %scan3A_138 : i32 to index
          %get3A_165 = arith.constant 0 : index
          %get3A_166 = tpu.vector_load %arg7[%get3A_163, %get3A_164, %get3A_165] {strides = array<i32>} : memref<2x32x512xf32, #tpu.memory_space<vmem>>, vector<16xf32>,
          %bitcast3A = vector.bitcast %get3A_166 : vector<16xf32> to vector<32xbf16>
          %unpack3A = tpu.unpack_subelements %bitcast3A, 0 {pack_format = #tpu.pack_format<interleaved>} : vector<32xbf16> -> vector<16xf32>
          %unpack3A_167 = tpu.unpack_subelements %bitcast3A, 1 {pack_format = #tpu.pack_format<interleaved>} : vector<32xbf16> -> vector<16xf32>
          %mul3A_168 = arith.mulf %unpack3A, %gather3A_161 : vector<16xf32>
          %add3A_169 = arith.addf %broadcast_in_dim3A_144, %mul3A_168 : vector<16xf32>
          %mul3A_170 = arith.mulf %unpack3A_167, %gather3A_161 : vector<16xf32>
          %add3A_171 = arith.addf %broadcast_in_dim3A_152, %mul3A_170 : vector<16xf32>
          %broadcast_in_dim3A_172 = arith.constant 1 : i32
          %broadcast_in_dim3A_173 = vector.broadcast %broadcast_in_dim3A_172 : i32 to vector<16xi32>
          %reshape3A_174 = vector.shape_cast %broadcast_in_dim3A_173 : vector<16xi32> to vector<16x1xi32>
          %gather3A_175 = vector.shape_cast %reshape3A_174 : vector<16x1xi32> to vector<16xi32>
          %gather3A_176 = tpu.dynamic_gather %get3A_140[%gather3A_175] in [0] : vector<16xf32>, vector<16xi32> -> vector<16xf32>
          %get3A_177 = arith.constant 0 : i32
          %get3A_178 = arith.index_cast %get3A_177 : i32 to index
          %get3A_179 = arith.index_cast %scan3A_138 : i32 to index
          %get3A_180 = arith.constant 16 : index
          %get3A_181 = tpu.vector_load %arg7[%get3A_178, %get3A_179, %get3A_180] {strides = array<i32>} : memref<2x32x512xf32, #tpu.memory_space<vmem>>, vector<16xf32>,
          %bitcast3A_182 = vector.bitcast %get3A_181 : vector<16xf32> to vector<32xbf16>
          %unpack3A_183 = tpu.unpack_subelements %bitcast3A_182, 0 {pack_format = #tpu.pack_format<interleaved>} : vector<32xbf16> -> vector<16xf32>
          %unpack3A_184 = tpu.unpack_subelements %bitcast3A_182, 1 {pack_format = #tpu.pack_format<interleaved>} : vector<32xbf16> -> vector<16xf32>
          %mul3A_185 = arith.mulf %unpack3A_183, %gather3A_176 : vector<16xf32>
          %add3A_186 = arith.addf %broadcast_in_dim3A_146, %mul3A_185 : vector<16xf32>
          %mul3A_187 = arith.mulf %unpack3A_184, %gather3A_176 : vector<16xf32>
          %add3A_188 = arith.addf %broadcast_in_dim3A_154, %mul3A_187 : vector<16xf32>
          %broadcast_in_dim3A_189 = arith.constant 2 : i32
          %broadcast_in_dim3A_190 = vector.broadcast %broadcast_in_dim3A_189 : i32 to vector<16xi32>
          %reshape3A_191 = vector.shape_cast %broadcast_in_dim3A_190 : vector<16xi32> to vector<16x1xi32>
          %gather3A_192 = vector.shape_cast %reshape3A_191 : vector<16x1xi32> to vector<16xi32>
          %gather3A_193 = tpu.dynamic_gather %get3A_140[%gather3A_192] in [0] : vector<16xf32>, vector<16xi32> -> vector<16xf32>
          %get3A_194 = arith.constant 0 : i32
          %get3A_195 = arith.index_cast %get3A_194 : i32 to index
          %get3A_196 = arith.index_cast %scan3A_138 : i32 to index
          %get3A_197 = arith.constant 32 : index
          %get3A_198 = tpu.vector_load %arg7[%get3A_195, %get3A_196, %get3A_197] {strides = array<i32>} : memref<2x32x512xf32, #tpu.memory_space<vmem>>, vector<16xf32>,
          %bitcast3A_199 = vector.bitcast %get3A_198 : vector<16xf32> to vector<32xbf16>
          %unpack3A_200 = tpu.unpack_subelements %bitcast3A_199, 0 {pack_format = #tpu.pack_format<interleaved>} : vector<32xbf16> -> vector<16xf32>
          %unpack3A_201 = tpu.unpack_subelements %bitcast3A_199, 1 {pack_format = #tpu.pack_format<interleaved>} : vector<32xbf16> -> vector<16xf32>
          %mul3A_202 = arith.mulf %unpack3A_200, %gather3A_193 : vector<16xf32>
          %add3A_203 = arith.addf %broadcast_in_dim3A_148, %mul3A_202 : vector<16xf32>
          %mul3A_204 = arith.mulf %unpack3A_201, %gather3A_193 : vector<16xf32>
          %add3A_205 = arith.addf %broadcast_in_dim3A_156, %mul3A_204 : vector<16xf32>
          %broadcast_in_dim3A_206 = arith.constant 3 : i32
          %broadcast_in_dim3A_207 = vector.broadcast %broadcast_in_dim3A_206 : i32 to vector<16xi32>
          %reshape3A_208 = vector.shape_cast %broadcast_in_dim3A_207 : vector<16xi32> to vector<16x1xi32>
          %gather3A_209 = vector.shape_cast %reshape3A_208 : vector<16x1xi32> to vector<16xi32>
          %gather3A_210 = tpu.dynamic_gather %get3A_140[%gather3A_209] in [0] : vector<16xf32>, vector<16xi32> -> vector<16xf32>
          %get3A_211 = arith.constant 0 : i32
          %get3A_212 = arith.index_cast %get3A_211 : i32 to index
          %get3A_213 = arith.index_cast %scan3A_138 : i32 to index
          %get3A_214 = arith.constant 48 : index
          %get3A_215 = tpu.vector_load %arg7[%get3A_212, %get3A_213, %get3A_214] {strides = array<i32>} : memref<2x32x512xf32, #tpu.memory_space<vmem>>, vector<16xf32>,
          %bitcast3A_216 = vector.bitcast %get3A_215 : vector<16xf32> to vector<32xbf16>
          %unpack3A_217 = tpu.unpack_subelements %bitcast3A_216, 0 {pack_format = #tpu.pack_format<interleaved>} : vector<32xbf16> -> vector<16xf32>
          %unpack3A_218 = tpu.unpack_subelements %bitcast3A_216, 1 {pack_format = #tpu.pack_format<interleaved>} : vector<32xbf16> -> vector<16xf32>
          %mul3A_219 = arith.mulf %unpack3A_217, %gather3A_210 : vector<16xf32>
          %add3A_220 = arith.addf %broadcast_in_dim3A_150, %mul3A_219 : vector<16xf32>
          %mul3A_221 = arith.mulf %unpack3A_218, %gather3A_210 : vector<16xf32>
          %add3A_222 = arith.addf %broadcast_in_dim3A_158, %mul3A_221 : vector<16xf32>
          %broadcast_in_dim3A_223 = arith.constant 4 : i32
          %broadcast_in_dim3A_224 = vector.broadcast %broadcast_in_dim3A_223 : i32 to vector<16xi32>
          %reshape3A_225 = vector.shape_cast %broadcast_in_dim3A_224 : vector<16xi32> to vector<16x1xi32>
          %gather3A_226 = vector.shape_cast %reshape3A_225 : vector<16x1xi32> to vector<16xi32>
          %gather3A_227 = tpu.dynamic_gather %get3A_140[%gather3A_226] in [0] : vector<16xf32>, vector<16xi32> -> vector<16xf32>
          %get3A_228 = arith.constant 0 : i32
          %get3A_229 = arith.index_cast %get3A_228 : i32 to index
          %get3A_230 = arith.index_cast %scan3A_138 : i32 to index
          %get3A_231 = arith.constant 64 : index
          %get3A_232 = tpu.vector_load %arg7[%get3A_229, %get3A_230, %get3A_231] {strides = array<i32>} : memref<2x32x512xf32, #tpu.memory_space<vmem>>, vector<16xf32>,
          %bitcast3A_233 = vector.bitcast %get3A_232 : vector<16xf32> to vector<32xbf16>
          %unpack3A_234 = tpu.unpack_subelements %bitcast3A_233, 0 {pack_format = #tpu.pack_format<interleaved>} : vector<32xbf16> -> vector<16xf32>
          %unpack3A_235 = tpu.unpack_subelements %bitcast3A_233, 1 {pack_format = #tpu.pack_format<interleaved>} : vector<32xbf16> -> vector<16xf32>
          %mul3A_236 = arith.mulf %unpack3A_234, %gather3A_227 : vector<16xf32>
          %add3A_237 = arith.addf %add3A_169, %mul3A_236 : vector<16xf32>
          %mul3A_238 = arith.mulf %unpack3A_235, %gather3A_227 : vector<16xf32>
          %add3A_239 = arith.addf %add3A_171, %mul3A_238 : vector<16xf32>
          %broadcast_in_dim3A_240 = arith.constant 5 : i32
          %broadcast_in_dim3A_241 = vector.broadcast %broadcast_in_dim3A_240 : i32 to vector<16xi32>
          %reshape3A_242 = vector.shape_cast %broadcast_in_dim3A_241 : vector<16xi32> to vector<16x1xi32>
          %gather3A_243 = vector.shape_cast %reshape3A_242 : vector<16x1xi32> to vector<16xi32>
          %gather3A_244 = tpu.dynamic_gather %get3A_140[%gather3A_243] in [0] : vector<16xf32>, vector<16xi32> -> vector<16xf32>
          %get3A_245 = arith.constant 0 : i32
          %get3A_246 = arith.index_cast %get3A_245 : i32 to index
          %get3A_247 = arith.index_cast %scan3A_138 : i32 to index
          %get3A_248 = arith.constant 80 : index
          %get3A_249 = tpu.vector_load %arg7[%get3A_246, %get3A_247, %get3A_248] {strides = array<i32>} : memref<2x32x512xf32, #tpu.memory_space<vmem>>, vector<16xf32>,
          %bitcast3A_250 = vector.bitcast %get3A_249 : vector<16xf32> to vector<32xbf16>
          %unpack3A_251 = tpu.unpack_subelements %bitcast3A_250, 0 {pack_format = #tpu.pack_format<interleaved>} : vector<32xbf16> -> vector<16xf32>
          %unpack3A_252 = tpu.unpack_subelements %bitcast3A_250, 1 {pack_format = #tpu.pack_format<interleaved>} : vector<32xbf16> -> vector<16xf32>
          %mul3A_253 = arith.mulf %unpack3A_251, %gather3A_244 : vector<16xf32>
          %add3A_254 = arith.addf %add3A_186, %mul3A_253 : vector<16xf32>
          %mul3A_255 = arith.mulf %unpack3A_252, %gather3A_244 : vector<16xf32>
          %add3A_256 = arith.addf %add3A_188, %mul3A_255 : vector<16xf32>
          %broadcast_in_dim3A_257 = arith.constant 6 : i32
          %broadcast_in_dim3A_258 = vector.broadcast %broadcast_in_dim3A_257 : i32 to vector<16xi32>
          %reshape3A_259 = vector.shape_cast %broadcast_in_dim3A_258 : vector<16xi32> to vector<16x1xi32>
          %gather3A_260 = vector.shape_cast %reshape3A_259 : vector<16x1xi32> to vector<16xi32>
          %gather3A_261 = tpu.dynamic_gather %get3A_140[%gather3A_260] in [0] : vector<16xf32>, vector<16xi32> -> vector<16xf32>
          %get3A_262 = arith.constant 0 : i32
          %get3A_263 = arith.index_cast %get3A_262 : i32 to index
          %get3A_264 = arith.index_cast %scan3A_138 : i32 to index
          %get3A_265 = arith.constant 96 : index
          %get3A_266 = tpu.vector_load %arg7[%get3A_263, %get3A_264, %get3A_265] {strides = array<i32>} : memref<2x32x512xf32, #tpu.memory_space<vmem>>, vector<16xf32>,
          %bitcast3A_267 = vector.bitcast %get3A_266 : vector<16xf32> to vector<32xbf16>
          %unpack3A_268 = tpu.unpack_subelements %bitcast3A_267, 0 {pack_format = #tpu.pack_format<interleaved>} : vector<32xbf16> -> vector<16xf32>
          %unpack3A_269 = tpu.unpack_subelements %bitcast3A_267, 1 {pack_format = #tpu.pack_format<interleaved>} : vector<32xbf16> -> vector<16xf32>
          %mul3A_270 = arith.mulf %unpack3A_268, %gather3A_261 : vector<16xf32>
          %add3A_271 = arith.addf %add3A_203, %mul3A_270 : vector<16xf32>
          %mul3A_272 = arith.mulf %unpack3A_269, %gather3A_261 : vector<16xf32>
          %add3A_273 = arith.addf %add3A_205, %mul3A_272 : vector<16xf32>
          %broadcast_in_dim3A_274 = arith.constant 7 : i32
          %broadcast_in_dim3A_275 = vector.broadcast %broadcast_in_dim3A_274 : i32 to vector<16xi32>
          %reshape3A_276 = vector.shape_cast %broadcast_in_dim3A_275 : vector<16xi32> to vector<16x1xi32>
          %gather3A_277 = vector.shape_cast %reshape3A_276 : vector<16x1xi32> to vector<16xi32>
          %gather3A_278 = tpu.dynamic_gather %get3A_140[%gather3A_277] in [0] : vector<16xf32>, vector<16xi32> -> vector<16xf32>
          %get3A_279 = arith.constant 0 : i32
          %get3A_280 = arith.index_cast %get3A_279 : i32 to index
          %get3A_281 = arith.index_cast %scan3A_138 : i32 to index
          %get3A_282 = arith.constant 112 : index
          %get3A_283 = tpu.vector_load %arg7[%get3A_280, %get3A_281, %get3A_282] {strides = array<i32>} : memref<2x32x512xf32, #tpu.memory_space<vmem>>, vector<16xf32>,
          %bitcast3A_284 = vector.bitcast %get3A_283 : vector<16xf32> to vector<32xbf16>
          %unpack3A_285 = tpu.unpack_subelements %bitcast3A_284, 0 {pack_format = #tpu.pack_format<interleaved>} : vector<32xbf16> -> vector<16xf32>
          %unpack3A_286 = tpu.unpack_subelements %bitcast3A_284, 1 {pack_format = #tpu.pack_format<interleaved>} : vector<32xbf16> -> vector<16xf32>
          %mul3A_287 = arith.mulf %unpack3A_285, %gather3A_278 : vector<16xf32>
          %add3A_288 = arith.addf %add3A_220, %mul3A_287 : vector<16xf32>
          %mul3A_289 = arith.mulf %unpack3A_286, %gather3A_278 : vector<16xf32>
          %add3A_290 = arith.addf %add3A_222, %mul3A_289 : vector<16xf32>
          %broadcast_in_dim3A_291 = arith.constant 8 : i32
          %broadcast_in_dim3A_292 = vector.broadcast %broadcast_in_dim3A_291 : i32 to vector<16xi32>
          %reshape3A_293 = vector.shape_cast %broadcast_in_dim3A_292 : vector<16xi32> to vector<16x1xi32>
          %gather3A_294 = vector.shape_cast %reshape3A_293 : vector<16x1xi32> to vector<16xi32>
          %gather3A_295 = tpu.dynamic_gather %get3A_140[%gather3A_294] in [0] : vector<16xf32>, vector<16xi32> -> vector<16xf32>
          %get3A_296 = arith.constant 0 : i32
          %get3A_297 = arith.index_cast %get3A_296 : i32 to index
          %get3A_298 = arith.index_cast %scan3A_138 : i32 to index
          %get3A_299 = arith.constant 128 : index
          %get3A_300 = tpu.vector_load %arg7[%get3A_297, %get3A_298, %get3A_299] {strides = array<i32>} : memref<2x32x512xf32, #tpu.memory_space<vmem>>, vector<16xf32>,
          %bitcast3A_301 = vector.bitcast %get3A_300 : vector<16xf32> to vector<32xbf16>
          %unpack3A_302 = tpu.unpack_subelements %bitcast3A_301, 0 {pack_format = #tpu.pack_format<interleaved>} : vector<32xbf16> -> vector<16xf32>
          %unpack3A_303 = tpu.unpack_subelements %bitcast3A_301, 1 {pack_format = #tpu.pack_format<interleaved>} : vector<32xbf16> -> vector<16xf32>
          %mul3A_304 = arith.mulf %unpack3A_302, %gather3A_295 : vector<16xf32>
          %add3A_305 = arith.addf %add3A_237, %mul3A_304 : vector<16xf32>
          %mul3A_306 = arith.mulf %unpack3A_303, %gather3A_295 : vector<16xf32>
          %add3A_307 = arith.addf %add3A_239, %mul3A_306 : vector<16xf32>
          %broadcast_in_dim3A_308 = arith.constant 9 : i32
          %broadcast_in_dim3A_309 = vector.broadcast %broadcast_in_dim3A_308 : i32 to vector<16xi32>
          %reshape3A_310 = vector.shape_cast %broadcast_in_dim3A_309 : vector<16xi32> to vector<16x1xi32>
          %gather3A_311 = vector.shape_cast %reshape3A_310 : vector<16x1xi32> to vector<16xi32>
          %gather3A_312 = tpu.dynamic_gather %get3A_140[%gather3A_311] in [0] : vector<16xf32>, vector<16xi32> -> vector<16xf32>
          %get3A_313 = arith.constant 0 : i32
          %get3A_314 = arith.index_cast %get3A_313 : i32 to index
          %get3A_315 = arith.index_cast %scan3A_138 : i32 to index
          %get3A_316 = arith.constant 144 : index
          %get3A_317 = tpu.vector_load %arg7[%get3A_314, %get3A_315, %get3A_316] {strides = array<i32>} : memref<2x32x512xf32, #tpu.memory_space<vmem>>, vector<16xf32>,
          %bitcast3A_318 = vector.bitcast %get3A_317 : vector<16xf32> to vector<32xbf16>
          %unpack3A_319 = tpu.unpack_subelements %bitcast3A_318, 0 {pack_format = #tpu.pack_format<interleaved>} : vector<32xbf16> -> vector<16xf32>
          %unpack3A_320 = tpu.unpack_subelements %bitcast3A_318, 1 {pack_format = #tpu.pack_format<interleaved>} : vector<32xbf16> -> vector<16xf32>
          %mul3A_321 = arith.mulf %unpack3A_319, %gather3A_312 : vector<16xf32>
          %add3A_322 = arith.addf %add3A_254, %mul3A_321 : vector<16xf32>
          %mul3A_323 = arith.mulf %unpack3A_320, %gather3A_312 : vector<16xf32>
          %add3A_324 = arith.addf %add3A_256, %mul3A_323 : vector<16xf32>
          %broadcast_in_dim3A_325 = arith.constant 10 : i32
          %broadcast_in_dim3A_326 = vector.broadcast %broadcast_in_dim3A_325 : i32 to vector<16xi32>
          %reshape3A_327 = vector.shape_cast %broadcast_in_dim3A_326 : vector<16xi32> to vector<16x1xi32>
          %gather3A_328 = vector.shape_cast %reshape3A_327 : vector<16x1xi32> to vector<16xi32>
          %gather3A_329 = tpu.dynamic_gather %get3A_140[%gather3A_328] in [0] : vector<16xf32>, vector<16xi32> -> vector<16xf32>
          %get3A_330 = arith.constant 0 : i32
          %get3A_331 = arith.index_cast %get3A_330 : i32 to index
          %get3A_332 = arith.index_cast %scan3A_138 : i32 to index
          %get3A_333 = arith.constant 160 : index
          %get3A_334 = tpu.vector_load %arg7[%get3A_331, %get3A_332, %get3A_333] {strides = array<i32>} : memref<2x32x512xf32, #tpu.memory_space<vmem>>, vector<16xf32>,
          %bitcast3A_335 = vector.bitcast %get3A_334 : vector<16xf32> to vector<32xbf16>
          %unpack3A_336 = tpu.unpack_subelements %bitcast3A_335, 0 {pack_format = #tpu.pack_format<interleaved>} : vector<32xbf16> -> vector<16xf32>
          %unpack3A_337 = tpu.unpack_subelements %bitcast3A_335, 1 {pack_format = #tpu.pack_format<interleaved>} : vector<32xbf16> -> vector<16xf32>
          %mul3A_338 = arith.mulf %unpack3A_336, %gather3A_329 : vector<16xf32>
          %add3A_339 = arith.addf %add3A_271, %mul3A_338 : vector<16xf32>
          %mul3A_340 = arith.mulf %unpack3A_337, %gather3A_329 : vector<16xf32>
          %add3A_341 = arith.addf %add3A_273, %mul3A_340 : vector<16xf32>
          %broadcast_in_dim3A_342 = arith.constant 11 : i32
          %broadcast_in_dim3A_343 = vector.broadcast %broadcast_in_dim3A_342 : i32 to vector<16xi32>
          %reshape3A_344 = vector.shape_cast %broadcast_in_dim3A_343 : vector<16xi32> to vector<16x1xi32>
          %gather3A_345 = vector.shape_cast %reshape3A_344 : vector<16x1xi32> to vector<16xi32>
          %gather3A_346 = tpu.dynamic_gather %get3A_140[%gather3A_345] in [0] : vector<16xf32>, vector<16xi32> -> vector<16xf32>
          %get3A_347 = arith.constant 0 : i32
          %get3A_348 = arith.index_cast %get3A_347 : i32 to index
          %get3A_349 = arith.index_cast %scan3A_138 : i32 to index
          %get3A_350 = arith.constant 176 : index
          %get3A_351 = tpu.vector_load %arg7[%get3A_348, %get3A_349, %get3A_350] {strides = array<i32>} : memref<2x32x512xf32, #tpu.memory_space<vmem>>, vector<16xf32>,
          %bitcast3A_352 = vector.bitcast %get3A_351 : vector<16xf32> to vector<32xbf16>
          %unpack3A_353 = tpu.unpack_subelements %bitcast3A_352, 0 {pack_format = #tpu.pack_format<interleaved>} : vector<32xbf16> -> vector<16xf32>
          %unpack3A_354 = tpu.unpack_subelements %bitcast3A_352, 1 {pack_format = #tpu.pack_format<interleaved>} : vector<32xbf16> -> vector<16xf32>
          %mul3A_355 = arith.mulf %unpack3A_353, %gather3A_346 : vector<16xf32>
          %add3A_356 = arith.addf %add3A_288, %mul3A_355 : vector<16xf32>
          %mul3A_357 = arith.mulf %unpack3A_354, %gather3A_346 : vector<16xf32>
          %add3A_358 = arith.addf %add3A_290, %mul3A_357 : vector<16xf32>
          %broadcast_in_dim3A_359 = arith.constant 12 : i32
          %broadcast_in_dim3A_360 = vector.broadcast %broadcast_in_dim3A_359 : i32 to vector<16xi32>
          %reshape3A_361 = vector.shape_cast %broadcast_in_dim3A_360 : vector<16xi32> to vector<16x1xi32>
          %gather3A_362 = vector.shape_cast %reshape3A_361 : vector<16x1xi32> to vector<16xi32>
          %gather3A_363 = tpu.dynamic_gather %get3A_140[%gather3A_362] in [0] : vector<16xf32>, vector<16xi32> -> vector<16xf32>
          %get3A_364 = arith.constant 0 : i32
          %get3A_365 = arith.index_cast %get3A_364 : i32 to index
          %get3A_366 = arith.index_cast %scan3A_138 : i32 to index
          %get3A_367 = arith.constant 192 : index
          %get3A_368 = tpu.vector_load %arg7[%get3A_365, %get3A_366, %get3A_367] {strides = array<i32>} : memref<2x32x512xf32, #tpu.memory_space<vmem>>, vector<16xf32>,
          %bitcast3A_369 = vector.bitcast %get3A_368 : vector<16xf32> to vector<32xbf16>
          %unpack3A_370 = tpu.unpack_subelements %bitcast3A_369, 0 {pack_format = #tpu.pack_format<interleaved>} : vector<32xbf16> -> vector<16xf32>
          %unpack3A_371 = tpu.unpack_subelements %bitcast3A_369, 1 {pack_format = #tpu.pack_format<interleaved>} : vector<32xbf16> -> vector<16xf32>
          %mul3A_372 = arith.mulf %unpack3A_370, %gather3A_363 : vector<16xf32>
          %add3A_373 = arith.addf %add3A_305, %mul3A_372 : vector<16xf32>
          %mul3A_374 = arith.mulf %unpack3A_371, %gather3A_363 : vector<16xf32>
          %add3A_375 = arith.addf %add3A_307, %mul3A_374 : vector<16xf32>
          %broadcast_in_dim3A_376 = arith.constant 13 : i32
          %broadcast_in_dim3A_377 = vector.broadcast %broadcast_in_dim3A_376 : i32 to vector<16xi32>
          %reshape3A_378 = vector.shape_cast %broadcast_in_dim3A_377 : vector<16xi32> to vector<16x1xi32>
          %gather3A_379 = vector.shape_cast %reshape3A_378 : vector<16x1xi32> to vector<16xi32>
          %gather3A_380 = tpu.dynamic_gather %get3A_140[%gather3A_379] in [0] : vector<16xf32>, vector<16xi32> -> vector<16xf32>
          %get3A_381 = arith.constant 0 : i32
          %get3A_382 = arith.index_cast %get3A_381 : i32 to index
          %get3A_383 = arith.index_cast %scan3A_138 : i32 to index
          %get3A_384 = arith.constant 208 : index
          %get3A_385 = tpu.vector_load %arg7[%get3A_382, %get3A_383, %get3A_384] {strides = array<i32>} : memref<2x32x512xf32, #tpu.memory_space<vmem>>, vector<16xf32>,
          %bitcast3A_386 = vector.bitcast %get3A_385 : vector<16xf32> to vector<32xbf16>
          %unpack3A_387 = tpu.unpack_subelements %bitcast3A_386, 0 {pack_format = #tpu.pack_format<interleaved>} : vector<32xbf16> -> vector<16xf32>
          %unpack3A_388 = tpu.unpack_subelements %bitcast3A_386, 1 {pack_format = #tpu.pack_format<interleaved>} : vector<32xbf16> -> vector<16xf32>
          %mul3A_389 = arith.mulf %unpack3A_387, %gather3A_380 : vector<16xf32>
          %add3A_390 = arith.addf %add3A_322, %mul3A_389 : vector<16xf32>
          %mul3A_391 = arith.mulf %unpack3A_388, %gather3A_380 : vector<16xf32>
          %add3A_392 = arith.addf %add3A_324, %mul3A_391 : vector<16xf32>
          %broadcast_in_dim3A_393 = arith.constant 14 : i32
          %broadcast_in_dim3A_394 = vector.broadcast %broadcast_in_dim3A_393 : i32 to vector<16xi32>
          %reshape3A_395 = vector.shape_cast %broadcast_in_dim3A_394 : vector<16xi32> to vector<16x1xi32>
          %gather3A_396 = vector.shape_cast %reshape3A_395 : vector<16x1xi32> to vector<16xi32>
          %gather3A_397 = tpu.dynamic_gather %get3A_140[%gather3A_396] in [0] : vector<16xf32>, vector<16xi32> -> vector<16xf32>
          %get3A_398 = arith.constant 0 : i32
          %get3A_399 = arith.index_cast %get3A_398 : i32 to index
          %get3A_400 = arith.index_cast %scan3A_138 : i32 to index
          %get3A_401 = arith.constant 224 : index
          %get3A_402 = tpu.vector_load %arg7[%get3A_399, %get3A_400, %get3A_401] {strides = array<i32>} : memref<2x32x512xf32, #tpu.memory_space<vmem>>, vector<16xf32>,
          %bitcast3A_403 = vector.bitcast %get3A_402 : vector<16xf32> to vector<32xbf16>
          %unpack3A_404 = tpu.unpack_subelements %bitcast3A_403, 0 {pack_format = #tpu.pack_format<interleaved>} : vector<32xbf16> -> vector<16xf32>
          %unpack3A_405 = tpu.unpack_subelements %bitcast3A_403, 1 {pack_format = #tpu.pack_format<interleaved>} : vector<32xbf16> -> vector<16xf32>
          %mul3A_406 = arith.mulf %unpack3A_404, %gather3A_397 : vector<16xf32>
          %add3A_407 = arith.addf %add3A_339, %mul3A_406 : vector<16xf32>
          %mul3A_408 = arith.mulf %unpack3A_405, %gather3A_397 : vector<16xf32>
          %add3A_409 = arith.addf %add3A_341, %mul3A_408 : vector<16xf32>
          %broadcast_in_dim3A_410 = arith.constant 15 : i32
          %broadcast_in_dim3A_411 = vector.broadcast %broadcast_in_dim3A_410 : i32 to vector<16xi32>
          %reshape3A_412 = vector.shape_cast %broadcast_in_dim3A_411 : vector<16xi32> to vector<16x1xi32>
          %gather3A_413 = vector.shape_cast %reshape3A_412 : vector<16x1xi32> to vector<16xi32>
          %gather3A_414 = tpu.dynamic_gather %get3A_140[%gather3A_413] in [0] : vector<16xf32>, vector<16xi32> -> vector<16xf32>
          %get3A_415 = arith.constant 0 : i32
          %get3A_416 = arith.index_cast %get3A_415 : i32 to index
          %get3A_417 = arith.index_cast %scan3A_138 : i32 to index
          %get3A_418 = arith.constant 240 : index
          %get3A_419 = tpu.vector_load %arg7[%get3A_416, %get3A_417, %get3A_418] {strides = array<i32>} : memref<2x32x512xf32, #tpu.memory_space<vmem>>, vector<16xf32>,
          %bitcast3A_420 = vector.bitcast %get3A_419 : vector<16xf32> to vector<32xbf16>
          %unpack3A_421 = tpu.unpack_subelements %bitcast3A_420, 0 {pack_format = #tpu.pack_format<interleaved>} : vector<32xbf16> -> vector<16xf32>
          %unpack3A_422 = tpu.unpack_subelements %bitcast3A_420, 1 {pack_format = #tpu.pack_format<interleaved>} : vector<32xbf16> -> vector<16xf32>
          %mul3A_423 = arith.mulf %unpack3A_421, %gather3A_414 : vector<16xf32>
          %add3A_424 = arith.addf %add3A_356, %mul3A_423 : vector<16xf32>
          %mul3A_425 = arith.mulf %unpack3A_422, %gather3A_414 : vector<16xf32>
          %add3A_426 = arith.addf %add3A_358, %mul3A_425 : vector<16xf32>
          %broadcast_in_dim3A_427 = arith.constant 0 : i32
          %broadcast_in_dim3A_428 = vector.broadcast %broadcast_in_dim3A_427 : i32 to vector<16xi32>
          %reshape3A_429 = vector.shape_cast %broadcast_in_dim3A_428 : vector<16xi32> to vector<16x1xi32>
          %gather3A_430 = vector.shape_cast %reshape3A_429 : vector<16x1xi32> to vector<16xi32>
          %gather3A_431 = tpu.dynamic_gather %get3A_142[%gather3A_430] in [0] : vector<16xf32>, vector<16xi32> -> vector<16xf32>
          %get3A_432 = arith.constant 0 : i32
          %get3A_433 = arith.index_cast %get3A_432 : i32 to index
          %get3A_434 = arith.index_cast %scan3A_138 : i32 to index
          %get3A_435 = arith.constant 256 : index
          %get3A_436 = tpu.vector_load %arg7[%get3A_433, %get3A_434, %get3A_435] {strides = array<i32>} : memref<2x32x512xf32, #tpu.memory_space<vmem>>, vector<16xf32>,
          %bitcast3A_437 = vector.bitcast %get3A_436 : vector<16xf32> to vector<32xbf16>
          %unpack3A_438 = tpu.unpack_subelements %bitcast3A_437, 0 {pack_format = #tpu.pack_format<interleaved>} : vector<32xbf16> -> vector<16xf32>
          %unpack3A_439 = tpu.unpack_subelements %bitcast3A_437, 1 {pack_format = #tpu.pack_format<interleaved>} : vector<32xbf16> -> vector<16xf32>
          %mul3A_440 = arith.mulf %unpack3A_438, %gather3A_431 : vector<16xf32>
          %add3A_441 = arith.addf %add3A_373, %mul3A_440 : vector<16xf32>
          %mul3A_442 = arith.mulf %unpack3A_439, %gather3A_431 : vector<16xf32>
          %add3A_443 = arith.addf %add3A_375, %mul3A_442 : vector<16xf32>
          %broadcast_in_dim3A_444 = arith.constant 1 : i32
          %broadcast_in_dim3A_445 = vector.broadcast %broadcast_in_dim3A_444 : i32 to vector<16xi32>
          %reshape3A_446 = vector.shape_cast %broadcast_in_dim3A_445 : vector<16xi32> to vector<16x1xi32>
          %gather3A_447 = vector.shape_cast %reshape3A_446 : vector<16x1xi32> to vector<16xi32>
          %gather3A_448 = tpu.dynamic_gather %get3A_142[%gather3A_447] in [0] : vector<16xf32>, vector<16xi32> -> vector<16xf32>
          %get3A_449 = arith.constant 0 : i32
          %get3A_450 = arith.index_cast %get3A_449 : i32 to index
          %get3A_451 = arith.index_cast %scan3A_138 : i32 to index
          %get3A_452 = arith.constant 272 : index
          %get3A_453 = tpu.vector_load %arg7[%get3A_450, %get3A_451, %get3A_452] {strides = array<i32>} : memref<2x32x512xf32, #tpu.memory_space<vmem>>, vector<16xf32>,
          %bitcast3A_454 = vector.bitcast %get3A_453 : vector<16xf32> to vector<32xbf16>
          %unpack3A_455 = tpu.unpack_subelements %bitcast3A_454, 0 {pack_format = #tpu.pack_format<interleaved>} : vector<32xbf16> -> vector<16xf32>
          %unpack3A_456 = tpu.unpack_subelements %bitcast3A_454, 1 {pack_format = #tpu.pack_format<interleaved>} : vector<32xbf16> -> vector<16xf32>
          %mul3A_457 = arith.mulf %unpack3A_455, %gather3A_448 : vector<16xf32>
          %add3A_458 = arith.addf %add3A_390, %mul3A_457 : vector<16xf32>
          %mul3A_459 = arith.mulf %unpack3A_456, %gather3A_448 : vector<16xf32>
          %add3A_460 = arith.addf %add3A_392, %mul3A_459 : vector<16xf32>
          %broadcast_in_dim3A_461 = arith.constant 2 : i32
          %broadcast_in_dim3A_462 = vector.broadcast %broadcast_in_dim3A_461 : i32 to vector<16xi32>
          %reshape3A_463 = vector.shape_cast %broadcast_in_dim3A_462 : vector<16xi32> to vector<16x1xi32>
          %gather3A_464 = vector.shape_cast %reshape3A_463 : vector<16x1xi32> to vector<16xi32>
          %gather3A_465 = tpu.dynamic_gather %get3A_142[%gather3A_464] in [0] : vector<16xf32>, vector<16xi32> -> vector<16xf32>
          %get3A_466 = arith.constant 0 : i32
          %get3A_467 = arith.index_cast %get3A_466 : i32 to index
          %get3A_468 = arith.index_cast %scan3A_138 : i32 to index
          %get3A_469 = arith.constant 288 : index
          %get3A_470 = tpu.vector_load %arg7[%get3A_467, %get3A_468, %get3A_469] {strides = array<i32>} : memref<2x32x512xf32, #tpu.memory_space<vmem>>, vector<16xf32>,
          %bitcast3A_471 = vector.bitcast %get3A_470 : vector<16xf32> to vector<32xbf16>
          %unpack3A_472 = tpu.unpack_subelements %bitcast3A_471, 0 {pack_format = #tpu.pack_format<interleaved>} : vector<32xbf16> -> vector<16xf32>
          %unpack3A_473 = tpu.unpack_subelements %bitcast3A_471, 1 {pack_format = #tpu.pack_format<interleaved>} : vector<32xbf16> -> vector<16xf32>
          %mul3A_474 = arith.mulf %unpack3A_472, %gather3A_465 : vector<16xf32>
          %add3A_475 = arith.addf %add3A_407, %mul3A_474 : vector<16xf32>
          %mul3A_476 = arith.mulf %unpack3A_473, %gather3A_465 : vector<16xf32>
          %add3A_477 = arith.addf %add3A_409, %mul3A_476 : vector<16xf32>
          %broadcast_in_dim3A_478 = arith.constant 3 : i32
          %broadcast_in_dim3A_479 = vector.broadcast %broadcast_in_dim3A_478 : i32 to vector<16xi32>
          %reshape3A_480 = vector.shape_cast %broadcast_in_dim3A_479 : vector<16xi32> to vector<16x1xi32>
          %gather3A_481 = vector.shape_cast %reshape3A_480 : vector<16x1xi32> to vector<16xi32>
          %gather3A_482 = tpu.dynamic_gather %get3A_142[%gather3A_481] in [0] : vector<16xf32>, vector<16xi32> -> vector<16xf32>
          %get3A_483 = arith.constant 0 : i32
          %get3A_484 = arith.index_cast %get3A_483 : i32 to index
          %get3A_485 = arith.index_cast %scan3A_138 : i32 to index
          %get3A_486 = arith.constant 304 : index
          %get3A_487 = tpu.vector_load %arg7[%get3A_484, %get3A_485, %get3A_486] {strides = array<i32>} : memref<2x32x512xf32, #tpu.memory_space<vmem>>, vector<16xf32>,
          %bitcast3A_488 = vector.bitcast %get3A_487 : vector<16xf32> to vector<32xbf16>
          %unpack3A_489 = tpu.unpack_subelements %bitcast3A_488, 0 {pack_format = #tpu.pack_format<interleaved>} : vector<32xbf16> -> vector<16xf32>
          %unpack3A_490 = tpu.unpack_subelements %bitcast3A_488, 1 {pack_format = #tpu.pack_format<interleaved>} : vector<32xbf16> -> vector<16xf32>
          %mul3A_491 = arith.mulf %unpack3A_489, %gather3A_482 : vector<16xf32>
          %add3A_492 = arith.addf %add3A_424, %mul3A_491 : vector<16xf32>
          %mul3A_493 = arith.mulf %unpack3A_490, %gather3A_482 : vector<16xf32>
          %add3A_494 = arith.addf %add3A_426, %mul3A_493 : vector<16xf32>
          %broadcast_in_dim3A_495 = arith.constant 4 : i32
          %broadcast_in_dim3A_496 = vector.broadcast %broadcast_in_dim3A_495 : i32 to vector<16xi32>
          %reshape3A_497 = vector.shape_cast %broadcast_in_dim3A_496 : vector<16xi32> to vector<16x1xi32>
          %gather3A_498 = vector.shape_cast %reshape3A_497 : vector<16x1xi32> to vector<16xi32>
          %gather3A_499 = tpu.dynamic_gather %get3A_142[%gather3A_498] in [0] : vector<16xf32>, vector<16xi32> -> vector<16xf32>
          %get3A_500 = arith.constant 0 : i32
          %get3A_501 = arith.index_cast %get3A_500 : i32 to index
          %get3A_502 = arith.index_cast %scan3A_138 : i32 to index
          %get3A_503 = arith.constant 320 : index
          %get3A_504 = tpu.vector_load %arg7[%get3A_501, %get3A_502, %get3A_503] {strides = array<i32>} : memref<2x32x512xf32, #tpu.memory_space<vmem>>, vector<16xf32>,
          %bitcast3A_505 = vector.bitcast %get3A_504 : vector<16xf32> to vector<32xbf16>
          %unpack3A_506 = tpu.unpack_subelements %bitcast3A_505, 0 {pack_format = #tpu.pack_format<interleaved>} : vector<32xbf16> -> vector<16xf32>
          %unpack3A_507 = tpu.unpack_subelements %bitcast3A_505, 1 {pack_format = #tpu.pack_format<interleaved>} : vector<32xbf16> -> vector<16xf32>
          %mul3A_508 = arith.mulf %unpack3A_506, %gather3A_499 : vector<16xf32>
          %add3A_509 = arith.addf %add3A_441, %mul3A_508 : vector<16xf32>
          %mul3A_510 = arith.mulf %unpack3A_507, %gather3A_499 : vector<16xf32>
          %add3A_511 = arith.addf %add3A_443, %mul3A_510 : vector<16xf32>
          %broadcast_in_dim3A_512 = arith.constant 5 : i32
          %broadcast_in_dim3A_513 = vector.broadcast %broadcast_in_dim3A_512 : i32 to vector<16xi32>
          %reshape3A_514 = vector.shape_cast %broadcast_in_dim3A_513 : vector<16xi32> to vector<16x1xi32>
          %gather3A_515 = vector.shape_cast %reshape3A_514 : vector<16x1xi32> to vector<16xi32>
          %gather3A_516 = tpu.dynamic_gather %get3A_142[%gather3A_515] in [0] : vector<16xf32>, vector<16xi32> -> vector<16xf32>
          %get3A_517 = arith.constant 0 : i32
          %get3A_518 = arith.index_cast %get3A_517 : i32 to index
          %get3A_519 = arith.index_cast %scan3A_138 : i32 to index
          %get3A_520 = arith.constant 336 : index
          %get3A_521 = tpu.vector_load %arg7[%get3A_518, %get3A_519, %get3A_520] {strides = array<i32>} : memref<2x32x512xf32, #tpu.memory_space<vmem>>, vector<16xf32>,
          %bitcast3A_522 = vector.bitcast %get3A_521 : vector<16xf32> to vector<32xbf16>
          %unpack3A_523 = tpu.unpack_subelements %bitcast3A_522, 0 {pack_format = #tpu.pack_format<interleaved>} : vector<32xbf16> -> vector<16xf32>
          %unpack3A_524 = tpu.unpack_subelements %bitcast3A_522, 1 {pack_format = #tpu.pack_format<interleaved>} : vector<32xbf16> -> vector<16xf32>
          %mul3A_525 = arith.mulf %unpack3A_523, %gather3A_516 : vector<16xf32>
          %add3A_526 = arith.addf %add3A_458, %mul3A_525 : vector<16xf32>
          %mul3A_527 = arith.mulf %unpack3A_524, %gather3A_516 : vector<16xf32>
          %add3A_528 = arith.addf %add3A_460, %mul3A_527 : vector<16xf32>
          %broadcast_in_dim3A_529 = arith.constant 6 : i32
          %broadcast_in_dim3A_530 = vector.broadcast %broadcast_in_dim3A_529 : i32 to vector<16xi32>
          %reshape3A_531 = vector.shape_cast %broadcast_in_dim3A_530 : vector<16xi32> to vector<16x1xi32>
          %gather3A_532 = vector.shape_cast %reshape3A_531 : vector<16x1xi32> to vector<16xi32>
          %gather3A_533 = tpu.dynamic_gather %get3A_142[%gather3A_532] in [0] : vector<16xf32>, vector<16xi32> -> vector<16xf32>
          %get3A_534 = arith.constant 0 : i32
          %get3A_535 = arith.index_cast %get3A_534 : i32 to index
          %get3A_536 = arith.index_cast %scan3A_138 : i32 to index
          %get3A_537 = arith.constant 352 : index
          %get3A_538 = tpu.vector_load %arg7[%get3A_535, %get3A_536, %get3A_537] {strides = array<i32>} : memref<2x32x512xf32, #tpu.memory_space<vmem>>, vector<16xf32>,
          %bitcast3A_539 = vector.bitcast %get3A_538 : vector<16xf32> to vector<32xbf16>
          %unpack3A_540 = tpu.unpack_subelements %bitcast3A_539, 0 {pack_format = #tpu.pack_format<interleaved>} : vector<32xbf16> -> vector<16xf32>
          %unpack3A_541 = tpu.unpack_subelements %bitcast3A_539, 1 {pack_format = #tpu.pack_format<interleaved>} : vector<32xbf16> -> vector<16xf32>
          %mul3A_542 = arith.mulf %unpack3A_540, %gather3A_533 : vector<16xf32>
          %add3A_543 = arith.addf %add3A_475, %mul3A_542 : vector<16xf32>
          %mul3A_544 = arith.mulf %unpack3A_541, %gather3A_533 : vector<16xf32>
          %add3A_545 = arith.addf %add3A_477, %mul3A_544 : vector<16xf32>
          %broadcast_in_dim3A_546 = arith.constant 7 : i32
          %broadcast_in_dim3A_547 = vector.broadcast %broadcast_in_dim3A_546 : i32 to vector<16xi32>
          %reshape3A_548 = vector.shape_cast %broadcast_in_dim3A_547 : vector<16xi32> to vector<16x1xi32>
          %gather3A_549 = vector.shape_cast %reshape3A_548 : vector<16x1xi32> to vector<16xi32>
          %gather3A_550 = tpu.dynamic_gather %get3A_142[%gather3A_549] in [0] : vector<16xf32>, vector<16xi32> -> vector<16xf32>
          %get3A_551 = arith.constant 0 : i32
          %get3A_552 = arith.index_cast %get3A_551 : i32 to index
          %get3A_553 = arith.index_cast %scan3A_138 : i32 to index
          %get3A_554 = arith.constant 368 : index
          %get3A_555 = tpu.vector_load %arg7[%get3A_552, %get3A_553, %get3A_554] {strides = array<i32>} : memref<2x32x512xf32, #tpu.memory_space<vmem>>, vector<16xf32>,
          %bitcast3A_556 = vector.bitcast %get3A_555 : vector<16xf32> to vector<32xbf16>
          %unpack3A_557 = tpu.unpack_subelements %bitcast3A_556, 0 {pack_format = #tpu.pack_format<interleaved>} : vector<32xbf16> -> vector<16xf32>
          %unpack3A_558 = tpu.unpack_subelements %bitcast3A_556, 1 {pack_format = #tpu.pack_format<interleaved>} : vector<32xbf16> -> vector<16xf32>
          %mul3A_559 = arith.mulf %unpack3A_557, %gather3A_550 : vector<16xf32>
          %add3A_560 = arith.addf %add3A_492, %mul3A_559 : vector<16xf32>
          %mul3A_561 = arith.mulf %unpack3A_558, %gather3A_550 : vector<16xf32>
          %add3A_562 = arith.addf %add3A_494, %mul3A_561 : vector<16xf32>
          %broadcast_in_dim3A_563 = arith.constant 8 : i32
          %broadcast_in_dim3A_564 = vector.broadcast %broadcast_in_dim3A_563 : i32 to vector<16xi32>
          %reshape3A_565 = vector.shape_cast %broadcast_in_dim3A_564 : vector<16xi32> to vector<16x1xi32>
          %gather3A_566 = vector.shape_cast %reshape3A_565 : vector<16x1xi32> to vector<16xi32>
          %gather3A_567 = tpu.dynamic_gather %get3A_142[%gather3A_566] in [0] : vector<16xf32>, vector<16xi32> -> vector<16xf32>
          %get3A_568 = arith.constant 0 : i32
          %get3A_569 = arith.index_cast %get3A_568 : i32 to index
          %get3A_570 = arith.index_cast %scan3A_138 : i32 to index
          %get3A_571 = arith.constant 384 : index
          %get3A_572 = tpu.vector_load %arg7[%get3A_569, %get3A_570, %get3A_571] {strides = array<i32>} : memref<2x32x512xf32, #tpu.memory_space<vmem>>, vector<16xf32>,
          %bitcast3A_573 = vector.bitcast %get3A_572 : vector<16xf32> to vector<32xbf16>
          %unpack3A_574 = tpu.unpack_subelements %bitcast3A_573, 0 {pack_format = #tpu.pack_format<interleaved>} : vector<32xbf16> -> vector<16xf32>
          %unpack3A_575 = tpu.unpack_subelements %bitcast3A_573, 1 {pack_format = #tpu.pack_format<interleaved>} : vector<32xbf16> -> vector<16xf32>
          %mul3A_576 = arith.mulf %unpack3A_574, %gather3A_567 : vector<16xf32>
          %add3A_577 = arith.addf %add3A_509, %mul3A_576 : vector<16xf32>
          %mul3A_578 = arith.mulf %unpack3A_575, %gather3A_567 : vector<16xf32>
          %add3A_579 = arith.addf %add3A_511, %mul3A_578 : vector<16xf32>
          %broadcast_in_dim3A_580 = arith.constant 9 : i32
          %broadcast_in_dim3A_581 = vector.broadcast %broadcast_in_dim3A_580 : i32 to vector<16xi32>
          %reshape3A_582 = vector.shape_cast %broadcast_in_dim3A_581 : vector<16xi32> to vector<16x1xi32>
          %gather3A_583 = vector.shape_cast %reshape3A_582 : vector<16x1xi32> to vector<16xi32>
          %gather3A_584 = tpu.dynamic_gather %get3A_142[%gather3A_583] in [0] : vector<16xf32>, vector<16xi32> -> vector<16xf32>
          %get3A_585 = arith.constant 0 : i32
          %get3A_586 = arith.index_cast %get3A_585 : i32 to index
          %get3A_587 = arith.index_cast %scan3A_138 : i32 to index
          %get3A_588 = arith.constant 400 : index
          %get3A_589 = tpu.vector_load %arg7[%get3A_586, %get3A_587, %get3A_588] {strides = array<i32>} : memref<2x32x512xf32, #tpu.memory_space<vmem>>, vector<16xf32>,
          %bitcast3A_590 = vector.bitcast %get3A_589 : vector<16xf32> to vector<32xbf16>
          %unpack3A_591 = tpu.unpack_subelements %bitcast3A_590, 0 {pack_format = #tpu.pack_format<interleaved>} : vector<32xbf16> -> vector<16xf32>
          %unpack3A_592 = tpu.unpack_subelements %bitcast3A_590, 1 {pack_format = #tpu.pack_format<interleaved>} : vector<32xbf16> -> vector<16xf32>
          %mul3A_593 = arith.mulf %unpack3A_591, %gather3A_584 : vector<16xf32>
          %add3A_594 = arith.addf %add3A_526, %mul3A_593 : vector<16xf32>
          %mul3A_595 = arith.mulf %unpack3A_592, %gather3A_584 : vector<16xf32>
          %add3A_596 = arith.addf %add3A_528, %mul3A_595 : vector<16xf32>
          %broadcast_in_dim3A_597 = arith.constant 10 : i32
          %broadcast_in_dim3A_598 = vector.broadcast %broadcast_in_dim3A_597 : i32 to vector<16xi32>
          %reshape3A_599 = vector.shape_cast %broadcast_in_dim3A_598 : vector<16xi32> to vector<16x1xi32>
          %gather3A_600 = vector.shape_cast %reshape3A_599 : vector<16x1xi32> to vector<16xi32>
          %gather3A_601 = tpu.dynamic_gather %get3A_142[%gather3A_600] in [0] : vector<16xf32>, vector<16xi32> -> vector<16xf32>
          %get3A_602 = arith.constant 0 : i32
          %get3A_603 = arith.index_cast %get3A_602 : i32 to index
          %get3A_604 = arith.index_cast %scan3A_138 : i32 to index
          %get3A_605 = arith.constant 416 : index
          %get3A_606 = tpu.vector_load %arg7[%get3A_603, %get3A_604, %get3A_605] {strides = array<i32>} : memref<2x32x512xf32, #tpu.memory_space<vmem>>, vector<16xf32>,
          %bitcast3A_607 = vector.bitcast %get3A_606 : vector<16xf32> to vector<32xbf16>
          %unpack3A_608 = tpu.unpack_subelements %bitcast3A_607, 0 {pack_format = #tpu.pack_format<interleaved>} : vector<32xbf16> -> vector<16xf32>
          %unpack3A_609 = tpu.unpack_subelements %bitcast3A_607, 1 {pack_format = #tpu.pack_format<interleaved>} : vector<32xbf16> -> vector<16xf32>
          %mul3A_610 = arith.mulf %unpack3A_608, %gather3A_601 : vector<16xf32>
          %add3A_611 = arith.addf %add3A_543, %mul3A_610 : vector<16xf32>
          %mul3A_612 = arith.mulf %unpack3A_609, %gather3A_601 : vector<16xf32>
          %add3A_613 = arith.addf %add3A_545, %mul3A_612 : vector<16xf32>
          %broadcast_in_dim3A_614 = arith.constant 11 : i32
          %broadcast_in_dim3A_615 = vector.broadcast %broadcast_in_dim3A_614 : i32 to vector<16xi32>
          %reshape3A_616 = vector.shape_cast %broadcast_in_dim3A_615 : vector<16xi32> to vector<16x1xi32>
          %gather3A_617 = vector.shape_cast %reshape3A_616 : vector<16x1xi32> to vector<16xi32>
          %gather3A_618 = tpu.dynamic_gather %get3A_142[%gather3A_617] in [0] : vector<16xf32>, vector<16xi32> -> vector<16xf32>
          %get3A_619 = arith.constant 0 : i32
          %get3A_620 = arith.index_cast %get3A_619 : i32 to index
          %get3A_621 = arith.index_cast %scan3A_138 : i32 to index
          %get3A_622 = arith.constant 432 : index
          %get3A_623 = tpu.vector_load %arg7[%get3A_620, %get3A_621, %get3A_622] {strides = array<i32>} : memref<2x32x512xf32, #tpu.memory_space<vmem>>, vector<16xf32>,
          %bitcast3A_624 = vector.bitcast %get3A_623 : vector<16xf32> to vector<32xbf16>
          %unpack3A_625 = tpu.unpack_subelements %bitcast3A_624, 0 {pack_format = #tpu.pack_format<interleaved>} : vector<32xbf16> -> vector<16xf32>
          %unpack3A_626 = tpu.unpack_subelements %bitcast3A_624, 1 {pack_format = #tpu.pack_format<interleaved>} : vector<32xbf16> -> vector<16xf32>
          %mul3A_627 = arith.mulf %unpack3A_625, %gather3A_618 : vector<16xf32>
          %add3A_628 = arith.addf %add3A_560, %mul3A_627 : vector<16xf32>
          %mul3A_629 = arith.mulf %unpack3A_626, %gather3A_618 : vector<16xf32>
          %add3A_630 = arith.addf %add3A_562, %mul3A_629 : vector<16xf32>
          %broadcast_in_dim3A_631 = arith.constant 12 : i32
          %broadcast_in_dim3A_632 = vector.broadcast %broadcast_in_dim3A_631 : i32 to vector<16xi32>
          %reshape3A_633 = vector.shape_cast %broadcast_in_dim3A_632 : vector<16xi32> to vector<16x1xi32>
          %gather3A_634 = vector.shape_cast %reshape3A_633 : vector<16x1xi32> to vector<16xi32>
          %gather3A_635 = tpu.dynamic_gather %get3A_142[%gather3A_634] in [0] : vector<16xf32>, vector<16xi32> -> vector<16xf32>
          %get3A_636 = arith.constant 0 : i32
          %get3A_637 = arith.index_cast %get3A_636 : i32 to index
          %get3A_638 = arith.index_cast %scan3A_138 : i32 to index
          %get3A_639 = arith.constant 448 : index
          %get3A_640 = tpu.vector_load %arg7[%get3A_637, %get3A_638, %get3A_639] {strides = array<i32>} : memref<2x32x512xf32, #tpu.memory_space<vmem>>, vector<16xf32>,
          %bitcast3A_641 = vector.bitcast %get3A_640 : vector<16xf32> to vector<32xbf16>
          %unpack3A_642 = tpu.unpack_subelements %bitcast3A_641, 0 {pack_format = #tpu.pack_format<interleaved>} : vector<32xbf16> -> vector<16xf32>
          %unpack3A_643 = tpu.unpack_subelements %bitcast3A_641, 1 {pack_format = #tpu.pack_format<interleaved>} : vector<32xbf16> -> vector<16xf32>
          %mul3A_644 = arith.mulf %unpack3A_642, %gather3A_635 : vector<16xf32>
          %add3A_645 = arith.addf %add3A_577, %mul3A_644 : vector<16xf32>
          %mul3A_646 = arith.mulf %unpack3A_643, %gather3A_635 : vector<16xf32>
          %add3A_647 = arith.addf %add3A_579, %mul3A_646 : vector<16xf32>
          %broadcast_in_dim3A_648 = arith.constant 13 : i32
          %broadcast_in_dim3A_649 = vector.broadcast %broadcast_in_dim3A_648 : i32 to vector<16xi32>
          %reshape3A_650 = vector.shape_cast %broadcast_in_dim3A_649 : vector<16xi32> to vector<16x1xi32>
          %gather3A_651 = vector.shape_cast %reshape3A_650 : vector<16x1xi32> to vector<16xi32>
          %gather3A_652 = tpu.dynamic_gather %get3A_142[%gather3A_651] in [0] : vector<16xf32>, vector<16xi32> -> vector<16xf32>
          %get3A_653 = arith.constant 0 : i32
          %get3A_654 = arith.index_cast %get3A_653 : i32 to index
          %get3A_655 = arith.index_cast %scan3A_138 : i32 to index
          %get3A_656 = arith.constant 464 : index
          %get3A_657 = tpu.vector_load %arg7[%get3A_654, %get3A_655, %get3A_656] {strides = array<i32>} : memref<2x32x512xf32, #tpu.memory_space<vmem>>, vector<16xf32>,
          %bitcast3A_658 = vector.bitcast %get3A_657 : vector<16xf32> to vector<32xbf16>
          %unpack3A_659 = tpu.unpack_subelements %bitcast3A_658, 0 {pack_format = #tpu.pack_format<interleaved>} : vector<32xbf16> -> vector<16xf32>
          %unpack3A_660 = tpu.unpack_subelements %bitcast3A_658, 1 {pack_format = #tpu.pack_format<interleaved>} : vector<32xbf16> -> vector<16xf32>
          %mul3A_661 = arith.mulf %unpack3A_659, %gather3A_652 : vector<16xf32>
          %add3A_662 = arith.addf %add3A_594, %mul3A_661 : vector<16xf32>
          %mul3A_663 = arith.mulf %unpack3A_660, %gather3A_652 : vector<16xf32>
          %add3A_664 = arith.addf %add3A_596, %mul3A_663 : vector<16xf32>
          %broadcast_in_dim3A_665 = arith.constant 14 : i32
          %broadcast_in_dim3A_666 = vector.broadcast %broadcast_in_dim3A_665 : i32 to vector<16xi32>
          %reshape3A_667 = vector.shape_cast %broadcast_in_dim3A_666 : vector<16xi32> to vector<16x1xi32>
          %gather3A_668 = vector.shape_cast %reshape3A_667 : vector<16x1xi32> to vector<16xi32>
          %gather3A_669 = tpu.dynamic_gather %get3A_142[%gather3A_668] in [0] : vector<16xf32>, vector<16xi32> -> vector<16xf32>
          %get3A_670 = arith.constant 0 : i32
          %get3A_671 = arith.index_cast %get3A_670 : i32 to index
          %get3A_672 = arith.index_cast %scan3A_138 : i32 to index
          %get3A_673 = arith.constant 480 : index
          %get3A_674 = tpu.vector_load %arg7[%get3A_671, %get3A_672, %get3A_673] {strides = array<i32>} : memref<2x32x512xf32, #tpu.memory_space<vmem>>, vector<16xf32>,
          %bitcast3A_675 = vector.bitcast %get3A_674 : vector<16xf32> to vector<32xbf16>
          %unpack3A_676 = tpu.unpack_subelements %bitcast3A_675, 0 {pack_format = #tpu.pack_format<interleaved>} : vector<32xbf16> -> vector<16xf32>
          %unpack3A_677 = tpu.unpack_subelements %bitcast3A_675, 1 {pack_format = #tpu.pack_format<interleaved>} : vector<32xbf16> -> vector<16xf32>
          %mul3A_678 = arith.mulf %unpack3A_676, %gather3A_669 : vector<16xf32>
          %add3A_679 = arith.addf %add3A_611, %mul3A_678 : vector<16xf32>
          %mul3A_680 = arith.mulf %unpack3A_677, %gather3A_669 : vector<16xf32>
          %add3A_681 = arith.addf %add3A_613, %mul3A_680 : vector<16xf32>
          %broadcast_in_dim3A_682 = arith.constant 15 : i32
          %broadcast_in_dim3A_683 = vector.broadcast %broadcast_in_dim3A_682 : i32 to vector<16xi32>
          %reshape3A_684 = vector.shape_cast %broadcast_in_dim3A_683 : vector<16xi32> to vector<16x1xi32>
          %gather3A_685 = vector.shape_cast %reshape3A_684 : vector<16x1xi32> to vector<16xi32>
          %gather3A_686 = tpu.dynamic_gather %get3A_142[%gather3A_685] in [0] : vector<16xf32>, vector<16xi32> -> vector<16xf32>
          %get3A_687 = arith.constant 0 : i32
          %get3A_688 = arith.index_cast %get3A_687 : i32 to index
          %get3A_689 = arith.index_cast %scan3A_138 : i32 to index
          %get3A_690 = arith.constant 496 : index
          %get3A_691 = tpu.vector_load %arg7[%get3A_688, %get3A_689, %get3A_690] {strides = array<i32>} : memref<2x32x512xf32, #tpu.memory_space<vmem>>, vector<16xf32>,
          %bitcast3A_692 = vector.bitcast %get3A_691 : vector<16xf32> to vector<32xbf16>
          %unpack3A_693 = tpu.unpack_subelements %bitcast3A_692, 0 {pack_format = #tpu.pack_format<interleaved>} : vector<32xbf16> -> vector<16xf32>
          %unpack3A_694 = tpu.unpack_subelements %bitcast3A_692, 1 {pack_format = #tpu.pack_format<interleaved>} : vector<32xbf16> -> vector<16xf32>
          %mul3A_695 = arith.mulf %unpack3A_693, %gather3A_686 : vector<16xf32>
          %add3A_696 = arith.addf %add3A_628, %mul3A_695 : vector<16xf32>
          %mul3A_697 = arith.mulf %unpack3A_694, %gather3A_686 : vector<16xf32>
          %add3A_698 = arith.addf %add3A_630, %mul3A_697 : vector<16xf32>
          %add3A_699 = arith.addf %add3A_645, %add3A_662 : vector<16xf32>
          %add3A_700 = arith.addf %add3A_679, %add3A_696 : vector<16xf32>
          %add3A_701 = arith.addf %add3A_699, %add3A_700 : vector<16xf32>
          %add3A_702 = arith.addf %add3A_647, %add3A_664 : vector<16xf32>
          %add3A_703 = arith.addf %add3A_681, %add3A_698 : vector<16xf32>
          %add3A_704 = arith.addf %add3A_702, %add3A_703 : vector<16xf32>
          %swap3A_705 = arith.constant 0 : index
          %swap3A_706 = tpu.vector_load %arg8[%swap3A_705] {strides = array<i32>} : memref<32xf32, #tpu.memory_space<vmem>>, vector<16xf32>,
          tpu.vector_store %arg8[%swap3A_705], %add3A_701 {strides = array<i32>} : memref<32xf32, #tpu.memory_space<vmem>>, vector<16xf32>,
          %swap3A_707 = arith.constant 16 : index
          %swap3A_708 = tpu.vector_load %arg8[%swap3A_707] {strides = array<i32>} : memref<32xf32, #tpu.memory_space<vmem>>, vector<16xf32>,
          tpu.vector_store %arg8[%swap3A_707], %add3A_704 {strides = array<i32>} : memref<32xf32, #tpu.memory_space<vmem>>, vector<16xf32>,
          %and3A_709 = arith.constant 3 : i32
          %and3A_710 = arith.andi %scan3A_138, %and3A_709 : i32
          %eq3A = arith.constant 3 : i32
          %eq3A_711 = arith.cmpi eq, %and3A_710, %eq3A : i32
          %convert_element_type3A_712 = arith.extui %eq3A_711 : i1 to i32
          %cond3A_713 = arith.constant 0 : i32
          %cond3A_714 = arith.cmpi ne, %convert_element_type3A_712, %cond3A_713 : i32
          scf.if %cond3A_714 {
            %get3A_715 = arith.constant 0 : index
            %get3A_716 = tpu.vector_load %arg8[%get3A_715] {strides = array<i32>} : memref<32xf32, #tpu.memory_space<vmem>>, vector<16xf32>,
            %get3A_717 = arith.constant 16 : index
            %get3A_718 = tpu.vector_load %arg8[%get3A_717] {strides = array<i32>} : memref<32xf32, #tpu.memory_space<vmem>>, vector<16xf32>,
            %add3A_719 = arith.addf %get3A_716, %get3A_718 : vector<16xf32>
            %reduce_sum3A_720 = arith.constant true
            %reduce_sum3A_721 = vector.broadcast %reduce_sum3A_720 : i1 to vector<16xi1>
            %reduce_sum3A_722 = tpu.scan <sum>, %add3A_719 masked %reduce_sum3A_721 : vector<16xf32>, vector<16xi1> -> vector<16xf32>
            %reduce_sum3A_723 = vector.extract %reduce_sum3A_722[15] : f32 from vector<16xf32>
            %broadcast_in_dim3A_724 = vector.broadcast %reduce_sum3A_723 : f32 to vector<16xf32>
            %bitcast3A_725 = vector.bitcast %broadcast_in_dim3A_724 : vector<16xf32> to vector<16xi32>
            %shift_right_arithmetic3A = arith.constant 23 : i32
            %shift_right_arithmetic3A_726 = vector.broadcast %shift_right_arithmetic3A : i32 to vector<16xi32>
            %shift_right_arithmetic3A_727 = arith.shrsi %bitcast3A_725, %shift_right_arithmetic3A_726 : vector<16xi32>
            %sub3A_728 = arith.constant 127 : i32
            %sub3A_729 = vector.broadcast %sub3A_728 : i32 to vector<16xi32>
            %sub3A_730 = arith.subi %shift_right_arithmetic3A_727, %sub3A_729 : vector<16xi32>
            %sub3A_731 = arith.constant 127 : i32
            %sub3A_732 = vector.broadcast %sub3A_731 : i32 to vector<16xi32>
            %sub3A_733 = arith.subi %sub3A_732, %sub3A_730 : vector<16xi32>
            %shift_left3A = arith.constant 23 : i32
            %shift_left3A_734 = vector.broadcast %shift_left3A : i32 to vector<16xi32>
            %shift_left3A_735 = arith.shli %sub3A_733, %shift_left3A_734 : vector<16xi32>
            %bitcast3A_736 = vector.bitcast %shift_left3A_735 : vector<16xi32> to vector<16xf32>
            %mul3A_737 = arith.mulf %get3A_716, %bitcast3A_736 : vector<16xf32>
            %swap3A_738 = arith.constant 0 : index
            %swap3A_739 = tpu.vector_load %arg8[%swap3A_738] {strides = array<i32>} : memref<32xf32, #tpu.memory_space<vmem>>, vector<16xf32>,
            tpu.vector_store %arg8[%swap3A_738], %mul3A_737 {strides = array<i32>} : memref<32xf32, #tpu.memory_space<vmem>>, vector<16xf32>,
            %mul3A_740 = arith.mulf %get3A_718, %bitcast3A_736 : vector<16xf32>
            %swap3A_741 = arith.constant 16 : index
            %swap3A_742 = tpu.vector_load %arg8[%swap3A_741] {strides = array<i32>} : memref<32xf32, #tpu.memory_space<vmem>>, vector<16xf32>,
            tpu.vector_store %arg8[%swap3A_741], %mul3A_740 {strides = array<i32>} : memref<32xf32, #tpu.memory_space<vmem>>, vector<16xf32>,
            %get3A_743 = arith.constant 0 : index
            %get3A_744 = tpu.vector_load %arg9[%get3A_743] {strides = array<i32>} : memref<16xf32, #tpu.memory_space<vmem>>, vector<16xf32>,
            %convert_element_type3A_745 = arith.sitofp %sub3A_730 : vector<16xi32> to vector<16xf32>
            %add3A_746 = arith.addf %get3A_744, %convert_element_type3A_745 : vector<16xf32>
            %swap3A_747 = arith.constant 0 : index
            %swap3A_748 = tpu.vector_load %arg9[%swap3A_747] {strides = array<i32>} : memref<16xf32, #tpu.memory_space<vmem>>, vector<16xf32>,
            tpu.vector_store %arg9[%swap3A_747], %add3A_746 {strides = array<i32>} : memref<16xf32, #tpu.memory_space<vmem>>, vector<16xf32>,
          } else {
          }
        }
        %scan3A_110 = arith.constant 32 : i32
        %mul3A_111 = arith.constant 2 : i32
        %mul3A_112 = arith.muli %mul3A_111, %while3A_85 : i32
        %add3A_113 = arith.constant 1 : i32
        %add3A_114 = arith.addi %mul3A_112, %add3A_113 : i32
        %add3A_115 = arith.constant 1 : i32
        %add3A_116 = arith.addi %add3A_114, %add3A_115 : i32
        %lt3A_117 = arith.cmpi slt, %add3A_116, %select_n3A : i32
        %convert_element_type3A_118 = arith.extui %lt3A_117 : i1 to i32
        %cond3A_119 = arith.constant 0 : i32
        %cond3A_120 = arith.cmpi ne, %convert_element_type3A_118, %cond3A_119 : i32
        scf.if %cond3A_120 {
          %mul3A_138 = arith.constant 32 : i32
          %mul3A_139 = arith.muli %add3A_116, %mul3A_138 : i32
          %dma_start3A_140 = arith.constant 0 : i32
          %dma_start3A_141 = arith.constant 0 : i32
          %dma_start3A_142 = arith.constant 0 : i32
          %dma_start3A_143 = tpu.memref_slice %arg7[%dma_start3A_140, %dma_start3A_141, %dma_start3A_142] : memref<2x32x512xf32, #tpu.memory_space<vmem>> -> memref<1x32x512xf32, #tpu.memory_space<vmem>>
          %dma_start3A_144 = tpu.memref_squeeze %dma_start3A_143 : memref<1x32x512xf32, #tpu.memory_space<vmem>> -> memref<32x512xf32, #tpu.memory_space<vmem>>
          %dma_start3A_145 = tpu.memref_slice %arg6[%mul3A_139] : memref<2048xi32, #tpu.memory_space<vmem>> -> memref<32xi32, #tpu.memory_space<vmem>>
          %dma_start3A_146 = arith.constant 0 : i32
          %dma_start3A_147 = arith.constant 0 : i32
          %dma_start3A_148 = tpu.memref_slice %arg2[%dma_start3A_146, %dma_start3A_147] : memref<17408x512xf32, #tpu.memory_space<hbm>> -> memref<17408x512xf32, #tpu.memory_space<hbm>>
          tpu.enqueue_indirect_dma source(%dma_start3A_148 : memref<17408x512xf32, #tpu.memory_space<hbm>>) target(%dma_start3A_144 : memref<32x512xf32, #tpu.memory_space<vmem>>) offsets(%dma_start3A_145 : memref<32xi32, #tpu.memory_space<vmem>>) semaphore(%arg11 : memref<!tpu.dma_semaphore, #tpu.memory_space<semaphore_mem>>)
        } else {
        }
        %mul3A_121 = arith.constant 32 : i32
        %mul3A_122 = arith.muli %add3A_114, %mul3A_121 : i32
        %dma_wait3A_123 = arith.constant 1 : i32
        %dma_wait3A_124 = arith.constant 0 : i32
        %dma_wait3A_125 = arith.constant 0 : i32
        %dma_wait3A_126 = tpu.memref_slice %arg7[%dma_wait3A_123, %dma_wait3A_124, %dma_wait3A_125] : memref<2x32x512xf32, #tpu.memory_space<vmem>> -> memref<1x32x512xf32, #tpu.memory_space<vmem>>
        %dma_wait3A_127 = tpu.memref_squeeze %dma_wait3A_126 : memref<1x32x512xf32, #tpu.memory_space<vmem>> -> memref<32x512xf32, #tpu.memory_space<vmem>>
        %dma_wait3A_128 = tpu.memref_slice %arg6[%mul3A_122] : memref<2048xi32, #tpu.memory_space<vmem>> -> memref<32xi32, #tpu.memory_space<vmem>>
        %dma_wait3A_129 = arith.constant 0 : i32
        %dma_wait3A_130 = arith.constant 0 : i32
        %dma_wait3A_131 = tpu.memref_slice %arg2[%dma_wait3A_129, %dma_wait3A_130] : memref<17408x512xf32, #tpu.memory_space<hbm>> -> memref<17408x512xf32, #tpu.memory_space<hbm>>
        tpu.wait_indirect_dma semaphore(%arg12 : memref<!tpu.dma_semaphore, #tpu.memory_space<semaphore_mem>>) src(%dma_wait3A_131 : memref<17408x512xf32, #tpu.memory_space<hbm>>) dst(%dma_wait3A_127 : memref<32x512xf32, #tpu.memory_space<vmem>>)
        %scan3A_132 = arith.constant 0 : i32
        %scan3A_133 = arith.constant 0 : i32
        %scan3A_134 = arith.constant 32 : i32
        %scan3A_135 = arith.addi %scan3A_133, %scan3A_134 : i32
        %scan3A_136 = arith.constant 1 : i32
        scf.for %scan3A_138 = %scan3A_133 to %scan3A_135 step %scan3A_136  : i32 {
          %get3A_139 = arith.constant 0 : index
          %get3A_140 = tpu.vector_load %arg8[%get3A_139] {strides = array<i32>} : memref<32xf32, #tpu.memory_space<vmem>>, vector<16xf32>,
          %get3A_141 = arith.constant 16 : index
          %get3A_142 = tpu.vector_load %arg8[%get3A_141] {strides = array<i32>} : memref<32xf32, #tpu.memory_space<vmem>>, vector<16xf32>,
          %broadcast_in_dim3A_143 = arith.constant 0.000000e+00 : f32
          %broadcast_in_dim3A_144 = vector.broadcast %broadcast_in_dim3A_143 : f32 to vector<16xf32>
          %broadcast_in_dim3A_145 = arith.constant 0.000000e+00 : f32
          %broadcast_in_dim3A_146 = vector.broadcast %broadcast_in_dim3A_145 : f32 to vector<16xf32>
          %broadcast_in_dim3A_147 = arith.constant 0.000000e+00 : f32
          %broadcast_in_dim3A_148 = vector.broadcast %broadcast_in_dim3A_147 : f32 to vector<16xf32>
          %broadcast_in_dim3A_149 = arith.constant 0.000000e+00 : f32
          %broadcast_in_dim3A_150 = vector.broadcast %broadcast_in_dim3A_149 : f32 to vector<16xf32>
          %broadcast_in_dim3A_151 = arith.constant 0.000000e+00 : f32
          %broadcast_in_dim3A_152 = vector.broadcast %broadcast_in_dim3A_151 : f32 to vector<16xf32>
          %broadcast_in_dim3A_153 = arith.constant 0.000000e+00 : f32
          %broadcast_in_dim3A_154 = vector.broadcast %broadcast_in_dim3A_153 : f32 to vector<16xf32>
          %broadcast_in_dim3A_155 = arith.constant 0.000000e+00 : f32
          %broadcast_in_dim3A_156 = vector.broadcast %broadcast_in_dim3A_155 : f32 to vector<16xf32>
          %broadcast_in_dim3A_157 = arith.constant 0.000000e+00 : f32
          %broadcast_in_dim3A_158 = vector.broadcast %broadcast_in_dim3A_157 : f32 to vector<16xf32>
          %broadcast_in_dim3A_159 = arith.constant 0 : i32
          %broadcast_in_dim3A_160 = vector.broadcast %broadcast_in_dim3A_159 : i32 to vector<16xi32>
          %reshape3A = vector.shape_cast %broadcast_in_dim3A_160 : vector<16xi32> to vector<16x1xi32>
          %gather3A = vector.shape_cast %reshape3A : vector<16x1xi32> to vector<16xi32>
          %gather3A_161 = tpu.dynamic_gather %get3A_140[%gather3A] in [0] : vector<16xf32>, vector<16xi32> -> vector<16xf32>
          %get3A_162 = arith.constant 1 : i32
          %get3A_163 = arith.index_cast %get3A_162 : i32 to index
          %get3A_164 = arith.index_cast %scan3A_138 : i32 to index
          %get3A_165 = arith.constant 0 : index
          %get3A_166 = tpu.vector_load %arg7[%get3A_163, %get3A_164, %get3A_165] {strides = array<i32>} : memref<2x32x512xf32, #tpu.memory_space<vmem>>, vector<16xf32>,
          %bitcast3A = vector.bitcast %get3A_166 : vector<16xf32> to vector<32xbf16>
          %unpack3A = tpu.unpack_subelements %bitcast3A, 0 {pack_format = #tpu.pack_format<interleaved>} : vector<32xbf16> -> vector<16xf32>
          %unpack3A_167 = tpu.unpack_subelements %bitcast3A, 1 {pack_format = #tpu.pack_format<interleaved>} : vector<32xbf16> -> vector<16xf32>
          %mul3A_168 = arith.mulf %unpack3A, %gather3A_161 : vector<16xf32>
          %add3A_169 = arith.addf %broadcast_in_dim3A_144, %mul3A_168 : vector<16xf32>
          %mul3A_170 = arith.mulf %unpack3A_167, %gather3A_161 : vector<16xf32>
          %add3A_171 = arith.addf %broadcast_in_dim3A_152, %mul3A_170 : vector<16xf32>
          %broadcast_in_dim3A_172 = arith.constant 1 : i32
          %broadcast_in_dim3A_173 = vector.broadcast %broadcast_in_dim3A_172 : i32 to vector<16xi32>
          %reshape3A_174 = vector.shape_cast %broadcast_in_dim3A_173 : vector<16xi32> to vector<16x1xi32>
          %gather3A_175 = vector.shape_cast %reshape3A_174 : vector<16x1xi32> to vector<16xi32>
          %gather3A_176 = tpu.dynamic_gather %get3A_140[%gather3A_175] in [0] : vector<16xf32>, vector<16xi32> -> vector<16xf32>
          %get3A_177 = arith.constant 1 : i32
          %get3A_178 = arith.index_cast %get3A_177 : i32 to index
          %get3A_179 = arith.index_cast %scan3A_138 : i32 to index
          %get3A_180 = arith.constant 16 : index
          %get3A_181 = tpu.vector_load %arg7[%get3A_178, %get3A_179, %get3A_180] {strides = array<i32>} : memref<2x32x512xf32, #tpu.memory_space<vmem>>, vector<16xf32>,
          %bitcast3A_182 = vector.bitcast %get3A_181 : vector<16xf32> to vector<32xbf16>
          %unpack3A_183 = tpu.unpack_subelements %bitcast3A_182, 0 {pack_format = #tpu.pack_format<interleaved>} : vector<32xbf16> -> vector<16xf32>
          %unpack3A_184 = tpu.unpack_subelements %bitcast3A_182, 1 {pack_format = #tpu.pack_format<interleaved>} : vector<32xbf16> -> vector<16xf32>
          %mul3A_185 = arith.mulf %unpack3A_183, %gather3A_176 : vector<16xf32>
          %add3A_186 = arith.addf %broadcast_in_dim3A_146, %mul3A_185 : vector<16xf32>
          %mul3A_187 = arith.mulf %unpack3A_184, %gather3A_176 : vector<16xf32>
          %add3A_188 = arith.addf %broadcast_in_dim3A_154, %mul3A_187 : vector<16xf32>
          %broadcast_in_dim3A_189 = arith.constant 2 : i32
          %broadcast_in_dim3A_190 = vector.broadcast %broadcast_in_dim3A_189 : i32 to vector<16xi32>
          %reshape3A_191 = vector.shape_cast %broadcast_in_dim3A_190 : vector<16xi32> to vector<16x1xi32>
          %gather3A_192 = vector.shape_cast %reshape3A_191 : vector<16x1xi32> to vector<16xi32>
          %gather3A_193 = tpu.dynamic_gather %get3A_140[%gather3A_192] in [0] : vector<16xf32>, vector<16xi32> -> vector<16xf32>
          %get3A_194 = arith.constant 1 : i32
          %get3A_195 = arith.index_cast %get3A_194 : i32 to index
          %get3A_196 = arith.index_cast %scan3A_138 : i32 to index
          %get3A_197 = arith.constant 32 : index
          %get3A_198 = tpu.vector_load %arg7[%get3A_195, %get3A_196, %get3A_197] {strides = array<i32>} : memref<2x32x512xf32, #tpu.memory_space<vmem>>, vector<16xf32>,
          %bitcast3A_199 = vector.bitcast %get3A_198 : vector<16xf32> to vector<32xbf16>
          %unpack3A_200 = tpu.unpack_subelements %bitcast3A_199, 0 {pack_format = #tpu.pack_format<interleaved>} : vector<32xbf16> -> vector<16xf32>
          %unpack3A_201 = tpu.unpack_subelements %bitcast3A_199, 1 {pack_format = #tpu.pack_format<interleaved>} : vector<32xbf16> -> vector<16xf32>
          %mul3A_202 = arith.mulf %unpack3A_200, %gather3A_193 : vector<16xf32>
          %add3A_203 = arith.addf %broadcast_in_dim3A_148, %mul3A_202 : vector<16xf32>
          %mul3A_204 = arith.mulf %unpack3A_201, %gather3A_193 : vector<16xf32>
          %add3A_205 = arith.addf %broadcast_in_dim3A_156, %mul3A_204 : vector<16xf32>
          %broadcast_in_dim3A_206 = arith.constant 3 : i32
          %broadcast_in_dim3A_207 = vector.broadcast %broadcast_in_dim3A_206 : i32 to vector<16xi32>
          %reshape3A_208 = vector.shape_cast %broadcast_in_dim3A_207 : vector<16xi32> to vector<16x1xi32>
          %gather3A_209 = vector.shape_cast %reshape3A_208 : vector<16x1xi32> to vector<16xi32>
          %gather3A_210 = tpu.dynamic_gather %get3A_140[%gather3A_209] in [0] : vector<16xf32>, vector<16xi32> -> vector<16xf32>
          %get3A_211 = arith.constant 1 : i32
          %get3A_212 = arith.index_cast %get3A_211 : i32 to index
          %get3A_213 = arith.index_cast %scan3A_138 : i32 to index
          %get3A_214 = arith.constant 48 : index
          %get3A_215 = tpu.vector_load %arg7[%get3A_212, %get3A_213, %get3A_214] {strides = array<i32>} : memref<2x32x512xf32, #tpu.memory_space<vmem>>, vector<16xf32>,
          %bitcast3A_216 = vector.bitcast %get3A_215 : vector<16xf32> to vector<32xbf16>
          %unpack3A_217 = tpu.unpack_subelements %bitcast3A_216, 0 {pack_format = #tpu.pack_format<interleaved>} : vector<32xbf16> -> vector<16xf32>
          %unpack3A_218 = tpu.unpack_subelements %bitcast3A_216, 1 {pack_format = #tpu.pack_format<interleaved>} : vector<32xbf16> -> vector<16xf32>
          %mul3A_219 = arith.mulf %unpack3A_217, %gather3A_210 : vector<16xf32>
          %add3A_220 = arith.addf %broadcast_in_dim3A_150, %mul3A_219 : vector<16xf32>
          %mul3A_221 = arith.mulf %unpack3A_218, %gather3A_210 : vector<16xf32>
          %add3A_222 = arith.addf %broadcast_in_dim3A_158, %mul3A_221 : vector<16xf32>
          %broadcast_in_dim3A_223 = arith.constant 4 : i32
          %broadcast_in_dim3A_224 = vector.broadcast %broadcast_in_dim3A_223 : i32 to vector<16xi32>
          %reshape3A_225 = vector.shape_cast %broadcast_in_dim3A_224 : vector<16xi32> to vector<16x1xi32>
          %gather3A_226 = vector.shape_cast %reshape3A_225 : vector<16x1xi32> to vector<16xi32>
          %gather3A_227 = tpu.dynamic_gather %get3A_140[%gather3A_226] in [0] : vector<16xf32>, vector<16xi32> -> vector<16xf32>
          %get3A_228 = arith.constant 1 : i32
          %get3A_229 = arith.index_cast %get3A_228 : i32 to index
          %get3A_230 = arith.index_cast %scan3A_138 : i32 to index
          %get3A_231 = arith.constant 64 : index
          %get3A_232 = tpu.vector_load %arg7[%get3A_229, %get3A_230, %get3A_231] {strides = array<i32>} : memref<2x32x512xf32, #tpu.memory_space<vmem>>, vector<16xf32>,
          %bitcast3A_233 = vector.bitcast %get3A_232 : vector<16xf32> to vector<32xbf16>
          %unpack3A_234 = tpu.unpack_subelements %bitcast3A_233, 0 {pack_format = #tpu.pack_format<interleaved>} : vector<32xbf16> -> vector<16xf32>
          %unpack3A_235 = tpu.unpack_subelements %bitcast3A_233, 1 {pack_format = #tpu.pack_format<interleaved>} : vector<32xbf16> -> vector<16xf32>
          %mul3A_236 = arith.mulf %unpack3A_234, %gather3A_227 : vector<16xf32>
          %add3A_237 = arith.addf %add3A_169, %mul3A_236 : vector<16xf32>
          %mul3A_238 = arith.mulf %unpack3A_235, %gather3A_227 : vector<16xf32>
          %add3A_239 = arith.addf %add3A_171, %mul3A_238 : vector<16xf32>
          %broadcast_in_dim3A_240 = arith.constant 5 : i32
          %broadcast_in_dim3A_241 = vector.broadcast %broadcast_in_dim3A_240 : i32 to vector<16xi32>
          %reshape3A_242 = vector.shape_cast %broadcast_in_dim3A_241 : vector<16xi32> to vector<16x1xi32>
          %gather3A_243 = vector.shape_cast %reshape3A_242 : vector<16x1xi32> to vector<16xi32>
          %gather3A_244 = tpu.dynamic_gather %get3A_140[%gather3A_243] in [0] : vector<16xf32>, vector<16xi32> -> vector<16xf32>
          %get3A_245 = arith.constant 1 : i32
          %get3A_246 = arith.index_cast %get3A_245 : i32 to index
          %get3A_247 = arith.index_cast %scan3A_138 : i32 to index
          %get3A_248 = arith.constant 80 : index
          %get3A_249 = tpu.vector_load %arg7[%get3A_246, %get3A_247, %get3A_248] {strides = array<i32>} : memref<2x32x512xf32, #tpu.memory_space<vmem>>, vector<16xf32>,
          %bitcast3A_250 = vector.bitcast %get3A_249 : vector<16xf32> to vector<32xbf16>
          %unpack3A_251 = tpu.unpack_subelements %bitcast3A_250, 0 {pack_format = #tpu.pack_format<interleaved>} : vector<32xbf16> -> vector<16xf32>
          %unpack3A_252 = tpu.unpack_subelements %bitcast3A_250, 1 {pack_format = #tpu.pack_format<interleaved>} : vector<32xbf16> -> vector<16xf32>
          %mul3A_253 = arith.mulf %unpack3A_251, %gather3A_244 : vector<16xf32>
          %add3A_254 = arith.addf %add3A_186, %mul3A_253 : vector<16xf32>
          %mul3A_255 = arith.mulf %unpack3A_252, %gather3A_244 : vector<16xf32>
          %add3A_256 = arith.addf %add3A_188, %mul3A_255 : vector<16xf32>
          %broadcast_in_dim3A_257 = arith.constant 6 : i32
          %broadcast_in_dim3A_258 = vector.broadcast %broadcast_in_dim3A_257 : i32 to vector<16xi32>
          %reshape3A_259 = vector.shape_cast %broadcast_in_dim3A_258 : vector<16xi32> to vector<16x1xi32>
          %gather3A_260 = vector.shape_cast %reshape3A_259 : vector<16x1xi32> to vector<16xi32>
          %gather3A_261 = tpu.dynamic_gather %get3A_140[%gather3A_260] in [0] : vector<16xf32>, vector<16xi32> -> vector<16xf32>
          %get3A_262 = arith.constant 1 : i32
          %get3A_263 = arith.index_cast %get3A_262 : i32 to index
          %get3A_264 = arith.index_cast %scan3A_138 : i32 to index
          %get3A_265 = arith.constant 96 : index
          %get3A_266 = tpu.vector_load %arg7[%get3A_263, %get3A_264, %get3A_265] {strides = array<i32>} : memref<2x32x512xf32, #tpu.memory_space<vmem>>, vector<16xf32>,
          %bitcast3A_267 = vector.bitcast %get3A_266 : vector<16xf32> to vector<32xbf16>
          %unpack3A_268 = tpu.unpack_subelements %bitcast3A_267, 0 {pack_format = #tpu.pack_format<interleaved>} : vector<32xbf16> -> vector<16xf32>
          %unpack3A_269 = tpu.unpack_subelements %bitcast3A_267, 1 {pack_format = #tpu.pack_format<interleaved>} : vector<32xbf16> -> vector<16xf32>
          %mul3A_270 = arith.mulf %unpack3A_268, %gather3A_261 : vector<16xf32>
          %add3A_271 = arith.addf %add3A_203, %mul3A_270 : vector<16xf32>
          %mul3A_272 = arith.mulf %unpack3A_269, %gather3A_261 : vector<16xf32>
          %add3A_273 = arith.addf %add3A_205, %mul3A_272 : vector<16xf32>
          %broadcast_in_dim3A_274 = arith.constant 7 : i32
          %broadcast_in_dim3A_275 = vector.broadcast %broadcast_in_dim3A_274 : i32 to vector<16xi32>
          %reshape3A_276 = vector.shape_cast %broadcast_in_dim3A_275 : vector<16xi32> to vector<16x1xi32>
          %gather3A_277 = vector.shape_cast %reshape3A_276 : vector<16x1xi32> to vector<16xi32>
          %gather3A_278 = tpu.dynamic_gather %get3A_140[%gather3A_277] in [0] : vector<16xf32>, vector<16xi32> -> vector<16xf32>
          %get3A_279 = arith.constant 1 : i32
          %get3A_280 = arith.index_cast %get3A_279 : i32 to index
          %get3A_281 = arith.index_cast %scan3A_138 : i32 to index
          %get3A_282 = arith.constant 112 : index
          %get3A_283 = tpu.vector_load %arg7[%get3A_280, %get3A_281, %get3A_282] {strides = array<i32>} : memref<2x32x512xf32, #tpu.memory_space<vmem>>, vector<16xf32>,
          %bitcast3A_284 = vector.bitcast %get3A_283 : vector<16xf32> to vector<32xbf16>
          %unpack3A_285 = tpu.unpack_subelements %bitcast3A_284, 0 {pack_format = #tpu.pack_format<interleaved>} : vector<32xbf16> -> vector<16xf32>
          %unpack3A_286 = tpu.unpack_subelements %bitcast3A_284, 1 {pack_format = #tpu.pack_format<interleaved>} : vector<32xbf16> -> vector<16xf32>
          %mul3A_287 = arith.mulf %unpack3A_285, %gather3A_278 : vector<16xf32>
          %add3A_288 = arith.addf %add3A_220, %mul3A_287 : vector<16xf32>
          %mul3A_289 = arith.mulf %unpack3A_286, %gather3A_278 : vector<16xf32>
          %add3A_290 = arith.addf %add3A_222, %mul3A_289 : vector<16xf32>
          %broadcast_in_dim3A_291 = arith.constant 8 : i32
          %broadcast_in_dim3A_292 = vector.broadcast %broadcast_in_dim3A_291 : i32 to vector<16xi32>
          %reshape3A_293 = vector.shape_cast %broadcast_in_dim3A_292 : vector<16xi32> to vector<16x1xi32>
          %gather3A_294 = vector.shape_cast %reshape3A_293 : vector<16x1xi32> to vector<16xi32>
          %gather3A_295 = tpu.dynamic_gather %get3A_140[%gather3A_294] in [0] : vector<16xf32>, vector<16xi32> -> vector<16xf32>
          %get3A_296 = arith.constant 1 : i32
          %get3A_297 = arith.index_cast %get3A_296 : i32 to index
          %get3A_298 = arith.index_cast %scan3A_138 : i32 to index
          %get3A_299 = arith.constant 128 : index
          %get3A_300 = tpu.vector_load %arg7[%get3A_297, %get3A_298, %get3A_299] {strides = array<i32>} : memref<2x32x512xf32, #tpu.memory_space<vmem>>, vector<16xf32>,
          %bitcast3A_301 = vector.bitcast %get3A_300 : vector<16xf32> to vector<32xbf16>
          %unpack3A_302 = tpu.unpack_subelements %bitcast3A_301, 0 {pack_format = #tpu.pack_format<interleaved>} : vector<32xbf16> -> vector<16xf32>
          %unpack3A_303 = tpu.unpack_subelements %bitcast3A_301, 1 {pack_format = #tpu.pack_format<interleaved>} : vector<32xbf16> -> vector<16xf32>
          %mul3A_304 = arith.mulf %unpack3A_302, %gather3A_295 : vector<16xf32>
          %add3A_305 = arith.addf %add3A_237, %mul3A_304 : vector<16xf32>
          %mul3A_306 = arith.mulf %unpack3A_303, %gather3A_295 : vector<16xf32>
          %add3A_307 = arith.addf %add3A_239, %mul3A_306 : vector<16xf32>
          %broadcast_in_dim3A_308 = arith.constant 9 : i32
          %broadcast_in_dim3A_309 = vector.broadcast %broadcast_in_dim3A_308 : i32 to vector<16xi32>
          %reshape3A_310 = vector.shape_cast %broadcast_in_dim3A_309 : vector<16xi32> to vector<16x1xi32>
          %gather3A_311 = vector.shape_cast %reshape3A_310 : vector<16x1xi32> to vector<16xi32>
          %gather3A_312 = tpu.dynamic_gather %get3A_140[%gather3A_311] in [0] : vector<16xf32>, vector<16xi32> -> vector<16xf32>
          %get3A_313 = arith.constant 1 : i32
          %get3A_314 = arith.index_cast %get3A_313 : i32 to index
          %get3A_315 = arith.index_cast %scan3A_138 : i32 to index
          %get3A_316 = arith.constant 144 : index
          %get3A_317 = tpu.vector_load %arg7[%get3A_314, %get3A_315, %get3A_316] {strides = array<i32>} : memref<2x32x512xf32, #tpu.memory_space<vmem>>, vector<16xf32>,
          %bitcast3A_318 = vector.bitcast %get3A_317 : vector<16xf32> to vector<32xbf16>
          %unpack3A_319 = tpu.unpack_subelements %bitcast3A_318, 0 {pack_format = #tpu.pack_format<interleaved>} : vector<32xbf16> -> vector<16xf32>
          %unpack3A_320 = tpu.unpack_subelements %bitcast3A_318, 1 {pack_format = #tpu.pack_format<interleaved>} : vector<32xbf16> -> vector<16xf32>
          %mul3A_321 = arith.mulf %unpack3A_319, %gather3A_312 : vector<16xf32>
          %add3A_322 = arith.addf %add3A_254, %mul3A_321 : vector<16xf32>
          %mul3A_323 = arith.mulf %unpack3A_320, %gather3A_312 : vector<16xf32>
          %add3A_324 = arith.addf %add3A_256, %mul3A_323 : vector<16xf32>
          %broadcast_in_dim3A_325 = arith.constant 10 : i32
          %broadcast_in_dim3A_326 = vector.broadcast %broadcast_in_dim3A_325 : i32 to vector<16xi32>
          %reshape3A_327 = vector.shape_cast %broadcast_in_dim3A_326 : vector<16xi32> to vector<16x1xi32>
          %gather3A_328 = vector.shape_cast %reshape3A_327 : vector<16x1xi32> to vector<16xi32>
          %gather3A_329 = tpu.dynamic_gather %get3A_140[%gather3A_328] in [0] : vector<16xf32>, vector<16xi32> -> vector<16xf32>
          %get3A_330 = arith.constant 1 : i32
          %get3A_331 = arith.index_cast %get3A_330 : i32 to index
          %get3A_332 = arith.index_cast %scan3A_138 : i32 to index
          %get3A_333 = arith.constant 160 : index
          %get3A_334 = tpu.vector_load %arg7[%get3A_331, %get3A_332, %get3A_333] {strides = array<i32>} : memref<2x32x512xf32, #tpu.memory_space<vmem>>, vector<16xf32>,
          %bitcast3A_335 = vector.bitcast %get3A_334 : vector<16xf32> to vector<32xbf16>
          %unpack3A_336 = tpu.unpack_subelements %bitcast3A_335, 0 {pack_format = #tpu.pack_format<interleaved>} : vector<32xbf16> -> vector<16xf32>
          %unpack3A_337 = tpu.unpack_subelements %bitcast3A_335, 1 {pack_format = #tpu.pack_format<interleaved>} : vector<32xbf16> -> vector<16xf32>
          %mul3A_338 = arith.mulf %unpack3A_336, %gather3A_329 : vector<16xf32>
          %add3A_339 = arith.addf %add3A_271, %mul3A_338 : vector<16xf32>
          %mul3A_340 = arith.mulf %unpack3A_337, %gather3A_329 : vector<16xf32>
          %add3A_341 = arith.addf %add3A_273, %mul3A_340 : vector<16xf32>
          %broadcast_in_dim3A_342 = arith.constant 11 : i32
          %broadcast_in_dim3A_343 = vector.broadcast %broadcast_in_dim3A_342 : i32 to vector<16xi32>
          %reshape3A_344 = vector.shape_cast %broadcast_in_dim3A_343 : vector<16xi32> to vector<16x1xi32>
          %gather3A_345 = vector.shape_cast %reshape3A_344 : vector<16x1xi32> to vector<16xi32>
          %gather3A_346 = tpu.dynamic_gather %get3A_140[%gather3A_345] in [0] : vector<16xf32>, vector<16xi32> -> vector<16xf32>
          %get3A_347 = arith.constant 1 : i32
          %get3A_348 = arith.index_cast %get3A_347 : i32 to index
          %get3A_349 = arith.index_cast %scan3A_138 : i32 to index
          %get3A_350 = arith.constant 176 : index
          %get3A_351 = tpu.vector_load %arg7[%get3A_348, %get3A_349, %get3A_350] {strides = array<i32>} : memref<2x32x512xf32, #tpu.memory_space<vmem>>, vector<16xf32>,
          %bitcast3A_352 = vector.bitcast %get3A_351 : vector<16xf32> to vector<32xbf16>
          %unpack3A_353 = tpu.unpack_subelements %bitcast3A_352, 0 {pack_format = #tpu.pack_format<interleaved>} : vector<32xbf16> -> vector<16xf32>
          %unpack3A_354 = tpu.unpack_subelements %bitcast3A_352, 1 {pack_format = #tpu.pack_format<interleaved>} : vector<32xbf16> -> vector<16xf32>
          %mul3A_355 = arith.mulf %unpack3A_353, %gather3A_346 : vector<16xf32>
          %add3A_356 = arith.addf %add3A_288, %mul3A_355 : vector<16xf32>
          %mul3A_357 = arith.mulf %unpack3A_354, %gather3A_346 : vector<16xf32>
          %add3A_358 = arith.addf %add3A_290, %mul3A_357 : vector<16xf32>
          %broadcast_in_dim3A_359 = arith.constant 12 : i32
          %broadcast_in_dim3A_360 = vector.broadcast %broadcast_in_dim3A_359 : i32 to vector<16xi32>
          %reshape3A_361 = vector.shape_cast %broadcast_in_dim3A_360 : vector<16xi32> to vector<16x1xi32>
          %gather3A_362 = vector.shape_cast %reshape3A_361 : vector<16x1xi32> to vector<16xi32>
          %gather3A_363 = tpu.dynamic_gather %get3A_140[%gather3A_362] in [0] : vector<16xf32>, vector<16xi32> -> vector<16xf32>
          %get3A_364 = arith.constant 1 : i32
          %get3A_365 = arith.index_cast %get3A_364 : i32 to index
          %get3A_366 = arith.index_cast %scan3A_138 : i32 to index
          %get3A_367 = arith.constant 192 : index
          %get3A_368 = tpu.vector_load %arg7[%get3A_365, %get3A_366, %get3A_367] {strides = array<i32>} : memref<2x32x512xf32, #tpu.memory_space<vmem>>, vector<16xf32>,
          %bitcast3A_369 = vector.bitcast %get3A_368 : vector<16xf32> to vector<32xbf16>
          %unpack3A_370 = tpu.unpack_subelements %bitcast3A_369, 0 {pack_format = #tpu.pack_format<interleaved>} : vector<32xbf16> -> vector<16xf32>
          %unpack3A_371 = tpu.unpack_subelements %bitcast3A_369, 1 {pack_format = #tpu.pack_format<interleaved>} : vector<32xbf16> -> vector<16xf32>
          %mul3A_372 = arith.mulf %unpack3A_370, %gather3A_363 : vector<16xf32>
          %add3A_373 = arith.addf %add3A_305, %mul3A_372 : vector<16xf32>
          %mul3A_374 = arith.mulf %unpack3A_371, %gather3A_363 : vector<16xf32>
          %add3A_375 = arith.addf %add3A_307, %mul3A_374 : vector<16xf32>
          %broadcast_in_dim3A_376 = arith.constant 13 : i32
          %broadcast_in_dim3A_377 = vector.broadcast %broadcast_in_dim3A_376 : i32 to vector<16xi32>
          %reshape3A_378 = vector.shape_cast %broadcast_in_dim3A_377 : vector<16xi32> to vector<16x1xi32>
          %gather3A_379 = vector.shape_cast %reshape3A_378 : vector<16x1xi32> to vector<16xi32>
          %gather3A_380 = tpu.dynamic_gather %get3A_140[%gather3A_379] in [0] : vector<16xf32>, vector<16xi32> -> vector<16xf32>
          %get3A_381 = arith.constant 1 : i32
          %get3A_382 = arith.index_cast %get3A_381 : i32 to index
          %get3A_383 = arith.index_cast %scan3A_138 : i32 to index
          %get3A_384 = arith.constant 208 : index
          %get3A_385 = tpu.vector_load %arg7[%get3A_382, %get3A_383, %get3A_384] {strides = array<i32>} : memref<2x32x512xf32, #tpu.memory_space<vmem>>, vector<16xf32>,
          %bitcast3A_386 = vector.bitcast %get3A_385 : vector<16xf32> to vector<32xbf16>
          %unpack3A_387 = tpu.unpack_subelements %bitcast3A_386, 0 {pack_format = #tpu.pack_format<interleaved>} : vector<32xbf16> -> vector<16xf32>
          %unpack3A_388 = tpu.unpack_subelements %bitcast3A_386, 1 {pack_format = #tpu.pack_format<interleaved>} : vector<32xbf16> -> vector<16xf32>
          %mul3A_389 = arith.mulf %unpack3A_387, %gather3A_380 : vector<16xf32>
          %add3A_390 = arith.addf %add3A_322, %mul3A_389 : vector<16xf32>
          %mul3A_391 = arith.mulf %unpack3A_388, %gather3A_380 : vector<16xf32>
          %add3A_392 = arith.addf %add3A_324, %mul3A_391 : vector<16xf32>
          %broadcast_in_dim3A_393 = arith.constant 14 : i32
          %broadcast_in_dim3A_394 = vector.broadcast %broadcast_in_dim3A_393 : i32 to vector<16xi32>
          %reshape3A_395 = vector.shape_cast %broadcast_in_dim3A_394 : vector<16xi32> to vector<16x1xi32>
          %gather3A_396 = vector.shape_cast %reshape3A_395 : vector<16x1xi32> to vector<16xi32>
          %gather3A_397 = tpu.dynamic_gather %get3A_140[%gather3A_396] in [0] : vector<16xf32>, vector<16xi32> -> vector<16xf32>
          %get3A_398 = arith.constant 1 : i32
          %get3A_399 = arith.index_cast %get3A_398 : i32 to index
          %get3A_400 = arith.index_cast %scan3A_138 : i32 to index
          %get3A_401 = arith.constant 224 : index
          %get3A_402 = tpu.vector_load %arg7[%get3A_399, %get3A_400, %get3A_401] {strides = array<i32>} : memref<2x32x512xf32, #tpu.memory_space<vmem>>, vector<16xf32>,
          %bitcast3A_403 = vector.bitcast %get3A_402 : vector<16xf32> to vector<32xbf16>
          %unpack3A_404 = tpu.unpack_subelements %bitcast3A_403, 0 {pack_format = #tpu.pack_format<interleaved>} : vector<32xbf16> -> vector<16xf32>
          %unpack3A_405 = tpu.unpack_subelements %bitcast3A_403, 1 {pack_format = #tpu.pack_format<interleaved>} : vector<32xbf16> -> vector<16xf32>
          %mul3A_406 = arith.mulf %unpack3A_404, %gather3A_397 : vector<16xf32>
          %add3A_407 = arith.addf %add3A_339, %mul3A_406 : vector<16xf32>
          %mul3A_408 = arith.mulf %unpack3A_405, %gather3A_397 : vector<16xf32>
          %add3A_409 = arith.addf %add3A_341, %mul3A_408 : vector<16xf32>
          %broadcast_in_dim3A_410 = arith.constant 15 : i32
          %broadcast_in_dim3A_411 = vector.broadcast %broadcast_in_dim3A_410 : i32 to vector<16xi32>
          %reshape3A_412 = vector.shape_cast %broadcast_in_dim3A_411 : vector<16xi32> to vector<16x1xi32>
          %gather3A_413 = vector.shape_cast %reshape3A_412 : vector<16x1xi32> to vector<16xi32>
          %gather3A_414 = tpu.dynamic_gather %get3A_140[%gather3A_413] in [0] : vector<16xf32>, vector<16xi32> -> vector<16xf32>
          %get3A_415 = arith.constant 1 : i32
          %get3A_416 = arith.index_cast %get3A_415 : i32 to index
          %get3A_417 = arith.index_cast %scan3A_138 : i32 to index
          %get3A_418 = arith.constant 240 : index
          %get3A_419 = tpu.vector_load %arg7[%get3A_416, %get3A_417, %get3A_418] {strides = array<i32>} : memref<2x32x512xf32, #tpu.memory_space<vmem>>, vector<16xf32>,
          %bitcast3A_420 = vector.bitcast %get3A_419 : vector<16xf32> to vector<32xbf16>
          %unpack3A_421 = tpu.unpack_subelements %bitcast3A_420, 0 {pack_format = #tpu.pack_format<interleaved>} : vector<32xbf16> -> vector<16xf32>
          %unpack3A_422 = tpu.unpack_subelements %bitcast3A_420, 1 {pack_format = #tpu.pack_format<interleaved>} : vector<32xbf16> -> vector<16xf32>
          %mul3A_423 = arith.mulf %unpack3A_421, %gather3A_414 : vector<16xf32>
          %add3A_424 = arith.addf %add3A_356, %mul3A_423 : vector<16xf32>
          %mul3A_425 = arith.mulf %unpack3A_422, %gather3A_414 : vector<16xf32>
          %add3A_426 = arith.addf %add3A_358, %mul3A_425 : vector<16xf32>
          %broadcast_in_dim3A_427 = arith.constant 0 : i32
          %broadcast_in_dim3A_428 = vector.broadcast %broadcast_in_dim3A_427 : i32 to vector<16xi32>
          %reshape3A_429 = vector.shape_cast %broadcast_in_dim3A_428 : vector<16xi32> to vector<16x1xi32>
          %gather3A_430 = vector.shape_cast %reshape3A_429 : vector<16x1xi32> to vector<16xi32>
          %gather3A_431 = tpu.dynamic_gather %get3A_142[%gather3A_430] in [0] : vector<16xf32>, vector<16xi32> -> vector<16xf32>
          %get3A_432 = arith.constant 1 : i32
          %get3A_433 = arith.index_cast %get3A_432 : i32 to index
          %get3A_434 = arith.index_cast %scan3A_138 : i32 to index
          %get3A_435 = arith.constant 256 : index
          %get3A_436 = tpu.vector_load %arg7[%get3A_433, %get3A_434, %get3A_435] {strides = array<i32>} : memref<2x32x512xf32, #tpu.memory_space<vmem>>, vector<16xf32>,
          %bitcast3A_437 = vector.bitcast %get3A_436 : vector<16xf32> to vector<32xbf16>
          %unpack3A_438 = tpu.unpack_subelements %bitcast3A_437, 0 {pack_format = #tpu.pack_format<interleaved>} : vector<32xbf16> -> vector<16xf32>
          %unpack3A_439 = tpu.unpack_subelements %bitcast3A_437, 1 {pack_format = #tpu.pack_format<interleaved>} : vector<32xbf16> -> vector<16xf32>
          %mul3A_440 = arith.mulf %unpack3A_438, %gather3A_431 : vector<16xf32>
          %add3A_441 = arith.addf %add3A_373, %mul3A_440 : vector<16xf32>
          %mul3A_442 = arith.mulf %unpack3A_439, %gather3A_431 : vector<16xf32>
          %add3A_443 = arith.addf %add3A_375, %mul3A_442 : vector<16xf32>
          %broadcast_in_dim3A_444 = arith.constant 1 : i32
          %broadcast_in_dim3A_445 = vector.broadcast %broadcast_in_dim3A_444 : i32 to vector<16xi32>
          %reshape3A_446 = vector.shape_cast %broadcast_in_dim3A_445 : vector<16xi32> to vector<16x1xi32>
          %gather3A_447 = vector.shape_cast %reshape3A_446 : vector<16x1xi32> to vector<16xi32>
          %gather3A_448 = tpu.dynamic_gather %get3A_142[%gather3A_447] in [0] : vector<16xf32>, vector<16xi32> -> vector<16xf32>
          %get3A_449 = arith.constant 1 : i32
          %get3A_450 = arith.index_cast %get3A_449 : i32 to index
          %get3A_451 = arith.index_cast %scan3A_138 : i32 to index
          %get3A_452 = arith.constant 272 : index
          %get3A_453 = tpu.vector_load %arg7[%get3A_450, %get3A_451, %get3A_452] {strides = array<i32>} : memref<2x32x512xf32, #tpu.memory_space<vmem>>, vector<16xf32>,
          %bitcast3A_454 = vector.bitcast %get3A_453 : vector<16xf32> to vector<32xbf16>
          %unpack3A_455 = tpu.unpack_subelements %bitcast3A_454, 0 {pack_format = #tpu.pack_format<interleaved>} : vector<32xbf16> -> vector<16xf32>
          %unpack3A_456 = tpu.unpack_subelements %bitcast3A_454, 1 {pack_format = #tpu.pack_format<interleaved>} : vector<32xbf16> -> vector<16xf32>
          %mul3A_457 = arith.mulf %unpack3A_455, %gather3A_448 : vector<16xf32>
          %add3A_458 = arith.addf %add3A_390, %mul3A_457 : vector<16xf32>
          %mul3A_459 = arith.mulf %unpack3A_456, %gather3A_448 : vector<16xf32>
          %add3A_460 = arith.addf %add3A_392, %mul3A_459 : vector<16xf32>
          %broadcast_in_dim3A_461 = arith.constant 2 : i32
          %broadcast_in_dim3A_462 = vector.broadcast %broadcast_in_dim3A_461 : i32 to vector<16xi32>
          %reshape3A_463 = vector.shape_cast %broadcast_in_dim3A_462 : vector<16xi32> to vector<16x1xi32>
          %gather3A_464 = vector.shape_cast %reshape3A_463 : vector<16x1xi32> to vector<16xi32>
          %gather3A_465 = tpu.dynamic_gather %get3A_142[%gather3A_464] in [0] : vector<16xf32>, vector<16xi32> -> vector<16xf32>
          %get3A_466 = arith.constant 1 : i32
          %get3A_467 = arith.index_cast %get3A_466 : i32 to index
          %get3A_468 = arith.index_cast %scan3A_138 : i32 to index
          %get3A_469 = arith.constant 288 : index
          %get3A_470 = tpu.vector_load %arg7[%get3A_467, %get3A_468, %get3A_469] {strides = array<i32>} : memref<2x32x512xf32, #tpu.memory_space<vmem>>, vector<16xf32>,
          %bitcast3A_471 = vector.bitcast %get3A_470 : vector<16xf32> to vector<32xbf16>
          %unpack3A_472 = tpu.unpack_subelements %bitcast3A_471, 0 {pack_format = #tpu.pack_format<interleaved>} : vector<32xbf16> -> vector<16xf32>
          %unpack3A_473 = tpu.unpack_subelements %bitcast3A_471, 1 {pack_format = #tpu.pack_format<interleaved>} : vector<32xbf16> -> vector<16xf32>
          %mul3A_474 = arith.mulf %unpack3A_472, %gather3A_465 : vector<16xf32>
          %add3A_475 = arith.addf %add3A_407, %mul3A_474 : vector<16xf32>
          %mul3A_476 = arith.mulf %unpack3A_473, %gather3A_465 : vector<16xf32>
          %add3A_477 = arith.addf %add3A_409, %mul3A_476 : vector<16xf32>
          %broadcast_in_dim3A_478 = arith.constant 3 : i32
          %broadcast_in_dim3A_479 = vector.broadcast %broadcast_in_dim3A_478 : i32 to vector<16xi32>
          %reshape3A_480 = vector.shape_cast %broadcast_in_dim3A_479 : vector<16xi32> to vector<16x1xi32>
          %gather3A_481 = vector.shape_cast %reshape3A_480 : vector<16x1xi32> to vector<16xi32>
          %gather3A_482 = tpu.dynamic_gather %get3A_142[%gather3A_481] in [0] : vector<16xf32>, vector<16xi32> -> vector<16xf32>
          %get3A_483 = arith.constant 1 : i32
          %get3A_484 = arith.index_cast %get3A_483 : i32 to index
          %get3A_485 = arith.index_cast %scan3A_138 : i32 to index
          %get3A_486 = arith.constant 304 : index
          %get3A_487 = tpu.vector_load %arg7[%get3A_484, %get3A_485, %get3A_486] {strides = array<i32>} : memref<2x32x512xf32, #tpu.memory_space<vmem>>, vector<16xf32>,
          %bitcast3A_488 = vector.bitcast %get3A_487 : vector<16xf32> to vector<32xbf16>
          %unpack3A_489 = tpu.unpack_subelements %bitcast3A_488, 0 {pack_format = #tpu.pack_format<interleaved>} : vector<32xbf16> -> vector<16xf32>
          %unpack3A_490 = tpu.unpack_subelements %bitcast3A_488, 1 {pack_format = #tpu.pack_format<interleaved>} : vector<32xbf16> -> vector<16xf32>
          %mul3A_491 = arith.mulf %unpack3A_489, %gather3A_482 : vector<16xf32>
          %add3A_492 = arith.addf %add3A_424, %mul3A_491 : vector<16xf32>
          %mul3A_493 = arith.mulf %unpack3A_490, %gather3A_482 : vector<16xf32>
          %add3A_494 = arith.addf %add3A_426, %mul3A_493 : vector<16xf32>
          %broadcast_in_dim3A_495 = arith.constant 4 : i32
          %broadcast_in_dim3A_496 = vector.broadcast %broadcast_in_dim3A_495 : i32 to vector<16xi32>
          %reshape3A_497 = vector.shape_cast %broadcast_in_dim3A_496 : vector<16xi32> to vector<16x1xi32>
          %gather3A_498 = vector.shape_cast %reshape3A_497 : vector<16x1xi32> to vector<16xi32>
          %gather3A_499 = tpu.dynamic_gather %get3A_142[%gather3A_498] in [0] : vector<16xf32>, vector<16xi32> -> vector<16xf32>
          %get3A_500 = arith.constant 1 : i32
          %get3A_501 = arith.index_cast %get3A_500 : i32 to index
          %get3A_502 = arith.index_cast %scan3A_138 : i32 to index
          %get3A_503 = arith.constant 320 : index
          %get3A_504 = tpu.vector_load %arg7[%get3A_501, %get3A_502, %get3A_503] {strides = array<i32>} : memref<2x32x512xf32, #tpu.memory_space<vmem>>, vector<16xf32>,
          %bitcast3A_505 = vector.bitcast %get3A_504 : vector<16xf32> to vector<32xbf16>
          %unpack3A_506 = tpu.unpack_subelements %bitcast3A_505, 0 {pack_format = #tpu.pack_format<interleaved>} : vector<32xbf16> -> vector<16xf32>
          %unpack3A_507 = tpu.unpack_subelements %bitcast3A_505, 1 {pack_format = #tpu.pack_format<interleaved>} : vector<32xbf16> -> vector<16xf32>
          %mul3A_508 = arith.mulf %unpack3A_506, %gather3A_499 : vector<16xf32>
          %add3A_509 = arith.addf %add3A_441, %mul3A_508 : vector<16xf32>
          %mul3A_510 = arith.mulf %unpack3A_507, %gather3A_499 : vector<16xf32>
          %add3A_511 = arith.addf %add3A_443, %mul3A_510 : vector<16xf32>
          %broadcast_in_dim3A_512 = arith.constant 5 : i32
          %broadcast_in_dim3A_513 = vector.broadcast %broadcast_in_dim3A_512 : i32 to vector<16xi32>
          %reshape3A_514 = vector.shape_cast %broadcast_in_dim3A_513 : vector<16xi32> to vector<16x1xi32>
          %gather3A_515 = vector.shape_cast %reshape3A_514 : vector<16x1xi32> to vector<16xi32>
          %gather3A_516 = tpu.dynamic_gather %get3A_142[%gather3A_515] in [0] : vector<16xf32>, vector<16xi32> -> vector<16xf32>
          %get3A_517 = arith.constant 1 : i32
          %get3A_518 = arith.index_cast %get3A_517 : i32 to index
          %get3A_519 = arith.index_cast %scan3A_138 : i32 to index
          %get3A_520 = arith.constant 336 : index
          %get3A_521 = tpu.vector_load %arg7[%get3A_518, %get3A_519, %get3A_520] {strides = array<i32>} : memref<2x32x512xf32, #tpu.memory_space<vmem>>, vector<16xf32>,
          %bitcast3A_522 = vector.bitcast %get3A_521 : vector<16xf32> to vector<32xbf16>
          %unpack3A_523 = tpu.unpack_subelements %bitcast3A_522, 0 {pack_format = #tpu.pack_format<interleaved>} : vector<32xbf16> -> vector<16xf32>
          %unpack3A_524 = tpu.unpack_subelements %bitcast3A_522, 1 {pack_format = #tpu.pack_format<interleaved>} : vector<32xbf16> -> vector<16xf32>
          %mul3A_525 = arith.mulf %unpack3A_523, %gather3A_516 : vector<16xf32>
          %add3A_526 = arith.addf %add3A_458, %mul3A_525 : vector<16xf32>
          %mul3A_527 = arith.mulf %unpack3A_524, %gather3A_516 : vector<16xf32>
          %add3A_528 = arith.addf %add3A_460, %mul3A_527 : vector<16xf32>
          %broadcast_in_dim3A_529 = arith.constant 6 : i32
          %broadcast_in_dim3A_530 = vector.broadcast %broadcast_in_dim3A_529 : i32 to vector<16xi32>
          %reshape3A_531 = vector.shape_cast %broadcast_in_dim3A_530 : vector<16xi32> to vector<16x1xi32>
          %gather3A_532 = vector.shape_cast %reshape3A_531 : vector<16x1xi32> to vector<16xi32>
          %gather3A_533 = tpu.dynamic_gather %get3A_142[%gather3A_532] in [0] : vector<16xf32>, vector<16xi32> -> vector<16xf32>
          %get3A_534 = arith.constant 1 : i32
          %get3A_535 = arith.index_cast %get3A_534 : i32 to index
          %get3A_536 = arith.index_cast %scan3A_138 : i32 to index
          %get3A_537 = arith.constant 352 : index
          %get3A_538 = tpu.vector_load %arg7[%get3A_535, %get3A_536, %get3A_537] {strides = array<i32>} : memref<2x32x512xf32, #tpu.memory_space<vmem>>, vector<16xf32>,
          %bitcast3A_539 = vector.bitcast %get3A_538 : vector<16xf32> to vector<32xbf16>
          %unpack3A_540 = tpu.unpack_subelements %bitcast3A_539, 0 {pack_format = #tpu.pack_format<interleaved>} : vector<32xbf16> -> vector<16xf32>
          %unpack3A_541 = tpu.unpack_subelements %bitcast3A_539, 1 {pack_format = #tpu.pack_format<interleaved>} : vector<32xbf16> -> vector<16xf32>
          %mul3A_542 = arith.mulf %unpack3A_540, %gather3A_533 : vector<16xf32>
          %add3A_543 = arith.addf %add3A_475, %mul3A_542 : vector<16xf32>
          %mul3A_544 = arith.mulf %unpack3A_541, %gather3A_533 : vector<16xf32>
          %add3A_545 = arith.addf %add3A_477, %mul3A_544 : vector<16xf32>
          %broadcast_in_dim3A_546 = arith.constant 7 : i32
          %broadcast_in_dim3A_547 = vector.broadcast %broadcast_in_dim3A_546 : i32 to vector<16xi32>
          %reshape3A_548 = vector.shape_cast %broadcast_in_dim3A_547 : vector<16xi32> to vector<16x1xi32>
          %gather3A_549 = vector.shape_cast %reshape3A_548 : vector<16x1xi32> to vector<16xi32>
          %gather3A_550 = tpu.dynamic_gather %get3A_142[%gather3A_549] in [0] : vector<16xf32>, vector<16xi32> -> vector<16xf32>
          %get3A_551 = arith.constant 1 : i32
          %get3A_552 = arith.index_cast %get3A_551 : i32 to index
          %get3A_553 = arith.index_cast %scan3A_138 : i32 to index
          %get3A_554 = arith.constant 368 : index
          %get3A_555 = tpu.vector_load %arg7[%get3A_552, %get3A_553, %get3A_554] {strides = array<i32>} : memref<2x32x512xf32, #tpu.memory_space<vmem>>, vector<16xf32>,
          %bitcast3A_556 = vector.bitcast %get3A_555 : vector<16xf32> to vector<32xbf16>
          %unpack3A_557 = tpu.unpack_subelements %bitcast3A_556, 0 {pack_format = #tpu.pack_format<interleaved>} : vector<32xbf16> -> vector<16xf32>
          %unpack3A_558 = tpu.unpack_subelements %bitcast3A_556, 1 {pack_format = #tpu.pack_format<interleaved>} : vector<32xbf16> -> vector<16xf32>
          %mul3A_559 = arith.mulf %unpack3A_557, %gather3A_550 : vector<16xf32>
          %add3A_560 = arith.addf %add3A_492, %mul3A_559 : vector<16xf32>
          %mul3A_561 = arith.mulf %unpack3A_558, %gather3A_550 : vector<16xf32>
          %add3A_562 = arith.addf %add3A_494, %mul3A_561 : vector<16xf32>
          %broadcast_in_dim3A_563 = arith.constant 8 : i32
          %broadcast_in_dim3A_564 = vector.broadcast %broadcast_in_dim3A_563 : i32 to vector<16xi32>
          %reshape3A_565 = vector.shape_cast %broadcast_in_dim3A_564 : vector<16xi32> to vector<16x1xi32>
          %gather3A_566 = vector.shape_cast %reshape3A_565 : vector<16x1xi32> to vector<16xi32>
          %gather3A_567 = tpu.dynamic_gather %get3A_142[%gather3A_566] in [0] : vector<16xf32>, vector<16xi32> -> vector<16xf32>
          %get3A_568 = arith.constant 1 : i32
          %get3A_569 = arith.index_cast %get3A_568 : i32 to index
          %get3A_570 = arith.index_cast %scan3A_138 : i32 to index
          %get3A_571 = arith.constant 384 : index
          %get3A_572 = tpu.vector_load %arg7[%get3A_569, %get3A_570, %get3A_571] {strides = array<i32>} : memref<2x32x512xf32, #tpu.memory_space<vmem>>, vector<16xf32>,
          %bitcast3A_573 = vector.bitcast %get3A_572 : vector<16xf32> to vector<32xbf16>
          %unpack3A_574 = tpu.unpack_subelements %bitcast3A_573, 0 {pack_format = #tpu.pack_format<interleaved>} : vector<32xbf16> -> vector<16xf32>
          %unpack3A_575 = tpu.unpack_subelements %bitcast3A_573, 1 {pack_format = #tpu.pack_format<interleaved>} : vector<32xbf16> -> vector<16xf32>
          %mul3A_576 = arith.mulf %unpack3A_574, %gather3A_567 : vector<16xf32>
          %add3A_577 = arith.addf %add3A_509, %mul3A_576 : vector<16xf32>
          %mul3A_578 = arith.mulf %unpack3A_575, %gather3A_567 : vector<16xf32>
          %add3A_579 = arith.addf %add3A_511, %mul3A_578 : vector<16xf32>
          %broadcast_in_dim3A_580 = arith.constant 9 : i32
          %broadcast_in_dim3A_581 = vector.broadcast %broadcast_in_dim3A_580 : i32 to vector<16xi32>
          %reshape3A_582 = vector.shape_cast %broadcast_in_dim3A_581 : vector<16xi32> to vector<16x1xi32>
          %gather3A_583 = vector.shape_cast %reshape3A_582 : vector<16x1xi32> to vector<16xi32>
          %gather3A_584 = tpu.dynamic_gather %get3A_142[%gather3A_583] in [0] : vector<16xf32>, vector<16xi32> -> vector<16xf32>
          %get3A_585 = arith.constant 1 : i32
          %get3A_586 = arith.index_cast %get3A_585 : i32 to index
          %get3A_587 = arith.index_cast %scan3A_138 : i32 to index
          %get3A_588 = arith.constant 400 : index
          %get3A_589 = tpu.vector_load %arg7[%get3A_586, %get3A_587, %get3A_588] {strides = array<i32>} : memref<2x32x512xf32, #tpu.memory_space<vmem>>, vector<16xf32>,
          %bitcast3A_590 = vector.bitcast %get3A_589 : vector<16xf32> to vector<32xbf16>
          %unpack3A_591 = tpu.unpack_subelements %bitcast3A_590, 0 {pack_format = #tpu.pack_format<interleaved>} : vector<32xbf16> -> vector<16xf32>
          %unpack3A_592 = tpu.unpack_subelements %bitcast3A_590, 1 {pack_format = #tpu.pack_format<interleaved>} : vector<32xbf16> -> vector<16xf32>
          %mul3A_593 = arith.mulf %unpack3A_591, %gather3A_584 : vector<16xf32>
          %add3A_594 = arith.addf %add3A_526, %mul3A_593 : vector<16xf32>
          %mul3A_595 = arith.mulf %unpack3A_592, %gather3A_584 : vector<16xf32>
          %add3A_596 = arith.addf %add3A_528, %mul3A_595 : vector<16xf32>
          %broadcast_in_dim3A_597 = arith.constant 10 : i32
          %broadcast_in_dim3A_598 = vector.broadcast %broadcast_in_dim3A_597 : i32 to vector<16xi32>
          %reshape3A_599 = vector.shape_cast %broadcast_in_dim3A_598 : vector<16xi32> to vector<16x1xi32>
          %gather3A_600 = vector.shape_cast %reshape3A_599 : vector<16x1xi32> to vector<16xi32>
          %gather3A_601 = tpu.dynamic_gather %get3A_142[%gather3A_600] in [0] : vector<16xf32>, vector<16xi32> -> vector<16xf32>
          %get3A_602 = arith.constant 1 : i32
          %get3A_603 = arith.index_cast %get3A_602 : i32 to index
          %get3A_604 = arith.index_cast %scan3A_138 : i32 to index
          %get3A_605 = arith.constant 416 : index
          %get3A_606 = tpu.vector_load %arg7[%get3A_603, %get3A_604, %get3A_605] {strides = array<i32>} : memref<2x32x512xf32, #tpu.memory_space<vmem>>, vector<16xf32>,
          %bitcast3A_607 = vector.bitcast %get3A_606 : vector<16xf32> to vector<32xbf16>
          %unpack3A_608 = tpu.unpack_subelements %bitcast3A_607, 0 {pack_format = #tpu.pack_format<interleaved>} : vector<32xbf16> -> vector<16xf32>
          %unpack3A_609 = tpu.unpack_subelements %bitcast3A_607, 1 {pack_format = #tpu.pack_format<interleaved>} : vector<32xbf16> -> vector<16xf32>
          %mul3A_610 = arith.mulf %unpack3A_608, %gather3A_601 : vector<16xf32>
          %add3A_611 = arith.addf %add3A_543, %mul3A_610 : vector<16xf32>
          %mul3A_612 = arith.mulf %unpack3A_609, %gather3A_601 : vector<16xf32>
          %add3A_613 = arith.addf %add3A_545, %mul3A_612 : vector<16xf32>
          %broadcast_in_dim3A_614 = arith.constant 11 : i32
          %broadcast_in_dim3A_615 = vector.broadcast %broadcast_in_dim3A_614 : i32 to vector<16xi32>
          %reshape3A_616 = vector.shape_cast %broadcast_in_dim3A_615 : vector<16xi32> to vector<16x1xi32>
          %gather3A_617 = vector.shape_cast %reshape3A_616 : vector<16x1xi32> to vector<16xi32>
          %gather3A_618 = tpu.dynamic_gather %get3A_142[%gather3A_617] in [0] : vector<16xf32>, vector<16xi32> -> vector<16xf32>
          %get3A_619 = arith.constant 1 : i32
          %get3A_620 = arith.index_cast %get3A_619 : i32 to index
          %get3A_621 = arith.index_cast %scan3A_138 : i32 to index
          %get3A_622 = arith.constant 432 : index
          %get3A_623 = tpu.vector_load %arg7[%get3A_620, %get3A_621, %get3A_622] {strides = array<i32>} : memref<2x32x512xf32, #tpu.memory_space<vmem>>, vector<16xf32>,
          %bitcast3A_624 = vector.bitcast %get3A_623 : vector<16xf32> to vector<32xbf16>
          %unpack3A_625 = tpu.unpack_subelements %bitcast3A_624, 0 {pack_format = #tpu.pack_format<interleaved>} : vector<32xbf16> -> vector<16xf32>
          %unpack3A_626 = tpu.unpack_subelements %bitcast3A_624, 1 {pack_format = #tpu.pack_format<interleaved>} : vector<32xbf16> -> vector<16xf32>
          %mul3A_627 = arith.mulf %unpack3A_625, %gather3A_618 : vector<16xf32>
          %add3A_628 = arith.addf %add3A_560, %mul3A_627 : vector<16xf32>
          %mul3A_629 = arith.mulf %unpack3A_626, %gather3A_618 : vector<16xf32>
          %add3A_630 = arith.addf %add3A_562, %mul3A_629 : vector<16xf32>
          %broadcast_in_dim3A_631 = arith.constant 12 : i32
          %broadcast_in_dim3A_632 = vector.broadcast %broadcast_in_dim3A_631 : i32 to vector<16xi32>
          %reshape3A_633 = vector.shape_cast %broadcast_in_dim3A_632 : vector<16xi32> to vector<16x1xi32>
          %gather3A_634 = vector.shape_cast %reshape3A_633 : vector<16x1xi32> to vector<16xi32>
          %gather3A_635 = tpu.dynamic_gather %get3A_142[%gather3A_634] in [0] : vector<16xf32>, vector<16xi32> -> vector<16xf32>
          %get3A_636 = arith.constant 1 : i32
          %get3A_637 = arith.index_cast %get3A_636 : i32 to index
          %get3A_638 = arith.index_cast %scan3A_138 : i32 to index
          %get3A_639 = arith.constant 448 : index
          %get3A_640 = tpu.vector_load %arg7[%get3A_637, %get3A_638, %get3A_639] {strides = array<i32>} : memref<2x32x512xf32, #tpu.memory_space<vmem>>, vector<16xf32>,
          %bitcast3A_641 = vector.bitcast %get3A_640 : vector<16xf32> to vector<32xbf16>
          %unpack3A_642 = tpu.unpack_subelements %bitcast3A_641, 0 {pack_format = #tpu.pack_format<interleaved>} : vector<32xbf16> -> vector<16xf32>
          %unpack3A_643 = tpu.unpack_subelements %bitcast3A_641, 1 {pack_format = #tpu.pack_format<interleaved>} : vector<32xbf16> -> vector<16xf32>
          %mul3A_644 = arith.mulf %unpack3A_642, %gather3A_635 : vector<16xf32>
          %add3A_645 = arith.addf %add3A_577, %mul3A_644 : vector<16xf32>
          %mul3A_646 = arith.mulf %unpack3A_643, %gather3A_635 : vector<16xf32>
          %add3A_647 = arith.addf %add3A_579, %mul3A_646 : vector<16xf32>
          %broadcast_in_dim3A_648 = arith.constant 13 : i32
          %broadcast_in_dim3A_649 = vector.broadcast %broadcast_in_dim3A_648 : i32 to vector<16xi32>
          %reshape3A_650 = vector.shape_cast %broadcast_in_dim3A_649 : vector<16xi32> to vector<16x1xi32>
          %gather3A_651 = vector.shape_cast %reshape3A_650 : vector<16x1xi32> to vector<16xi32>
          %gather3A_652 = tpu.dynamic_gather %get3A_142[%gather3A_651] in [0] : vector<16xf32>, vector<16xi32> -> vector<16xf32>
          %get3A_653 = arith.constant 1 : i32
          %get3A_654 = arith.index_cast %get3A_653 : i32 to index
          %get3A_655 = arith.index_cast %scan3A_138 : i32 to index
          %get3A_656 = arith.constant 464 : index
          %get3A_657 = tpu.vector_load %arg7[%get3A_654, %get3A_655, %get3A_656] {strides = array<i32>} : memref<2x32x512xf32, #tpu.memory_space<vmem>>, vector<16xf32>,
          %bitcast3A_658 = vector.bitcast %get3A_657 : vector<16xf32> to vector<32xbf16>
          %unpack3A_659 = tpu.unpack_subelements %bitcast3A_658, 0 {pack_format = #tpu.pack_format<interleaved>} : vector<32xbf16> -> vector<16xf32>
          %unpack3A_660 = tpu.unpack_subelements %bitcast3A_658, 1 {pack_format = #tpu.pack_format<interleaved>} : vector<32xbf16> -> vector<16xf32>
          %mul3A_661 = arith.mulf %unpack3A_659, %gather3A_652 : vector<16xf32>
          %add3A_662 = arith.addf %add3A_594, %mul3A_661 : vector<16xf32>
          %mul3A_663 = arith.mulf %unpack3A_660, %gather3A_652 : vector<16xf32>
          %add3A_664 = arith.addf %add3A_596, %mul3A_663 : vector<16xf32>
          %broadcast_in_dim3A_665 = arith.constant 14 : i32
          %broadcast_in_dim3A_666 = vector.broadcast %broadcast_in_dim3A_665 : i32 to vector<16xi32>
          %reshape3A_667 = vector.shape_cast %broadcast_in_dim3A_666 : vector<16xi32> to vector<16x1xi32>
          %gather3A_668 = vector.shape_cast %reshape3A_667 : vector<16x1xi32> to vector<16xi32>
          %gather3A_669 = tpu.dynamic_gather %get3A_142[%gather3A_668] in [0] : vector<16xf32>, vector<16xi32> -> vector<16xf32>
          %get3A_670 = arith.constant 1 : i32
          %get3A_671 = arith.index_cast %get3A_670 : i32 to index
          %get3A_672 = arith.index_cast %scan3A_138 : i32 to index
          %get3A_673 = arith.constant 480 : index
          %get3A_674 = tpu.vector_load %arg7[%get3A_671, %get3A_672, %get3A_673] {strides = array<i32>} : memref<2x32x512xf32, #tpu.memory_space<vmem>>, vector<16xf32>,
          %bitcast3A_675 = vector.bitcast %get3A_674 : vector<16xf32> to vector<32xbf16>
          %unpack3A_676 = tpu.unpack_subelements %bitcast3A_675, 0 {pack_format = #tpu.pack_format<interleaved>} : vector<32xbf16> -> vector<16xf32>
          %unpack3A_677 = tpu.unpack_subelements %bitcast3A_675, 1 {pack_format = #tpu.pack_format<interleaved>} : vector<32xbf16> -> vector<16xf32>
          %mul3A_678 = arith.mulf %unpack3A_676, %gather3A_669 : vector<16xf32>
          %add3A_679 = arith.addf %add3A_611, %mul3A_678 : vector<16xf32>
          %mul3A_680 = arith.mulf %unpack3A_677, %gather3A_669 : vector<16xf32>
          %add3A_681 = arith.addf %add3A_613, %mul3A_680 : vector<16xf32>
          %broadcast_in_dim3A_682 = arith.constant 15 : i32
          %broadcast_in_dim3A_683 = vector.broadcast %broadcast_in_dim3A_682 : i32 to vector<16xi32>
          %reshape3A_684 = vector.shape_cast %broadcast_in_dim3A_683 : vector<16xi32> to vector<16x1xi32>
          %gather3A_685 = vector.shape_cast %reshape3A_684 : vector<16x1xi32> to vector<16xi32>
          %gather3A_686 = tpu.dynamic_gather %get3A_142[%gather3A_685] in [0] : vector<16xf32>, vector<16xi32> -> vector<16xf32>
          %get3A_687 = arith.constant 1 : i32
          %get3A_688 = arith.index_cast %get3A_687 : i32 to index
          %get3A_689 = arith.index_cast %scan3A_138 : i32 to index
          %get3A_690 = arith.constant 496 : index
          %get3A_691 = tpu.vector_load %arg7[%get3A_688, %get3A_689, %get3A_690] {strides = array<i32>} : memref<2x32x512xf32, #tpu.memory_space<vmem>>, vector<16xf32>,
          %bitcast3A_692 = vector.bitcast %get3A_691 : vector<16xf32> to vector<32xbf16>
          %unpack3A_693 = tpu.unpack_subelements %bitcast3A_692, 0 {pack_format = #tpu.pack_format<interleaved>} : vector<32xbf16> -> vector<16xf32>
          %unpack3A_694 = tpu.unpack_subelements %bitcast3A_692, 1 {pack_format = #tpu.pack_format<interleaved>} : vector<32xbf16> -> vector<16xf32>
          %mul3A_695 = arith.mulf %unpack3A_693, %gather3A_686 : vector<16xf32>
          %add3A_696 = arith.addf %add3A_628, %mul3A_695 : vector<16xf32>
          %mul3A_697 = arith.mulf %unpack3A_694, %gather3A_686 : vector<16xf32>
          %add3A_698 = arith.addf %add3A_630, %mul3A_697 : vector<16xf32>
          %add3A_699 = arith.addf %add3A_645, %add3A_662 : vector<16xf32>
          %add3A_700 = arith.addf %add3A_679, %add3A_696 : vector<16xf32>
          %add3A_701 = arith.addf %add3A_699, %add3A_700 : vector<16xf32>
          %add3A_702 = arith.addf %add3A_647, %add3A_664 : vector<16xf32>
          %add3A_703 = arith.addf %add3A_681, %add3A_698 : vector<16xf32>
          %add3A_704 = arith.addf %add3A_702, %add3A_703 : vector<16xf32>
          %swap3A_705 = arith.constant 0 : index
          %swap3A_706 = tpu.vector_load %arg8[%swap3A_705] {strides = array<i32>} : memref<32xf32, #tpu.memory_space<vmem>>, vector<16xf32>,
          tpu.vector_store %arg8[%swap3A_705], %add3A_701 {strides = array<i32>} : memref<32xf32, #tpu.memory_space<vmem>>, vector<16xf32>,
          %swap3A_707 = arith.constant 16 : index
          %swap3A_708 = tpu.vector_load %arg8[%swap3A_707] {strides = array<i32>} : memref<32xf32, #tpu.memory_space<vmem>>, vector<16xf32>,
          tpu.vector_store %arg8[%swap3A_707], %add3A_704 {strides = array<i32>} : memref<32xf32, #tpu.memory_space<vmem>>, vector<16xf32>,
          %and3A_709 = arith.constant 3 : i32
          %and3A_710 = arith.andi %scan3A_138, %and3A_709 : i32
          %eq3A = arith.constant 3 : i32
          %eq3A_711 = arith.cmpi eq, %and3A_710, %eq3A : i32
          %convert_element_type3A_712 = arith.extui %eq3A_711 : i1 to i32
          %cond3A_713 = arith.constant 0 : i32
          %cond3A_714 = arith.cmpi ne, %convert_element_type3A_712, %cond3A_713 : i32
          scf.if %cond3A_714 {
            %get3A_715 = arith.constant 0 : index
            %get3A_716 = tpu.vector_load %arg8[%get3A_715] {strides = array<i32>} : memref<32xf32, #tpu.memory_space<vmem>>, vector<16xf32>,
            %get3A_717 = arith.constant 16 : index
            %get3A_718 = tpu.vector_load %arg8[%get3A_717] {strides = array<i32>} : memref<32xf32, #tpu.memory_space<vmem>>, vector<16xf32>,
            %add3A_719 = arith.addf %get3A_716, %get3A_718 : vector<16xf32>
            %reduce_sum3A_720 = arith.constant true
            %reduce_sum3A_721 = vector.broadcast %reduce_sum3A_720 : i1 to vector<16xi1>
            %reduce_sum3A_722 = tpu.scan <sum>, %add3A_719 masked %reduce_sum3A_721 : vector<16xf32>, vector<16xi1> -> vector<16xf32>
            %reduce_sum3A_723 = vector.extract %reduce_sum3A_722[15] : f32 from vector<16xf32>
            %broadcast_in_dim3A_724 = vector.broadcast %reduce_sum3A_723 : f32 to vector<16xf32>
            %bitcast3A_725 = vector.bitcast %broadcast_in_dim3A_724 : vector<16xf32> to vector<16xi32>
            %shift_right_arithmetic3A = arith.constant 23 : i32
            %shift_right_arithmetic3A_726 = vector.broadcast %shift_right_arithmetic3A : i32 to vector<16xi32>
            %shift_right_arithmetic3A_727 = arith.shrsi %bitcast3A_725, %shift_right_arithmetic3A_726 : vector<16xi32>
            %sub3A_728 = arith.constant 127 : i32
            %sub3A_729 = vector.broadcast %sub3A_728 : i32 to vector<16xi32>
            %sub3A_730 = arith.subi %shift_right_arithmetic3A_727, %sub3A_729 : vector<16xi32>
            %sub3A_731 = arith.constant 127 : i32
            %sub3A_732 = vector.broadcast %sub3A_731 : i32 to vector<16xi32>
            %sub3A_733 = arith.subi %sub3A_732, %sub3A_730 : vector<16xi32>
            %shift_left3A = arith.constant 23 : i32
            %shift_left3A_734 = vector.broadcast %shift_left3A : i32 to vector<16xi32>
            %shift_left3A_735 = arith.shli %sub3A_733, %shift_left3A_734 : vector<16xi32>
            %bitcast3A_736 = vector.bitcast %shift_left3A_735 : vector<16xi32> to vector<16xf32>
            %mul3A_737 = arith.mulf %get3A_716, %bitcast3A_736 : vector<16xf32>
            %swap3A_738 = arith.constant 0 : index
            %swap3A_739 = tpu.vector_load %arg8[%swap3A_738] {strides = array<i32>} : memref<32xf32, #tpu.memory_space<vmem>>, vector<16xf32>,
            tpu.vector_store %arg8[%swap3A_738], %mul3A_737 {strides = array<i32>} : memref<32xf32, #tpu.memory_space<vmem>>, vector<16xf32>,
            %mul3A_740 = arith.mulf %get3A_718, %bitcast3A_736 : vector<16xf32>
            %swap3A_741 = arith.constant 16 : index
            %swap3A_742 = tpu.vector_load %arg8[%swap3A_741] {strides = array<i32>} : memref<32xf32, #tpu.memory_space<vmem>>, vector<16xf32>,
            tpu.vector_store %arg8[%swap3A_741], %mul3A_740 {strides = array<i32>} : memref<32xf32, #tpu.memory_space<vmem>>, vector<16xf32>,
            %get3A_743 = arith.constant 0 : index
            %get3A_744 = tpu.vector_load %arg9[%get3A_743] {strides = array<i32>} : memref<16xf32, #tpu.memory_space<vmem>>, vector<16xf32>,
            %convert_element_type3A_745 = arith.sitofp %sub3A_730 : vector<16xi32> to vector<16xf32>
            %add3A_746 = arith.addf %get3A_744, %convert_element_type3A_745 : vector<16xf32>
            %swap3A_747 = arith.constant 0 : index
            %swap3A_748 = tpu.vector_load %arg9[%swap3A_747] {strides = array<i32>} : memref<16xf32, #tpu.memory_space<vmem>>, vector<16xf32>,
            tpu.vector_store %arg9[%swap3A_747], %add3A_746 {strides = array<i32>} : memref<16xf32, #tpu.memory_space<vmem>>, vector<16xf32>,
          } else {
          }
        }
        %scan3A_137 = arith.constant 32 : i32
      }
      %get3A = arith.constant 0 : index
      %get3A_75 = tpu.vector_load %arg8[%get3A] {strides = array<i32>} : memref<32xf32, #tpu.memory_space<vmem>>, vector<16xf32>,
      %get3A_76 = arith.constant 16 : index
      %get3A_77 = tpu.vector_load %arg8[%get3A_76] {strides = array<i32>} : memref<32xf32, #tpu.memory_space<vmem>>, vector<16xf32>,
      %add3A_78 = arith.addf %get3A_75, %get3A_77 : vector<16xf32>
      %reduce_sum3A = arith.constant true
      %reduce_sum3A_79 = vector.broadcast %reduce_sum3A : i1 to vector<16xi1>
      %reduce_sum3A_80 = tpu.scan <sum>, %add3A_78 masked %reduce_sum3A_79 : vector<16xf32>, vector<16xi1> -> vector<16xf32>
      %reduce_sum3A_81 = vector.extract %reduce_sum3A_80[15] : f32 from vector<16xf32>
      %broadcast_in_dim3A_82 = vector.broadcast %reduce_sum3A_81 : f32 to vector<16xf32>
      %swap3A_83 = arith.constant 0 : index
      %swap3A_84 = tpu.vector_load %arg10[%swap3A_83] {strides = array<i32>} : memref<16xf32, #tpu.memory_space<vmem>>, vector<16xf32>,
      tpu.vector_store %arg10[%swap3A_83], %broadcast_in_dim3A_82 {strides = array<i32>} : memref<16xf32, #tpu.memory_space<vmem>>, vector<16xf32>,
      "tpu.region"() ({
        %run_scoped3A = tpu.sem_alloc : memref<!tpu.dma_semaphore, #tpu.memory_space<semaphore_mem>>
        %dma_start3A_85 = arith.constant 0 : i32
        %dma_start3A_86 = tpu.memref_slice %arg4[%add3A, %dma_start3A_85] : memref<16x16xf32, #tpu.memory_space<hbm>> -> memref<1x16xf32, #tpu.memory_space<hbm>>
        %dma_start3A_87 = tpu.memref_squeeze %dma_start3A_86 : memref<1x16xf32, #tpu.memory_space<hbm>> -> memref<16xf32, #tpu.memory_space<hbm>>
        %dma_start3A_88 = arith.constant 0 : i32
        %dma_start3A_89 = tpu.memref_slice %arg4[%add3A, %dma_start3A_88] : memref<16x16xf32, #tpu.memory_space<hbm>> -> memref<1x16xf32, #tpu.memory_space<hbm>>
        %dma_start3A_90 = tpu.memref_squeeze %dma_start3A_89 : memref<1x16xf32, #tpu.memory_space<hbm>> -> memref<16xf32, #tpu.memory_space<hbm>>
        tpu.enqueue_dma source(%arg10 : memref<16xf32, #tpu.memory_space<vmem>>) target(%dma_start3A_90 : memref<16xf32, #tpu.memory_space<hbm>>) target_semaphore(%run_scoped3A : memref<!tpu.dma_semaphore, #tpu.memory_space<semaphore_mem>>)
        %dma_wait3A = arith.constant 0 : i32
        %dma_wait3A_91 = tpu.memref_slice %arg4[%add3A, %dma_wait3A] : memref<16x16xf32, #tpu.memory_space<hbm>> -> memref<1x16xf32, #tpu.memory_space<hbm>>
        %dma_wait3A_92 = tpu.memref_squeeze %dma_wait3A_91 : memref<1x16xf32, #tpu.memory_space<hbm>> -> memref<16xf32, #tpu.memory_space<hbm>>
        %dma_wait3A_93 = arith.constant 0 : i32
        %dma_wait3A_94 = tpu.memref_slice %arg4[%add3A, %dma_wait3A_93] : memref<16x16xf32, #tpu.memory_space<hbm>> -> memref<1x16xf32, #tpu.memory_space<hbm>>
        %dma_wait3A_95 = tpu.memref_squeeze %dma_wait3A_94 : memref<1x16xf32, #tpu.memory_space<hbm>> -> memref<16xf32, #tpu.memory_space<hbm>>
        tpu.wait_dma2 semaphore(%run_scoped3A : memref<!tpu.dma_semaphore, #tpu.memory_space<semaphore_mem>>) src(%arg10 : memref<16xf32, #tpu.memory_space<vmem>>) dst(%dma_wait3A_95 : memref<16xf32, #tpu.memory_space<hbm>>)
        tpu.yield
      }) : () -> ()
      "tpu.region"() ({
        %run_scoped3A = tpu.sem_alloc : memref<!tpu.dma_semaphore, #tpu.memory_space<semaphore_mem>>
        %dma_start3A_85 = arith.constant 0 : i32
        %dma_start3A_86 = tpu.memref_slice %arg5[%add3A, %dma_start3A_85] : memref<16x16xf32, #tpu.memory_space<hbm>> -> memref<1x16xf32, #tpu.memory_space<hbm>>
        %dma_start3A_87 = tpu.memref_squeeze %dma_start3A_86 : memref<1x16xf32, #tpu.memory_space<hbm>> -> memref<16xf32, #tpu.memory_space<hbm>>
        %dma_start3A_88 = arith.constant 0 : i32
        %dma_start3A_89 = tpu.memref_slice %arg5[%add3A, %dma_start3A_88] : memref<16x16xf32, #tpu.memory_space<hbm>> -> memref<1x16xf32, #tpu.memory_space<hbm>>
        %dma_start3A_90 = tpu.memref_squeeze %dma_start3A_89 : memref<1x16xf32, #tpu.memory_space<hbm>> -> memref<16xf32, #tpu.memory_space<hbm>>
        tpu.enqueue_dma source(%arg9 : memref<16xf32, #tpu.memory_space<vmem>>) target(%dma_start3A_90 : memref<16xf32, #tpu.memory_space<hbm>>) target_semaphore(%run_scoped3A : memref<!tpu.dma_semaphore, #tpu.memory_space<semaphore_mem>>)
        %dma_wait3A = arith.constant 0 : i32
        %dma_wait3A_91 = tpu.memref_slice %arg5[%add3A, %dma_wait3A] : memref<16x16xf32, #tpu.memory_space<hbm>> -> memref<1x16xf32, #tpu.memory_space<hbm>>
        %dma_wait3A_92 = tpu.memref_squeeze %dma_wait3A_91 : memref<1x16xf32, #tpu.memory_space<hbm>> -> memref<16xf32, #tpu.memory_space<hbm>>
        %dma_wait3A_93 = arith.constant 0 : i32
        %dma_wait3A_94 = tpu.memref_slice %arg5[%add3A, %dma_wait3A_93] : memref<16x16xf32, #tpu.memory_space<hbm>> -> memref<1x16xf32, #tpu.memory_space<hbm>>
        %dma_wait3A_95 = tpu.memref_squeeze %dma_wait3A_94 : memref<1x16xf32, #tpu.memory_space<hbm>> -> memref<16xf32, #tpu.memory_space<hbm>>
        tpu.wait_dma2 semaphore(%run_scoped3A : memref<!tpu.dma_semaphore, #tpu.memory_space<semaphore_mem>>) src(%arg9 : memref<16xf32, #tpu.memory_space<vmem>>) dst(%dma_wait3A_95 : memref<16xf32, #tpu.memory_space<hbm>>)
        tpu.yield
      }) : () -> ()
    } else {
    }
    return
  }
}

module attributes {stable_mosaic.version = 14 : i64} {
  func.func @_exp_body(%arg0: i32, %arg1: memref<512x1024xf32, #tpu.memory_space<vmem>>, %arg2: memref<512x512xf32, #tpu.memory_space<vmem>>) attributes {dimension_semantics = [#tpu.dimension_semantics<arbitrary>], iteration_bounds = array<i64: 34>, scalar_prefetch = 0 : i64, scratch_operands = 0 : i64, tpu.core_type = #tpu.core_type<tc>, window_params = [{transform_indices = @transform_0, window_bounds = array<i64: 512, 1024>}, {transform_indices = @transform_1, window_bounds = array<i64: 512, 512>}]} {
    %get3A = arith.constant 0 : index
    %get3A_0 = arith.constant 0 : index
    %get3A_1 = vector.load %arg1[%get3A, %get3A_0] : memref<512x1024xf32, #tpu.memory_space<vmem>>, vector<512x1024xf32>
    %slice3A = vector.extract_strided_slice %get3A_1 {offsets = [0, 0], sizes = [512, 512], strides = [1, 1]} : vector<512x1024xf32> to vector<512x512xf32>
    %exp3A = math.exp %slice3A : vector<512x512xf32>
    %slice3A_2 = vector.extract_strided_slice %get3A_1 {offsets = [0, 512], sizes = [512, 512], strides = [1, 1]} : vector<512x1024xf32> to vector<512x512xf32>
    %exp3A_3 = math.exp %slice3A_2 : vector<512x512xf32>
    %bitcast_convert_type3A = tpu.bitcast %exp3A : vector<512x512xf32> -> vector<512x512xi32>
    %add3A = arith.constant 32767 : i32
    %add3A_4 = vector.broadcast %add3A : i32 to vector<512x512xi32>
    %add3A_5 = arith.addi %bitcast_convert_type3A, %add3A_4 : vector<512x512xi32>
    %shift_right_arithmetic3A = arith.constant 16 : i32
    %shift_right_arithmetic3A_6 = vector.broadcast %shift_right_arithmetic3A : i32 to vector<512x512xi32>
    %shift_right_arithmetic3A_7 = arith.shrsi %bitcast_convert_type3A, %shift_right_arithmetic3A_6 : vector<512x512xi32>
    %and3A = arith.constant 1 : i32
    %and3A_8 = vector.broadcast %and3A : i32 to vector<512x512xi32>
    %and3A_9 = arith.andi %shift_right_arithmetic3A_7, %and3A_8 : vector<512x512xi32>
    %add3A_10 = arith.addi %add3A_5, %and3A_9 : vector<512x512xi32>
    %shift_right_arithmetic3A_11 = arith.constant 16 : i32
    %shift_right_arithmetic3A_12 = vector.broadcast %shift_right_arithmetic3A_11 : i32 to vector<512x512xi32>
    %shift_right_arithmetic3A_13 = arith.shrsi %add3A_10, %shift_right_arithmetic3A_12 : vector<512x512xi32>
    %and3A_14 = arith.constant 65535 : i32
    %and3A_15 = vector.broadcast %and3A_14 : i32 to vector<512x512xi32>
    %and3A_16 = arith.andi %shift_right_arithmetic3A_13, %and3A_15 : vector<512x512xi32>
    %bitcast_convert_type3A_17 = tpu.bitcast %exp3A_3 : vector<512x512xf32> -> vector<512x512xi32>
    %add3A_18 = arith.constant 32767 : i32
    %add3A_19 = vector.broadcast %add3A_18 : i32 to vector<512x512xi32>
    %add3A_20 = arith.addi %bitcast_convert_type3A_17, %add3A_19 : vector<512x512xi32>
    %shift_right_arithmetic3A_21 = arith.constant 16 : i32
    %shift_right_arithmetic3A_22 = vector.broadcast %shift_right_arithmetic3A_21 : i32 to vector<512x512xi32>
    %shift_right_arithmetic3A_23 = arith.shrsi %bitcast_convert_type3A_17, %shift_right_arithmetic3A_22 : vector<512x512xi32>
    %and3A_24 = arith.constant 1 : i32
    %and3A_25 = vector.broadcast %and3A_24 : i32 to vector<512x512xi32>
    %and3A_26 = arith.andi %shift_right_arithmetic3A_23, %and3A_25 : vector<512x512xi32>
    %add3A_27 = arith.addi %add3A_20, %and3A_26 : vector<512x512xi32>
    %shift_right_arithmetic3A_28 = arith.constant 16 : i32
    %shift_right_arithmetic3A_29 = vector.broadcast %shift_right_arithmetic3A_28 : i32 to vector<512x512xi32>
    %shift_right_arithmetic3A_30 = arith.shrsi %add3A_27, %shift_right_arithmetic3A_29 : vector<512x512xi32>
    %and3A_31 = arith.constant 65535 : i32
    %and3A_32 = vector.broadcast %and3A_31 : i32 to vector<512x512xi32>
    %and3A_33 = arith.andi %shift_right_arithmetic3A_30, %and3A_32 : vector<512x512xi32>
    %shift_left3A = arith.constant 16 : i32
    %shift_left3A_34 = vector.broadcast %shift_left3A : i32 to vector<512x512xi32>
    %shift_left3A_35 = arith.shli %and3A_33, %shift_left3A_34 : vector<512x512xi32>
    %or3A = arith.ori %and3A_16, %shift_left3A_35 : vector<512x512xi32>
    %bitcast_convert_type3A_36 = tpu.bitcast %or3A : vector<512x512xi32> -> vector<512x512xf32>
    %swap3A = arith.constant 0 : index
    %swap3A_37 = arith.constant 0 : index
    %swap3A_38 = vector.load %arg2[%swap3A, %swap3A_37] : memref<512x512xf32, #tpu.memory_space<vmem>>, vector<512x512xf32>
    tpu.vector_store %arg2[%swap3A, %swap3A_37], %bitcast_convert_type3A_36 {strides = array<i32>} : memref<512x512xf32, #tpu.memory_space<vmem>>, vector<512x512xf32>,
    return
  }
  func.func @transform_0(%arg0: i32) -> (i32, i32) {
    %c0_i32 = arith.constant 0 : i32
    %c0_i32_0 = arith.constant 0 : i32
    return %arg0, %c0_i32 : i32, i32
  }
  func.func @transform_1(%arg0: i32) -> (i32, i32) {
    %c0_i32 = arith.constant 0 : i32
    %c0_i32_0 = arith.constant 0 : i32
    return %arg0, %c0_i32 : i32, i32
  }
}

</mosaic_0001>

<sc_bundles>
// kernel: kernel.4.cloned.1.call-start
scs
__scs_entry_jumppad:
0x0: {  	(pc) =	sbr.rel $0x88, $3  }
0x1: {  	(tag) =	ssettag $0x0;
	lr =	simm.s32 $0x1  }
0x2: {  	[smem:$0x3F9F] =	sst lr;
	_ =	strace $0xD0000000  }
0x3: {  	_ = 	snop  }
0x4: {  	_ = 	snop  }
0x5: {  	_ = 	snop  }
0x6: {  	_ = 	snop  }
0x7: {  	_ = 	snop  }
__scs_overlays_trampoline_lowered:
0x8: {  	[smem:$0x3FAE] =	sst s0  }
0x9: {  	[smem:$0x3FAF] =	sst s1  }
0xa: {  	[smem:$0x3FB0] =	sst s2  }
0xb: {  	[smem:$0x3FB1] =	sst s3  }
0xc: {  	[smem:$0x3FB2] =	sst s4  }
0xd: {  	[smem:$0x3FB3] =	sst s5  }
0xe: {  	[smem:$0x3FB4] =	sst s6  }
0xf: {  	[smem:$0x3FB5] =	sst s7  }
0x10: {  	[smem:$0x3FB6] =	sst s8  }
0x11: {  	[smem:$0x3FB7] =	sst s9;
	s0 =	simm.s32 @!p0 $0x0  }
0x12: {  	s1 =	sld [smem:$0x3F9D];
	s0 =	simm.s32 @p0 $0x1  }
0x13: {  	[smem:$0x3FB8] =	sst s0;
	s0 =	simm.s32 @!p1 $0x0  }
0x14: {  	s2 =	sld [smem:$0x3F9C];
	s0 =	simm.s32 @p1 $0x1  }
0x15: {  	[smem:$0x3FB9] =	sst s0;
	s0 =	simm.s32 @!p2 $0x0  }
0x16: {  	s3 =	sld [smem:$0x3FDB];
	s0 =	simm.s32 @p2 $0x1  }
0x17: {  	s4 =	simm.s32 $0x1BF5;
	[smem:$0x3FBB] =	sst s0  }
0x18: {  	s0 =	sld [smem:$0x3F9E];
	_ =	swait.ge [sflag:s4], $0x0  }
0x19: {  	s7 =	sld [smem:$0x3F9F]  }
0x1a: {  	s8 =	sadd.s32 $0xFFFFE003, lr  }
0x1b: {  	s9 =	sadd.s32 $0xFFFFFEF7, lr;
	s5 =	simm.s32 $0xFFFFFFFF;
	p2 =	slt.u32 s8, $0xFFFFF086  }
0x1c: {  	p1 =	slt.u32 s9, $0xF7A;
	s5 =	simm.s32 @!p2 $0x0  }
0x1d: {  	s5 =	simm.s32 @p1 $0x1;
	p0 =	seq.s32 s7, s2  }
0x1e: {  	s7 =	smul.u32 @!p0 $0xF7A, s2;
	p2 =	seq.s32 @!p0 s5, $0x0  }
0x1f: {  	s9 =	smul.u32 $0xF7A, s1;
	s8 =	simm.s32 @!p0 $0x1BF5;
	p2 =	por !p2, p0  }
0x20: {  	[sflag:s8] =	ssyncset.s32 @!p0 $0xFFFFF086;
	s6 =	sadd.s32 @!p0 s3, s7;
	s7 =	simm.s32 @!p0 $0x108  }
0x21: {  	s3 =	sadd.s32 s3, s9;
	s6 =	sadd.s32 @!p0 $0x88, s6;
	s7 =	simm.s32 @p2 $0x1082  }
0x22: {  	[simem:s7], [sflag:s8] =	dma.local @!p0 [hbm:s6], $0xF7A  }
0x23: {  	s9 =	sor.u32 $0xD0000000, s2;
	s6 =	simm.s32 $0x108;
	_ =	swait.ge @!p0 [sflag:s8], $0x0  }
0x24: {  	s3 =	sadd.s32 $0x88, s3;
	s6 =	simm.s32 @!p1 $0x1082;
	[sflag:s4] =	ssyncset.s32 $0xFFFFF086  }
0x25: {  	[simem:s6], [sflag:s4] =	dma.local [hbm:s3], $0xF7A  }
0x26: {  	[smem:$0x3F9F] =	sst s1;
	(tag) =	ssettag s2;
	_ =	strace s9  }
0x27: {  	s1 =	sld [smem:$0x3FAF]  }
0x28: {  	s2 =	sld [smem:$0x3FB0]  }
0x29: {  	s4 =	sld [smem:$0x3FB2]  }
0x2a: {  	p0 =	seq.s32 s5, $0x0;
	s5 =	sld [smem:$0x3FB3]  }
0x2b: {  	s6 =	sld [smem:$0x3FB4]  }
0x2c: {  	s7 =	sld [smem:$0x3FB5]  }
0x2d: {  	s3 =	simm.s32 $0x108;
	s8 =	sld [smem:$0x3FB6]  }
0x2e: {  	s3 =	simm.s32 @!p0 $0x1082;
	s9 =	sld [smem:$0x3FB7]  }
0x2f: {  	lr =	sadd.s32 s0, s3;
	s0 =	sld [smem:$0x3FAE]  }
0x30: {  	s3 =	sld [smem:$0x3FB1]  }
0x31: {  	[smem:$0x3FBA] =	sst s10  }
0x32: {  	s10 =	sld [smem:$0x3FB8];
	_ =	sdelay $0x3  }
0x33: {  	p0 =	seq.s32 s10, $0x1;
	s10 =	sld [smem:$0x3FBA];
	_ =	sdelay $0x3  }
0x34: {  	[smem:$0x3FBA] =	sst s10  }
0x35: {  	s10 =	sld [smem:$0x3FB9];
	_ =	sdelay $0x3  }
0x36: {  	p1 =	seq.s32 s10, $0x1;
	s10 =	sld [smem:$0x3FBA];
	_ =	sdelay $0x3  }
0x37: {  	[smem:$0x3FBA] =	sst s10  }
0x38: {  	s10 =	sld [smem:$0x3FBB]  }
0x39: {  	_ = 	snop;
	(pc) =	sbr.ind lr, $3  }
0x3a: {  	_ = 	snop  }
0x3b: {  	_ = 	snop  }
0x3c: {  	p2 =	seq.s32 s10, $0x1;
	s10 =	sld [smem:$0x3FBA]  }
0x3d: {  	_ =	shalt  }
0x3e: {  	_ =	shalt  }
0x3f: {  	_ =	shalt  }
0x40: {  	_ =	shalt  }
0x41: {  	_ =	shalt  }
0x42: {  	_ =	shalt  }
0x43: {  	_ =	shalt  }
0x44: {  	_ =	shalt  }
0x45: {  	_ =	shalt  }
0x46: {  	_ =	shalt  }
0x47: {  	_ =	shalt  }
0x48: {  	_ =	shalt  }
0x49: {  	_ =	shalt  }
0x4a: {  	_ =	shalt  }
0x4b: {  	_ =	shalt  }
0x4c: {  	_ =	shalt  }
0x4d: {  	_ =	shalt  }
0x4e: {  	_ =	shalt  }
0x4f: {  	_ =	shalt  }
0x50: {  	_ =	shalt  }
0x51: {  	_ =	shalt  }
0x52: {  	_ =	shalt  }
0x53: {  	_ =	shalt  }
0x54: {  	_ =	shalt  }
0x55: {  	_ =	shalt  }
0x56: {  	_ =	shalt  }
0x57: {  	_ =	shalt  }
0x58: {  	_ =	shalt  }
0x59: {  	_ =	shalt  }
0x5a: {  	_ =	shalt  }
0x5b: {  	_ =	shalt  }
0x5c: {  	_ =	shalt  }
0x5d: {  	_ =	shalt  }
0x5e: {  	_ =	shalt  }
0x5f: {  	_ =	shalt  }
0x60: {  	_ =	shalt  }
0x61: {  	_ =	shalt  }
0x62: {  	_ =	shalt  }
0x63: {  	_ =	shalt  }
0x64: {  	_ =	shalt  }
0x65: {  	_ =	shalt  }
0x66: {  	_ =	shalt  }
0x67: {  	_ =	shalt  }
0x68: {  	_ =	shalt  }
0x69: {  	_ =	shalt  }
0x6a: {  	_ =	shalt  }
0x6b: {  	_ =	shalt  }
0x6c: {  	_ =	shalt  }
0x6d: {  	_ =	shalt  }
0x6e: {  	_ =	shalt  }
0x6f: {  	_ =	shalt  }
0x70: {  	_ =	shalt  }
0x71: {  	_ =	shalt  }
0x72: {  	_ =	shalt  }
0x73: {  	_ =	shalt  }
0x74: {  	_ =	shalt  }
0x75: {  	_ =	shalt  }
0x76: {  	_ =	shalt  }
0x77: {  	_ =	shalt  }
0x78: {  	_ =	shalt  }
0x79: {  	_ =	shalt  }
0x7a: {  	_ =	shalt  }
0x7b: {  	_ =	shalt  }
0x7c: {  	_ =	shalt  }
0x7d: {  	_ =	shalt  }
0x7e: {  	_ =	shalt  }
0x7f: {  	_ =	shalt  }
0x80: {  	_ =	shalt  }
0x81: {  	_ =	shalt  }
0x82: {  	_ =	shalt  }
0x83: {  	_ =	shalt  }
0x84: {  	_ =	shalt  }
0x85: {  	_ =	shalt  }
0x86: {  	_ =	shalt  }
0x87: {  	_ =	shalt  }
.Lfunc_end0:
.L_simem_size_0:
called_computation.1_lowered:
.L_overlay_start_0:
0x88: {  	s2 =	sld [smem:$0x3FD9]  }
0x89: {  	s3 =	sld [smem:$0x3FFE];
	_ =	sdelay $0x1  }
0x8a: {  	s1 =	srdreg.scid  }
0x8b: {  	s0 =	sand.u32 $0x1, s1  }
0x8c: {  	s16 =	sshll.u32 s0, $0xA;
	s2 =	sadd.s32 s3, s2  }
0x8d: {  	s2 =	sadd.s32 s2, s16  }
0x8e: {  	[smem:$0x3FC6] =	sst s2  }
0x8f: {  	_ = 	snop  }
0x90: {  	(tm) =	ssettm $0x1  }
0x91: {  	s17 =	sld [smem:$0x3FFB];
	_ =	sdelay $0x3  }
0x92: {  	_ =	strace s17  }
0x93: {  	s2 =	sld [smem:$0x3FFC];
	_ =	sdelay $0x3  }
0x94: {  	_ =	strace s2  }
0x95: {  	s2 =	sld [smem:$0x3FFD];
	_ =	sdelay $0x3  }
0x96: {  	_ =	strace s2  }
0x97: {  	_ =	strace $0x8FFFFFFF  }
0x98: {  	s18 =	sld [smem:$0x3FDB];
	_ =	sdelay $0x1  }
0x99: {  	s19 =	simm.s32 $_scs_section_size  }
0x9a: {  	s4 =	simm.s32 $_size__tile_overlayer_lowered;
	s5 =	simm.s32 $_tile_overlayer_lowered  }
0x9b: {  	s22 =	simm.s32 $0x1BFF;
	s21 =	sshll.u32 s5, $0x1;
	s2 =	sadd.s32 s19, s18  }
0x9c: {  	s6 =	simm.s32 $0x0;
	s20 =	sshll.u32 s4, $0x1;
	s4 =	sadd.s32 s21, s2  }
0x9d: {  	[timem:s6], [sflag:s22] =	dma.local [hbm:s4], s20  }
0x9e: {  	_ =	swait.ge [sflag:s22], s20  }
0x9f: {  	s3 =	ssub.s32 $0x0, s20;
	[sflag:s22] =	ssyncset.done $0x0  }
0xa0: {  	[sflag:s22] =	ssyncadd.s32 s3;
	_ =	sdelay $0x1  }
0xa1: {  	s23 =	simm.s32 $0x1B8B  }
0xa2: {  	_ =	swait.ge [sflag:s23], $0x1  }
0xa3: {  	[sflag:s23] =	ssyncset.done $0x0  }
0xa4: {  	s25 =	simm.s32 $0x1B8E;
	s24 =	sld [smem:$0x3FFE];
	[sflag:s23] =	ssyncadd.s32 $0xFFFFFFFF  }
0xa5: {  	s26 =	simm.s32 $execute0_lowered;
	[smem:$0x3FD2] =	sst s25  }
0xa6: {  	s4 =	sshll.u32 s26, $0x1;
	_ =	strace $0x80000049;
	[dreg:$0x1] =	wrdreg $0xFFFFFFFF  }
0xa7: {  	s28 =	simm.s32 $_size_execute0_lowered;
	s2 =	sadd.s32 s2, s4;
	[dreg:$0x0] =	wrdreg $0x0  }
0xa8: {  	s4 =	sshll.u32 s28, $0x1;
	[dreg:$0x2] =	wrdreg s2  }
0xa9: {  	[dreg:$0x3] =	wrdreg s4  }
0xaa: {  	[dreg:$0x4] =	wrdreg $0xC0  }
0xab: {  	_ =	task [dreg:s6], $0x5FFFF  }
0xac: {  	[dreg:$0x1] =	wrdreg $0xFFFFFFFF  }
0xad: {  	[dreg:$0x0] =	wrdreg $0x60  }
0xae: {  	[dreg:$0x2] =	wrdreg s24  }
0xaf: {  	[dreg:$0x3] =	wrdreg $0x9  }
0xb0: {  	_ =	task.clear_ibuf [dreg:s6], $0x4FFFF;
	_ =	strace $0x90000049  }
0xb1: {  	s29 =	simm.s32 $0x9;
	_ =	strace $0x8000004B  }
0xb2: {  	_ =	swait.ge [sflag:s29], $0x1  }
0xb3: {  	[sflag:s29] =	ssyncadd.s32 $0xFFFFFFFF  }
0xb4: {  	_ =	strace $0x9000004B  }
0xb5: {  	_ =	sfence  }
0xb6: {  	s30 =	sld [smem:$0x0];
	_ =	sdelay $0x2  }
0xb7: {  	s31 =	sshll.u32 s1, $0xD;
	s1 =	sshrl.u32 s1, $0x2  }
0xb8: {  	s3 =	sand.u32 $0x4000, s31;
	s1 =	sadd.s32 s1, s30  }
0xb9: {  	s0 =	sor.u32 s3, s0;
	s1 =	sshll.u32 s1, $0x11  }
0xba: {  	s0 =	sor.u32 s1, s0  }
0xbb: {  	s0 =	sadd.s32 $0x8F2B, s0  }
0xbc: {  	[sflag:s0] =	ssyncadd.remote.s32 $0x1  }
0xbd: {  	_ =	sfence.sel $0xFFFF  }
0xbe: {  	[dreg:$0x0] =	wrdreg $0xFFFFFFFF;
	(pc) =	sbr.abs _section_cstart, $3  }
0xbf: {  	[dreg:$0x1] =	wrdreg $0xFFFFFFFF  }
0xc0: {  	_ =	task.clear_ibuf [dreg:s6], $0x2FFFF;
	_ =	strace $0x9FFFFFFF  }
0xc1: {  	(tm) =	ssettm $0x7FFFFFFF  }
tec
execute0_lowered:
.L_overlay_start_1:
0x0: {  	(tag) =	ssettag $0x1  }
0x1: {  	s1 =	stileid.u32  }
0x2: {  	p0 =	sgt.u32 s1, $0x7  }
.Ltmp0:
0x3: {  	_ = 	snop;
	(pc) =	sbr.rel @p0 .LBB2_9-.Ltmp0, $4  }
0x4: {  	_ = 	snop  }
0x5: {  	s2 =	simm.s32 $0x0  }
0x6: {  	[smem:$0x7FF] =	sst s2  }
0x7: {  	s0 =	rddreg [dreg:$0x0];
	_ =	strace $0x8000004A  }
0x8: {  	s1 =	srdreg.scid;
	s5 =	stileid.u32;
	s8 =	sadd.s32 $0x110600, s0  }
0x9: {  	s12 =	simm.s32 $0x400;
	s13 =	simm.s32 $0x3;
	s14 =	simm.s32 $0x800  }
0xa: {  	s15 =	simm.s32 $0x1000;
	s16 =	simm.s32 $0x1800;
	s17 =	simm.s32 $0x2000  }
0xb: {  	s18 =	simm.s32 $0x2800;
	s19 =	simm.s32 $0x3000;
	s20 =	simm.s32 $0x3800  }
0xc: {  	s21 =	simm.s32 $0x4000;
	s22 =	simm.s32 $0x8900;
	s23 =	simm.s32 $0x8880  }
0xd: {  	s24 =	simm.s32 $0x1;
	s25 =	simm.s32 $0x2;
	s26 =	simm.s32 $0x0  }
0xe: {  	s1 =	sand.u32 $0x1, s1;
	s3 =	sshll.u32 s5, $0x8;
	s6 =	sshrl.u32 s5, $0x2  }
0xf: {  	v4 =	vlaneseq.u32;
	v0 =	vimm.f32 $1.000000000e+00;
	v1 =	vimm.f32 $0.0e+00;
	s5 =	sadd.s32 $0x700, s0;
	s4 =	sshll.u32 s1, $0x7;
	s28 =	sshll.u32 s6, $0xA  }
0x10: {  	vm0 =	vmmov $0xffff;
	v5 =	vimm.s32 $0x0;
	v6 =	vimm.s32 $0x1;
	s30 =	sshll.u32 s6, $0xE;
	s1 =	ssub.s32 $0x2, s1;
	s11 =	sor.u32 s4, s3  }
0x11: {  	v7 =	vimm.s32 $0x2;
	v8 =	vimm.s32 $0x3;
	v9 =	vimm.s32 $0x4;
	s3 =	sadd.s32 $0x600, s0;
	s31 =	sshrl.u32 s1, $0x1;
	s7 =	sand.u32 $0x380, s11  }
.Ltmp1:
0x12: {  	v10 =	vimm.s32 $0x5;
	v11 =	vimm.s32 $0x6;
	v12 =	vimm.s32 $0x7;
	s10 =	ssub.s32 $0x800, s11;
	s29 =	sor.u32 s28, s7;
	(pc) =	sbr.rel .LBB2_2-.Ltmp1, $4  }
0x13: {  	v13 =	vimm.s32 $0x8;
	v14 =	vimm.s32 $0x9;
	v15 =	vimm.s32 $0xA;
	s1 =	ssub.s32 s1, s31;
	p0 =	seq.s32 s11, $0x800;
	s4 =	sshrl.u32 s29, $0x3  }
0x14: {  	v16 =	vimm.s32 $0xB;
	v17 =	vimm.s32 $0xC;
	v18 =	vimm.s32 $0xD;
	s9 =	sadd.s32 s4, s0;
	s4 =	sshrl.u32 s10, $0x5;
	s0 =	sor.u32 s30, s7  }
0x15: {  	v19 =	vimm.s32 $0xE;
	v20 =	vimm.s32 $0xF;
	v3 =	vshrl.u32 v4, $0x3;
	s6 =	sadd.s32 $0x111600, s9;
	s7 =	sadd.s32 $0x111800, s9;
	s0 =	sshrl.u32 s0, $0x3  }
0x16: {  	v2 =	vand.u32 $0x7, v4;
	v4 =	vor.u32 $0x8, v4;
	v3 =	vmul.u32 $0x8, v3;
	s9 =	sshrl.u32 s10, $0x6;
	s10 =	smax.u32 s1, $0x1;
	s8 =	sadd.s32 s8, s0  }
.LBB2_8:
0x17: {  	v21 =	vld [tilespmem:$0x8800]  }
0x18: {  	v22 =	vld [tilespmem:$0x8810];
	_ =	sdelay $0x4  }
0x19: {  	v21 =	vadd.f32 v22, v21;
	_ =	sdelay $0x1  }
0x1a: {  	(xrf2) =	vadd.scan.msk.f32 $0xffff, v21;
	_ =	sdelay $0x9  }
0x1b: {  	v21, _, _ =	vpop (xrf2)  }
0x1c: {  	v21 =	vbroadcast v21, $0xF;
	_ =	sdelay $0x1  }
0x1d: {  	[tilespmem:$0x8900] =	vst v21  }
0x1e: {  	[hbm4b:s6+s2] =	stream.linear.scatter [tilespmem:s22], [sflag:$0x3], $0x80, $0x38;
	[tilespmem:$0x8980] =	vst v63  }
0x1f: {  	s26 =	sadd.s32 $0x1, s26;
	_ =	swait.ge [sflag:s13], $0x80  }
0x20: {  	p1 =	sne.s32 s26, s10;
	[sflag:s13] =	ssyncset.done $0x0  }
.Ltmp2:
0x21: {  	[sflag:s13] =	ssyncadd.s32 $0xFFFFFF80;
	(pc) =	sbr.rel @!p1 .LBB2_9-.Ltmp2, $4  }
0x22: {  	[hbm4b:s7+s2] =	stream.linear.scatter [tilespmem:s23], [sflag:$0x3], $0x80, $0x38;
	[tilespmem:$0x8980] =	vst v63  }
0x23: {  	_ =	swait.ge [sflag:s13], $0x80  }
0x24: {  	[sflag:s13] =	ssyncset.done $0x0  }
0x25: {  	[sflag:s13] =	ssyncadd.s32 $0xFFFFFF80  }
.LBB2_2:
0x26: {  	s28 =	simm.s32 $0x0;
	s0 =	simm.s32 $0x80  }
0x27: {  	[tilespmem:s28], [sflag:$0x3] =	stream.strided.gather [hbm4b:s8+s0], $0x800, s12, s0, $0x38;
	[tilespmem:$0x8980] =	vst v63  }
0x28: {  	_ =	swait.ge [sflag:s13], $0x800  }
0x29: {  	[sflag:s13] =	ssyncset.done $0x0  }
0x2a: {  	[sflag:s13] =	ssyncadd.s32 $0xFFFFF800  }
0x2b: {  	v21 =	vld [tilespmem:$0x0];
	_ =	sdelay $0x4  }
0x2c: {  	v22 =	vshll.u32 v21, $0x2  }
0x2d: {  	v21 =	vand.u32 $0x7, v21;
	v22 =	vand.u32 $0xFFFFFFE0, v22  }
0x2e: {  	v21 =	vor.u32 v21, v22  }
0x2f: {  	v22 =	vperm.xlane v21, v2;
	_ =	sdelay $0x1  }
0x30: {  	v22 =	vadd.s32 v3, v22;
	_ =	sdelay $0x1  }
0x31: {  	[tilespmem:$0x8800] =	vst v0;
	v21 =	vperm.xlane v21, v4  }
0x32: {  	[tilespmem:$0x8810] =	vst v0  }
0x33: {  	[tilespmem:$0x8880] =	vst v1;
	v21 =	vadd.s32 v3, v21  }
0x34: {  	[tilespmem:s14], [sflag:$0x1] =	stream.indirect_vreg.gather [hbm4b:s3+s28], $0x80, v22, vm0, $0xb8;
	[tilespmem:$0x8980] =	vst v63  }
0x35: {  	_ = 	snop  }
0x36: {  	[tilespmem:s15], [sflag:$0x1] =	stream.indirect_vreg.gather [hbm4b:s5+s28], $0x80, v22, vm0, $0xb8;
	[tilespmem:$0x8980] =	vst v63  }
0x37: {  	_ = 	snop  }
0x38: {  	[tilespmem:s16], [sflag:$0x1] =	stream.indirect_vreg.gather [hbm4b:s3+s28], $0x80, v21, vm0, $0xb8;
	[tilespmem:$0x8980] =	vst v63  }
0x39: {  	_ = 	snop  }
0x3a: {  	[tilespmem:s17], [sflag:$0x1] =	stream.indirect_vreg.gather [hbm4b:s5+s28], $0x80, v21, vm0, $0xb8;
	[tilespmem:$0x8980] =	vst v63  }
0x3b: {  	v21 =	vld [tilespmem:$0x10];
	_ =	sdelay $0x4  }
0x3c: {  	v22 =	vshll.u32 v21, $0x2  }
0x3d: {  	v21 =	vand.u32 $0x7, v21;
	v22 =	vand.u32 $0xFFFFFFE0, v22  }
0x3e: {  	v21 =	vor.u32 v21, v22  }
0x3f: {  	v22 =	vperm.xlane v21, v2;
	_ =	sdelay $0x1  }
0x40: {  	v22 =	vadd.s32 v3, v22;
	_ =	sdelay $0x2  }
0x41: {  	v21 =	vperm.xlane v21, v4;
	_ =	sdelay $0x1  }
0x42: {  	v21 =	vadd.s32 v3, v21;
	[tilespmem:s18], [sflag:$0x1] =	stream.indirect_vreg.gather [hbm4b:s3+s28], $0x80, v22, vm0, $0xb8;
	[tilespmem:$0x8980] =	vst v63  }
0x43: {  	_ = 	snop  }
0x44: {  	[tilespmem:s19], [sflag:$0x1] =	stream.indirect_vreg.gather [hbm4b:s5+s28], $0x80, v22, vm0, $0xb8;
	[tilespmem:$0x8980] =	vst v63  }
.Ltmp3:
0x45: {  	_ = 	snop;
	(pc) =	sbr.rel @p0 .LBB2_8-.Ltmp3, $4  }
0x46: {  	_ = 	snop  }
0x47: {  	[tilespmem:s20], [sflag:$0x1] =	stream.indirect_vreg.gather [hbm4b:s3+s28], $0x80, v21, vm0, $0xb8;
	[tilespmem:$0x8980] =	vst v63  }
0x48: {  	_ = 	snop  }
0x49: {  	[tilespmem:s21], [sflag:$0x1] =	stream.indirect_vreg.gather [hbm4b:s5+s28], $0x80, v21, vm0, $0xb8;
	[tilespmem:$0x8980] =	vst v63  }
.LBB2_3:
0x4a: {  	s0 =	sshllo.u32 s28, $0x1  }
0x4b: {  	p1 =	sge.u32 s0, s4  }
0x4c: {  	s0 =	sshll.u32 @!p1 s0, $0x5  }
0x4d: {  	s0 =	sand.u32 @!p1 $0x3FFFFFE0, s0  }
0x4e: {  	v21 =	vld @!p1 [tilespmem:s0+$0x0];
	_ =	sdelay $0x4  }
0x4f: {  	v22 =	vshll.u32 @!p1 v21, $0x2  }
0x50: {  	v23 =	vlaneseq.u32 @!p1;
	v21 =	vand.u32 @!p1 $0x7, v21;
	v22 =	vand.u32 @!p1 $0xFFFFFFE0, v22  }
0x51: {  	v24 =	vshrl.u32 @!p1 v23, $0x3;
	v21 =	vor.u32 @!p1 v21, v22;
	v22 =	vand.u32 @!p1 $0x7, v23  }
0x52: {  	v24 =	vmul.u32 @!p1 $0x8, v24;
	v25 =	vperm.xlane @!p1 v21, v22;
	_ =	sdelay $0x1  }
0x53: {  	v25 =	vadd.s32 @!p1 v24, v25  }
0x54: {  	v23 =	vor.u32 @!p1 $0x8, v23  }
0x55: {  	v21 =	vperm.xlane @!p1 v21, v23;
	_ =	sdelay $0x1  }
0x56: {  	vm1 =	vmmov @!p1 $0xffff;
	s1 =	simm.s32 @!p1 $0x0;
	s29 =	simm.s32 @!p1 $0x4800;
	v21 =	vadd.s32 @!p1 v24, v21  }
0x57: {  	[tilespmem:s29], [sflag:$0x2] =	stream.indirect_vreg.gather @!p1 [hbm4b:s3+s1], $0x80, v25, vm1, $0xb8;
	[tilespmem:$0x8980] =	vst v63  }
0x58: {  	s29 =	simm.s32 @!p1 $0x5000  }
0x59: {  	[tilespmem:s29], [sflag:$0x2] =	stream.indirect_vreg.gather @!p1 [hbm4b:s5+s1], $0x80, v25, vm1, $0xb8;
	[tilespmem:$0x8980] =	vst v63  }
0x5a: {  	s29 =	simm.s32 @!p1 $0x5800  }
0x5b: {  	[tilespmem:s29], [sflag:$0x2] =	stream.indirect_vreg.gather @!p1 [hbm4b:s3+s1], $0x80, v21, vm1, $0xb8;
	[tilespmem:$0x8980] =	vst v63  }
0x5c: {  	s29 =	simm.s32 @!p1 $0x6000  }
0x5d: {  	[tilespmem:s29], [sflag:$0x2] =	stream.indirect_vreg.gather @!p1 [hbm4b:s5+s1], $0x80, v21, vm1, $0xb8;
	[tilespmem:$0x8980] =	vst v63  }
0x5e: {  	v21 =	vld @!p1 [tilespmem:s0+$0x10];
	_ =	sdelay $0x4  }
0x5f: {  	v25 =	vshll.u32 @!p1 v21, $0x2  }
0x60: {  	v21 =	vand.u32 @!p1 $0x7, v21;
	v25 =	vand.u32 @!p1 $0xFFFFFFE0, v25  }
0x61: {  	v21 =	vor.u32 @!p1 v21, v25  }
0x62: {  	v22 =	vperm.xlane @!p1 v21, v22;
	_ =	sdelay $0x1  }
0x63: {  	v22 =	vadd.s32 @!p1 v24, v22;
	_ =	sdelay $0x1  }
0x64: {  	v21 =	vperm.xlane @!p1 v21, v23;
	_ =	sdelay $0x1  }
0x65: {  	s0 =	simm.s32 @!p1 $0x6800;
	v21 =	vadd.s32 @!p1 v24, v21  }
0x66: {  	[tilespmem:s0], [sflag:$0x2] =	stream.indirect_vreg.gather @!p1 [hbm4b:s3+s1], $0x80, v22, vm1, $0xb8;
	[tilespmem:$0x8980] =	vst v63  }
0x67: {  	s0 =	simm.s32 @!p1 $0x7000  }
0x68: {  	[tilespmem:s0], [sflag:$0x2] =	stream.indirect_vreg.gather @!p1 [hbm4b:s5+s1], $0x80, v22, vm1, $0xb8;
	[tilespmem:$0x8980] =	vst v63  }
0x69: {  	s0 =	simm.s32 @!p1 $0x7800  }
0x6a: {  	[tilespmem:s0], [sflag:$0x2] =	stream.indirect_vreg.gather @!p1 [hbm4b:s3+s1], $0x80, v21, vm1, $0xb8;
	[tilespmem:$0x8980] =	vst v63  }
0x6b: {  	s0 =	simm.s32 @!p1 $0x8000  }
0x6c: {  	[tilespmem:s0], [sflag:$0x2] =	stream.indirect_vreg.gather @!p1 [hbm4b:s5+s1], $0x80, v21, vm1, $0xb8;
	[tilespmem:$0x8980] =	vst v63  }
0x6d: {  	_ =	swait.ge [sflag:s24], $0x4000  }
0x6e: {  	s30 =	simm.s32 $0x0;
	s31 =	simm.s32 $0x0;
	[sflag:s24] =	ssyncset.done $0x0  }
0x6f: {  	s29 =	sshll.u32 s28, $0x1;
	s0 =	simm.s32 $0x0;
	[sflag:s24] =	ssyncadd.s32 $0xFFFFC000  }
.LBB2_4:
0x70: {  	v22 =	vld [tilespmem:$0x8800]  }
0x71: {  	s1 =	sand.u32 $0x3000, s30;
	s11 =	sand.u32 $0x380, s31  }
0x72: {  	s1 =	sor.u32 s11, s1  }
0x73: {  	v21 =	vld [tilespmem:s1+$0x800]  }
0x74: {  	v24 =	vld [tilespmem:s1+$0x810]  }
0x75: {  	v26 =	vld [tilespmem:s1+$0x820];
	v23 =	vperm.xlane v22, v5;
	v27 =	vperm.xlane v22, v6  }
0x76: {  	v50 =	vld [tilespmem:s1+$0x830];
	v29 =	vperm.xlane v22, v7;
	v31 =	vperm.xlane v22, v8  }
0x77: {  	v30 =	vld [tilespmem:s1+$0x840];
	v33 =	vperm.xlane v22, v9;
	v34 =	vperm.xlane v22, v10  }
0x78: {  	v32 =	vld [tilespmem:s1+$0x850];
	v56 =	vperm.xlane v22, v11;
	v59 =	vperm.xlane v22, v12  }
0x79: {  	v35 =	vld [tilespmem:s1+$0x860];
	v37 =	vperm.xlane v22, v13;
	v42 =	vperm.xlane v22, v14  }
0x7a: {  	v36 =	vld [tilespmem:s1+$0x870];
	v45 =	vperm.xlane v22, v15;
	v38 =	vperm.xlane v22, v19;
	v25 =	vunpack.i.u.bf16.f32 v21  }
0x7b: {  	v55 =	vld [tilespmem:s1+$0xC00];
	v21 =	vunpack.i.l.bf16.f32 v21;
	v28 =	vunpack.i.u.bf16.f32 v24;
	v24 =	vunpack.i.l.bf16.f32 v24  }
0x7c: {  	v61 =	vld [tilespmem:s1+$0xC10];
	v51 =	vunpack.i.l.bf16.f32 v26;
	v26 =	vunpack.i.u.bf16.f32 v26;
	v52 =	vunpack.i.l.bf16.f32 v50  }
0x7d: {  	v53 =	vunpack.i.l.bf16.f32 v30;
	v30 =	vunpack.i.u.bf16.f32 v30;
	v54 =	vunpack.i.u.bf16.f32 v32  }
0x7e: {  	v40 =	vld [tilespmem:s1+$0xC20];
	v32 =	vunpack.i.l.bf16.f32 v32;
	v57 =	vunpack.i.u.bf16.f32 v35;
	v58 =	vunpack.i.l.bf16.f32 v35  }
0x7f: {  	v60 =	vunpack.i.l.bf16.f32 v36;
	v36 =	vunpack.i.u.bf16.f32 v36;
	v21 =	vmul.f32 v21, v23  }
0x80: {  	v46 =	vld [tilespmem:s1+$0xC30];
	v63 =	vunpack.i.l.bf16.f32 v55;
	v23 =	vmul.f32 v25, v23;
	v24 =	vmul.f32 v24, v27  }
0x81: {  	v43 =	vunpack.i.l.bf16.f32 v61;
	v27 =	vmul.f32 v28, v27;
	v28 =	vmul.f32 v51, v29  }
0x82: {  	v44 =	vunpack.i.u.bf16.f32 v61;
	v26 =	vmul.f32 v26, v29;
	v29 =	vmul.f32 v52, v31  }
0x83: {  	v47 =	vunpack.i.u.bf16.f32 v40;
	v30 =	vmul.f32 v30, v33;
	v32 =	vmul.f32 v32, v34  }
0x84: {  	v25 =	vunpack.i.u.bf16.f32 v50;
	v62 =	vmul.f32 v36, v59;
	v41 =	vmul.f32 v63, v37  }
0x85: {  	v36 =	vunpack.i.l.bf16.f32 v40;
	v51 =	vperm.xlane v22, v16;
	v52 =	vunpack.i.u.bf16.f32 v46  }
0x86: {  	v25 =	vmul.f32 v25, v31;
	v31 =	vmul.f32 v53, v33;
	v21 =	vadd.f32 $0.0e+00, v21  }
0x87: {  	v33 =	vmul.f32 v54, v34;
	v23 =	vadd.f32 $0.0e+00, v23;
	v24 =	vadd.f32 $0.0e+00, v24  }
0x88: {  	v48 =	vld [tilespmem:s1+$0xC40];
	v49 =	vmul.f32 v36, v45;
	v27 =	vadd.f32 $0.0e+00, v27;
	v28 =	vadd.f32 $0.0e+00, v28  }
0x89: {  	v61 =	vld [tilespmem:s1+$0xC70];
	v53 =	vunpack.i.l.bf16.f32 v46;
	v26 =	vadd.f32 $0.0e+00, v26;
	v29 =	vadd.f32 $0.0e+00, v29  }
0x8a: {  	v54 =	vperm.xlane v22, v17;
	v25 =	vadd.f32 $0.0e+00, v25;
	v21 =	vadd.f32 v31, v21  }
0x8b: {  	v50 =	vld [tilespmem:s1+$0xC50];
	v23 =	vadd.f32 v30, v23;
	v27 =	vadd.f32 v33, v27;
	v33 =	vmul.f32 v58, v56  }
0x8c: {  	v24 =	vadd.f32 v32, v24;
	v31 =	vmul.f32 v57, v56;
	v32 =	vmul.f32 v60, v59  }
0x8d: {  	v30 =	vunpack.i.u.bf16.f32 v55;
	v55 =	vunpack.i.l.bf16.f32 v48;
	v57 =	vunpack.i.u.bf16.f32 v48  }
0x8e: {  	v58 =	vperm.xlane v22, v18;
	v22 =	vperm.xlane v22, v20;
	v36 =	vunpack.i.l.bf16.f32 v61  }
0x8f: {  	v25 =	vadd.f32 v62, v25;
	v30 =	vmul.f32 v30, v37;
	v59 =	vmul.f32 v57, v54  }
0x90: {  	v60 =	vunpack.i.l.bf16.f32 v50;
	v28 =	vadd.f32 v33, v28;
	v26 =	vadd.f32 v31, v26  }
0x91: {  	v29 =	vadd.f32 v32, v29;
	v31 =	vmul.f32 v43, v42;
	v32 =	vmul.f32 v44, v42  }
0x92: {  	v21 =	vadd.f32 v41, v21;
	v33 =	vmul.f32 v47, v45;
	v63 =	vmul.f32 v60, v58  }
0x93: {  	v56 =	vld [tilespmem:s1+$0xC60];
	v42 =	vunpack.i.u.bf16.f32 v61;
	v44 =	vmul.f32 v36, v22;
	v23 =	vadd.f32 v30, v23  }
0x94: {  	v30 =	vmul.f32 v52, v51;
	v24 =	vadd.f32 v31, v24;
	v27 =	vadd.f32 v32, v27  }
0x95: {  	v41 =	vld [tilespmem:s1+$0x1000];
	v22 =	vmul.f32 v42, v22;
	v28 =	vadd.f32 v49, v28;
	v26 =	vadd.f32 v33, v26  }
0x96: {  	v43 =	vld [tilespmem:s1+$0x1010];
	v33 =	vmul.f32 v53, v51;
	v32 =	vmul.f32 v55, v54;
	v31 =	vunpack.i.u.bf16.f32 v50  }
0x97: {  	v45 =	vld [tilespmem:s1+$0x1020];
	v25 =	vadd.f32 v30, v25;
	v23 =	vadd.f32 v59, v23;
	v31 =	vmul.f32 v31, v58  }
0x98: {  	v39 =	vunpack.i.l.bf16.f32 v56;
	v40 =	vunpack.i.u.bf16.f32 v56;
	v62 =	vadd.f32 v32, v21;
	v21 =	vld [tilespmem:$0x8810]  }
0x99: {  	v29 =	vadd.f32 v33, v29;
	v24 =	vadd.f32 v63, v24;
	v32 =	vmul.f32 v39, v38  }
0x9a: {  	v33 =	vmul.f32 v40, v38;
	v27 =	vadd.f32 v31, v27;
	v22 =	vadd.f32 v22, v25  }
0x9b: {  	v51 =	vld [tilespmem:s1+$0x1030];
	v47 =	vunpack.i.u.bf16.f32 v41;
	v48 =	vunpack.i.l.bf16.f32 v41;
	v50 =	vunpack.i.l.bf16.f32 v43  }
0x9c: {  	v56 =	vld [tilespmem:s1+$0x1040];
	v52 =	vunpack.i.u.bf16.f32 v43;
	v55 =	vunpack.i.l.bf16.f32 v45;
	v58 =	vunpack.i.u.bf16.f32 v45  }
0x9d: {  	v28 =	vadd.f32 v32, v28;
	v46 =	vperm.xlane v21, v5;
	v49 =	vperm.xlane v21, v6  }
0x9e: {  	v40 =	vld [tilespmem:s1+$0x1050];
	v26 =	vadd.f32 v33, v26;
	v53 =	vperm.xlane v21, v7;
	v59 =	vperm.xlane v21, v8  }
0x9f: {  	v42 =	vld [tilespmem:s1+$0x1060];
	v29 =	vadd.f32 v44, v29;
	v63 =	vperm.xlane v21, v9;
	v45 =	vperm.xlane v21, v10  }
0xa0: {  	v61 =	vunpack.i.l.bf16.f32 v51;
	v33 =	vmul.f32 v48, v46;
	v25 =	vmul.f32 v47, v46  }
0xa1: {  	v41 =	vunpack.i.u.bf16.f32 v56;
	v31 =	vmul.f32 v50, v49;
	v54 =	vmul.f32 v52, v49  }
0xa2: {  	v36 =	vunpack.i.l.bf16.f32 v56;
	v57 =	vmul.f32 v55, v53;
	v60 =	vmul.f32 v58, v53  }
0xa3: {  	v43 =	vmul.f32 v36, v63;
	v46 =	vunpack.i.u.bf16.f32 v40;
	v47 =	vunpack.i.l.bf16.f32 v40  }
0xa4: {  	v44 =	vld [tilespmem:s1+$0x1070];
	v48 =	vperm.xlane v21, v11;
	v49 =	vunpack.i.l.bf16.f32 v42;
	v30 =	vadd.f32 v33, v62  }
0xa5: {  	v52 =	vperm.xlane v21, v12;
	v23 =	vadd.f32 v25, v23;
	v24 =	vadd.f32 v31, v24  }
0xa6: {  	v27 =	vadd.f32 v54, v27;
	v25 =	vadd.f32 v57, v28;
	v62 =	vunpack.i.u.bf16.f32 v51  }
0xa7: {  	v31 =	vmul.f32 v61, v59;
	v26 =	vadd.f32 v60, v26;
	v33 =	vmul.f32 v41, v63  }
0xa8: {  	v51 =	vunpack.i.u.bf16.f32 v42;
	v57 =	vperm.xlane v21, v13;
	v42 =	vperm.xlane v21, v15  }
0xa9: {  	v50 =	vld [tilespmem:s1+$0x1400];
	v54 =	vunpack.i.l.bf16.f32 v44;
	v32 =	vmul.f32 v62, v59;
	v53 =	vmul.f32 v51, v48  }
0xaa: {  	v55 =	vld [tilespmem:s1+$0x1410];
	v56 =	vmul.f32 v54, v52;
	v62 =	vperm.xlane v21, v14;
	v29 =	vadd.f32 v31, v29  }
0xab: {  	v54 =	vperm.xlane v21, v18;
	v28 =	vadd.f32 v43, v30;
	v23 =	vadd.f32 v33, v23  }
0xac: {  	v33 =	vmul.f32 v47, v45;
	v30 =	vmul.f32 v46, v45;
	v31 =	vunpack.i.u.bf16.f32 v44  }
0xad: {  	v44 =	vperm.xlane v21, v16;
	v22 =	vadd.f32 v32, v22;
	v32 =	vmul.f32 v49, v48  }
0xae: {  	v60 =	vld [tilespmem:s1+$0x1420];
	v26 =	vadd.f32 v53, v26;
	v58 =	vmul.f32 v31, v52;
	v59 =	vunpack.i.l.bf16.f32 v50  }
0xaf: {  	v63 =	vld [tilespmem:s1+$0x1430];
	v61 =	vunpack.i.u.bf16.f32 v50;
	v39 =	vunpack.i.l.bf16.f32 v55;
	v40 =	vunpack.i.u.bf16.f32 v55  }
0xb0: {  	v50 =	vperm.xlane v21, v17;
	v24 =	vadd.f32 v33, v24;
	v27 =	vadd.f32 v30, v27  }
0xb1: {  	v29 =	vadd.f32 v56, v29;
	v31 =	vmul.f32 v59, v57;
	v38 =	vmul.f32 v61, v57  }
0xb2: {  	v51 =	vld [tilespmem:s1+$0x1460];
	v41 =	vmul.f32 v40, v62;
	v25 =	vadd.f32 v32, v25;
	v22 =	vadd.f32 v58, v22  }
0xb3: {  	v45 =	vld [tilespmem:s1+$0x1440];
	v32 =	vmul.f32 v39, v62;
	v43 =	vunpack.i.u.bf16.f32 v60;
	v33 =	vunpack.i.l.bf16.f32 v60  }
0xb4: {  	v46 =	vunpack.i.l.bf16.f32 v63;
	v48 =	vunpack.i.u.bf16.f32 v63;
	v58 =	vperm.xlane v21, v19  }
0xb5: {  	v21 =	vperm.xlane v21, v20;
	v28 =	vadd.f32 v31, v28;
	v23 =	vadd.f32 v38, v23  }
0xb6: {  	v55 =	vld [tilespmem:s1+$0x1470];
	v33 =	vmul.f32 v33, v42;
	v31 =	vmul.f32 v43, v42;
	v27 =	vadd.f32 v41, v27  }
0xb7: {  	v47 =	vmul.f32 v46, v44;
	v49 =	vmul.f32 v48, v44;
	v59 =	vunpack.i.u.bf16.f32 v51  }
0xb8: {  	v24 =	vadd.f32 v32, v24;
	v52 =	vunpack.i.u.bf16.f32 v45;
	v53 =	vunpack.i.l.bf16.f32 v45  }
0xb9: {  	v38 =	vld [tilespmem:s1+$0x1450];
	v32 =	vunpack.i.l.bf16.f32 v51;
	v62 =	vmul.f32 v59, v58;
	v25 =	vadd.f32 v33, v25  }
0xba: {  	v26 =	vadd.f32 v31, v26;
	v29 =	vadd.f32 v47, v29;
	v34 =	vmul.f32 v53, v50  }
0xbb: {  	v31 =	vmul.f32 v52, v50;
	v22 =	vadd.f32 v49, v22;
	v60 =	vunpack.i.l.bf16.f32 v55  }
0xbc: {  	v32 =	vmul.f32 v32, v58;
	v61 =	vunpack.i.u.bf16.f32 v55;
	v28 =	vadd.f32 v34, v28  }
0xbd: {  	v23 =	vadd.f32 v31, v23;
	v34 =	vmul.f32 v60, v21;
	v21 =	vmul.f32 v61, v21  }
0xbe: {  	v25 =	vadd.f32 v32, v25;
	v56 =	vunpack.i.l.bf16.f32 v38;
	v57 =	vunpack.i.u.bf16.f32 v38  }
0xbf: {  	v26 =	vadd.f32 v62, v26;
	v33 =	vmul.f32 v56, v54;
	v30 =	vmul.f32 v57, v54  }
0xc0: {  	v29 =	vadd.f32 v34, v29;
	v21 =	vadd.f32 v21, v22  }
0xc1: {  	v24 =	vadd.f32 v33, v24;
	v27 =	vadd.f32 v30, v27  }
0xc2: {  	v63 =	vadd.f32 v29, v25;
	v21 =	vadd.f32 v21, v26  }
0xc3: {  	v22 =	vadd.f32 v24, v28;
	v23 =	vadd.f32 v27, v23;
	_ =	sdelay $0x1  }
0xc4: {  	s11 =	sand.u32 $0x3, s0;
	v22 =	vadd.f32 v63, v22;
	v21 =	vadd.f32 v21, v23  }
0xc5: {  	p1 =	sne.s32 s11, $0x3  }
0xc6: {  	v23 =	vadd.f32 @!p1 v22, v21;
	_ =	sdelay $0x1  }
0xc7: {  	(xrf2) =	vadd.scan.msk.f32 @!p1 $0xffff, v23;
	_ =	sdelay $0x9  }
0xc8: {  	v23, _, _ =	vpop @!p1 (xrf2)  }
0xc9: {  	v23 =	vshra.s32 @!p1 v23, $0x17  }
0xca: {  	v23 =	vadd.s32 @!p1 $0xFFFFFF81, v23  }
0xcb: {  	v23 =	vbroadcast @!p1 v23, $0xF  }
0xcc: {  	v24 =	vld @!p1 [tilespmem:$0x8880]  }
0xcd: {  	s0 =	sadd.s32 $0x1, s0;
	v25 =	vshll.u32 @!p1 v23, $0x17  }
0xce: {  	p2 =	sne.s32 s0, $0x20;
	v25 =	vsub.s32 @!p1 $0x3F800000, v25  }
.Ltmp4:
0xcf: {  	[tilespmem:$0x8800] =	vst v22;
	v23 =	vcvt.s32.f32 @!p1 v23;
	v22 =	vmul.f32 @!p1 v25, v22;
	(pc) =	sbr.rel @p2 .LBB2_4-.Ltmp4, $4  }
0xd0: {  	[tilespmem:$0x8810] =	vst v21;
	v21 =	vmul.f32 @!p1 v25, v21  }
0xd1: {  	[tilespmem:$0x8800] =	vst @!p1 v22;
	v22 =	vadd.f32 @!p1 v23, v24  }
0xd2: {  	[tilespmem:$0x8810] =	vst @!p1 v21  }
0xd3: {  	s31 =	sadd.s32 $0x80, s31;
	s30 =	sadd.s32 $0x200, s30;
	[tilespmem:$0x8880] =	vst @!p1 v22  }
0xd4: {  	s0 =	sadd.s32 $0x2, s29  }
0xd5: {  	p1 =	sge.u32 s0, s4  }
0xd6: {  	s0 =	sshll.u32 @!p1 s0, $0x5  }
0xd7: {  	s0 =	sand.u32 @!p1 $0x3FFFFFE0, s0  }
0xd8: {  	v21 =	vld @!p1 [tilespmem:s0+$0x0];
	_ =	sdelay $0x4  }
0xd9: {  	v22 =	vshll.u32 @!p1 v21, $0x2  }
0xda: {  	v23 =	vlaneseq.u32 @!p1;
	v21 =	vand.u32 @!p1 $0x7, v21;
	v22 =	vand.u32 @!p1 $0xFFFFFFE0, v22  }
0xdb: {  	v24 =	vshrl.u32 @!p1 v23, $0x3;
	v21 =	vor.u32 @!p1 v21, v22;
	v22 =	vand.u32 @!p1 $0x7, v23  }
0xdc: {  	v24 =	vmul.u32 @!p1 $0x8, v24;
	v25 =	vperm.xlane @!p1 v21, v22;
	_ =	sdelay $0x1  }
0xdd: {  	v25 =	vadd.s32 @!p1 v24, v25  }
0xde: {  	v23 =	vor.u32 @!p1 $0x8, v23  }
0xdf: {  	v21 =	vperm.xlane @!p1 v21, v23;
	_ =	sdelay $0x1  }
0xe0: {  	vm1 =	vmmov @!p1 $0xffff;
	s1 =	simm.s32 @!p1 $0x0;
	s11 =	simm.s32 @!p1 $0x800;
	v21 =	vadd.s32 @!p1 v24, v21  }
0xe1: {  	[tilespmem:s11], [sflag:$0x1] =	stream.indirect_vreg.gather @!p1 [hbm4b:s3+s1], $0x80, v25, vm1, $0xb8;
	[tilespmem:$0x8980] =	vst v63  }
0xe2: {  	s11 =	simm.s32 @!p1 $0x1000  }
0xe3: {  	[tilespmem:s11], [sflag:$0x1] =	stream.indirect_vreg.gather @!p1 [hbm4b:s5+s1], $0x80, v25, vm1, $0xb8;
	[tilespmem:$0x8980] =	vst v63  }
0xe4: {  	s11 =	simm.s32 @!p1 $0x1800  }
0xe5: {  	[tilespmem:s11], [sflag:$0x1] =	stream.indirect_vreg.gather @!p1 [hbm4b:s3+s1], $0x80, v21, vm1, $0xb8;
	[tilespmem:$0x8980] =	vst v63  }
0xe6: {  	s11 =	simm.s32 @!p1 $0x2000  }
0xe7: {  	[tilespmem:s11], [sflag:$0x1] =	stream.indirect_vreg.gather @!p1 [hbm4b:s5+s1], $0x80, v21, vm1, $0xb8;
	[tilespmem:$0x8980] =	vst v63  }
0xe8: {  	v21 =	vld @!p1 [tilespmem:s0+$0x10];
	_ =	sdelay $0x4  }
0xe9: {  	v25 =	vshll.u32 @!p1 v21, $0x2  }
0xea: {  	v21 =	vand.u32 @!p1 $0x7, v21;
	v25 =	vand.u32 @!p1 $0xFFFFFFE0, v25  }
0xeb: {  	v21 =	vor.u32 @!p1 v21, v25  }
0xec: {  	v22 =	vperm.xlane @!p1 v21, v22;
	_ =	sdelay $0x1  }
0xed: {  	v22 =	vadd.s32 @!p1 v24, v22;
	_ =	sdelay $0x1  }
0xee: {  	v21 =	vperm.xlane @!p1 v21, v23;
	_ =	sdelay $0x1  }
0xef: {  	s0 =	simm.s32 @!p1 $0x2800;
	v21 =	vadd.s32 @!p1 v24, v21  }
0xf0: {  	[tilespmem:s0], [sflag:$0x1] =	stream.indirect_vreg.gather @!p1 [hbm4b:s3+s1], $0x80, v22, vm1, $0xb8;
	[tilespmem:$0x8980] =	vst v63  }
0xf1: {  	s0 =	simm.s32 @!p1 $0x3000  }
0xf2: {  	[tilespmem:s0], [sflag:$0x1] =	stream.indirect_vreg.gather @!p1 [hbm4b:s5+s1], $0x80, v22, vm1, $0xb8;
	[tilespmem:$0x8980] =	vst v63  }
0xf3: {  	s0 =	simm.s32 @!p1 $0x3800  }
0xf4: {  	[tilespmem:s0], [sflag:$0x1] =	stream.indirect_vreg.gather @!p1 [hbm4b:s3+s1], $0x80, v21, vm1, $0xb8;
	[tilespmem:$0x8980] =	vst v63  }
0xf5: {  	s0 =	simm.s32 @!p1 $0x4000  }
0xf6: {  	[tilespmem:s0], [sflag:$0x1] =	stream.indirect_vreg.gather @!p1 [hbm4b:s5+s1], $0x80, v21, vm1, $0xb8;
	[tilespmem:$0x8980] =	vst v63  }
0xf7: {  	_ =	swait.ge [sflag:s25], $0x4000  }
0xf8: {  	s29 =	simm.s32 $0x0;
	[sflag:s25] =	ssyncset.done $0x0  }
0xf9: {  	s30 =	simm.s32 $0x0;
	s31 =	simm.s32 $0x0;
	[sflag:s25] =	ssyncadd.s32 $0xFFFFC000  }
.LBB2_6:
0xfa: {  	v22 =	vld [tilespmem:$0x8800]  }
0xfb: {  	s0 =	sand.u32 $0x3000, s29;
	s1 =	sand.u32 $0x380, s30  }
0xfc: {  	s1 =	sor.u32 s1, s0  }
0xfd: {  	v21 =	vld [tilespmem:s1+$0x4800]  }
0xfe: {  	v24 =	vld [tilespmem:s1+$0x4810]  }
0xff: {  	v26 =	vld [tilespmem:s1+$0x4820];
	v23 =	vperm.xlane v22, v5;
	v27 =	vperm.xlane v22, v6  }
0x100: {  	v50 =	vld [tilespmem:s1+$0x4830];
	v29 =	vperm.xlane v22, v7;
	v31 =	vperm.xlane v22, v8  }
0x101: {  	v30 =	vld [tilespmem:s1+$0x4840];
	v33 =	vperm.xlane v22, v9;
	v34 =	vperm.xlane v22, v10  }
0x102: {  	v32 =	vld [tilespmem:s1+$0x4850];
	v56 =	vperm.xlane v22, v11;
	v59 =	vperm.xlane v22, v12  }
0x103: {  	v35 =	vld [tilespmem:s1+$0x4860];
	v37 =	vperm.xlane v22, v13;
	v42 =	vperm.xlane v22, v14  }
0x104: {  	v36 =	vld [tilespmem:s1+$0x4870];
	v45 =	vperm.xlane v22, v15;
	v38 =	vperm.xlane v22, v19;
	v25 =	vunpack.i.u.bf16.f32 v21  }
0x105: {  	v55 =	vld [tilespmem:s1+$0x4C00];
	v21 =	vunpack.i.l.bf16.f32 v21;
	v28 =	vunpack.i.u.bf16.f32 v24;
	v24 =	vunpack.i.l.bf16.f32 v24  }
0x106: {  	v61 =	vld [tilespmem:s1+$0x4C10];
	v51 =	vunpack.i.l.bf16.f32 v26;
	v26 =	vunpack.i.u.bf16.f32 v26;
	v52 =	vunpack.i.l.bf16.f32 v50  }
0x107: {  	v53 =	vunpack.i.l.bf16.f32 v30;
	v30 =	vunpack.i.u.bf16.f32 v30;
	v54 =	vunpack.i.u.bf16.f32 v32  }
0x108: {  	v40 =	vld [tilespmem:s1+$0x4C20];
	v32 =	vunpack.i.l.bf16.f32 v32;
	v57 =	vunpack.i.u.bf16.f32 v35;
	v58 =	vunpack.i.l.bf16.f32 v35  }
0x109: {  	v60 =	vunpack.i.l.bf16.f32 v36;
	v36 =	vunpack.i.u.bf16.f32 v36;
	v21 =	vmul.f32 v21, v23  }
0x10a: {  	v46 =	vld [tilespmem:s1+$0x4C30];
	v63 =	vunpack.i.l.bf16.f32 v55;
	v23 =	vmul.f32 v25, v23;
	v24 =	vmul.f32 v24, v27  }
0x10b: {  	v43 =	vunpack.i.l.bf16.f32 v61;
	v27 =	vmul.f32 v28, v27;
	v28 =	vmul.f32 v51, v29  }
0x10c: {  	v44 =	vunpack.i.u.bf16.f32 v61;
	v26 =	vmul.f32 v26, v29;
	v29 =	vmul.f32 v52, v31  }
0x10d: {  	v47 =	vunpack.i.u.bf16.f32 v40;
	v30 =	vmul.f32 v30, v33;
	v32 =	vmul.f32 v32, v34  }
0x10e: {  	v25 =	vunpack.i.u.bf16.f32 v50;
	v62 =	vmul.f32 v36, v59;
	v41 =	vmul.f32 v63, v37  }
0x10f: {  	v36 =	vunpack.i.l.bf16.f32 v40;
	v51 =	vperm.xlane v22, v16;
	v52 =	vunpack.i.u.bf16.f32 v46  }
0x110: {  	v25 =	vmul.f32 v25, v31;
	v31 =	vmul.f32 v53, v33;
	v21 =	vadd.f32 $0.0e+00, v21  }
0x111: {  	v33 =	vmul.f32 v54, v34;
	v23 =	vadd.f32 $0.0e+00, v23;
	v24 =	vadd.f32 $0.0e+00, v24  }
0x112: {  	v48 =	vld [tilespmem:s1+$0x4C40];
	v49 =	vmul.f32 v36, v45;
	v27 =	vadd.f32 $0.0e+00, v27;
	v28 =	vadd.f32 $0.0e+00, v28  }
0x113: {  	v61 =	vld [tilespmem:s1+$0x4C70];
	v53 =	vunpack.i.l.bf16.f32 v46;
	v26 =	vadd.f32 $0.0e+00, v26;
	v29 =	vadd.f32 $0.0e+00, v29  }
0x114: {  	v54 =	vperm.xlane v22, v17;
	v25 =	vadd.f32 $0.0e+00, v25;
	v21 =	vadd.f32 v31, v21  }
0x115: {  	v50 =	vld [tilespmem:s1+$0x4C50];
	v23 =	vadd.f32 v30, v23;
	v27 =	vadd.f32 v33, v27;
	v33 =	vmul.f32 v58, v56  }
0x116: {  	v24 =	vadd.f32 v32, v24;
	v31 =	vmul.f32 v57, v56;
	v32 =	vmul.f32 v60, v59  }
0x117: {  	v30 =	vunpack.i.u.bf16.f32 v55;
	v55 =	vunpack.i.l.bf16.f32 v48;
	v57 =	vunpack.i.u.bf16.f32 v48  }
0x118: {  	v58 =	vperm.xlane v22, v18;
	v22 =	vperm.xlane v22, v20;
	v36 =	vunpack.i.l.bf16.f32 v61  }
0x119: {  	v25 =	vadd.f32 v62, v25;
	v30 =	vmul.f32 v30, v37;
	v59 =	vmul.f32 v57, v54  }
0x11a: {  	v60 =	vunpack.i.l.bf16.f32 v50;
	v28 =	vadd.f32 v33, v28;
	v26 =	vadd.f32 v31, v26  }
0x11b: {  	v29 =	vadd.f32 v32, v29;
	v31 =	vmul.f32 v43, v42;
	v32 =	vmul.f32 v44, v42  }
0x11c: {  	v21 =	vadd.f32 v41, v21;
	v33 =	vmul.f32 v47, v45;
	v63 =	vmul.f32 v60, v58  }
0x11d: {  	v56 =	vld [tilespmem:s1+$0x4C60];
	v42 =	vunpack.i.u.bf16.f32 v61;
	v44 =	vmul.f32 v36, v22;
	v23 =	vadd.f32 v30, v23  }
0x11e: {  	v30 =	vmul.f32 v52, v51;
	v24 =	vadd.f32 v31, v24;
	v27 =	vadd.f32 v32, v27  }
0x11f: {  	v41 =	vld [tilespmem:s1+$0x5000];
	v22 =	vmul.f32 v42, v22;
	v28 =	vadd.f32 v49, v28;
	v26 =	vadd.f32 v33, v26  }
0x120: {  	v43 =	vld [tilespmem:s1+$0x5010];
	v33 =	vmul.f32 v53, v51;
	v32 =	vmul.f32 v55, v54;
	v31 =	vunpack.i.u.bf16.f32 v50  }
0x121: {  	v45 =	vld [tilespmem:s1+$0x5020];
	v25 =	vadd.f32 v30, v25;
	v23 =	vadd.f32 v59, v23;
	v31 =	vmul.f32 v31, v58  }
0x122: {  	v39 =	vunpack.i.l.bf16.f32 v56;
	v40 =	vunpack.i.u.bf16.f32 v56;
	v62 =	vadd.f32 v32, v21;
	v21 =	vld [tilespmem:$0x8810]  }
0x123: {  	v29 =	vadd.f32 v33, v29;
	v24 =	vadd.f32 v63, v24;
	v32 =	vmul.f32 v39, v38  }
0x124: {  	v33 =	vmul.f32 v40, v38;
	v27 =	vadd.f32 v31, v27;
	v22 =	vadd.f32 v22, v25  }
0x125: {  	v51 =	vld [tilespmem:s1+$0x5030];
	v47 =	vunpack.i.u.bf16.f32 v41;
	v48 =	vunpack.i.l.bf16.f32 v41;
	v50 =	vunpack.i.l.bf16.f32 v43  }
0x126: {  	v56 =	vld [tilespmem:s1+$0x5040];
	v52 =	vunpack.i.u.bf16.f32 v43;
	v55 =	vunpack.i.l.bf16.f32 v45;
	v58 =	vunpack.i.u.bf16.f32 v45  }
0x127: {  	v28 =	vadd.f32 v32, v28;
	v46 =	vperm.xlane v21, v5;
	v49 =	vperm.xlane v21, v6  }
0x128: {  	v40 =	vld [tilespmem:s1+$0x5050];
	v26 =	vadd.f32 v33, v26;
	v53 =	vperm.xlane v21, v7;
	v59 =	vperm.xlane v21, v8  }
0x129: {  	v42 =	vld [tilespmem:s1+$0x5060];
	v29 =	vadd.f32 v44, v29;
	v63 =	vperm.xlane v21, v9;
	v45 =	vperm.xlane v21, v10  }
0x12a: {  	v61 =	vunpack.i.l.bf16.f32 v51;
	v33 =	vmul.f32 v48, v46;
	v25 =	vmul.f32 v47, v46  }
0x12b: {  	v41 =	vunpack.i.u.bf16.f32 v56;
	v31 =	vmul.f32 v50, v49;
	v54 =	vmul.f32 v52, v49  }
0x12c: {  	v36 =	vunpack.i.l.bf16.f32 v56;
	v57 =	vmul.f32 v55, v53;
	v60 =	vmul.f32 v58, v53  }
0x12d: {  	v43 =	vmul.f32 v36, v63;
	v46 =	vunpack.i.u.bf16.f32 v40;
	v47 =	vunpack.i.l.bf16.f32 v40  }
0x12e: {  	v44 =	vld [tilespmem:s1+$0x5070];
	v48 =	vperm.xlane v21, v11;
	v49 =	vunpack.i.l.bf16.f32 v42;
	v30 =	vadd.f32 v33, v62  }
0x12f: {  	v52 =	vperm.xlane v21, v12;
	v23 =	vadd.f32 v25, v23;
	v24 =	vadd.f32 v31, v24  }
0x130: {  	v27 =	vadd.f32 v54, v27;
	v25 =	vadd.f32 v57, v28;
	v62 =	vunpack.i.u.bf16.f32 v51  }
0x131: {  	s0 =	sor.u32 s0, s30;
	v31 =	vmul.f32 v61, v59;
	v26 =	vadd.f32 v60, v26;
	v33 =	vmul.f32 v41, v63  }
0x132: {  	s0 =	sor.u32 $0x4C00, s0;
	v51 =	vunpack.i.u.bf16.f32 v42;
	v57 =	vperm.xlane v21, v13;
	v42 =	vperm.xlane v21, v15  }
0x133: {  	v50 =	vld [tilespmem:s0+$0x800];
	v54 =	vunpack.i.l.bf16.f32 v44;
	v32 =	vmul.f32 v62, v59;
	v53 =	vmul.f32 v51, v48  }
0x134: {  	v55 =	vld [tilespmem:s0+$0x810];
	v56 =	vmul.f32 v54, v52;
	v62 =	vperm.xlane v21, v14;
	v29 =	vadd.f32 v31, v29  }
0x135: {  	v54 =	vperm.xlane v21, v18;
	v28 =	vadd.f32 v43, v30;
	v23 =	vadd.f32 v33, v23  }
0x136: {  	v33 =	vmul.f32 v47, v45;
	v30 =	vmul.f32 v46, v45;
	v31 =	vunpack.i.u.bf16.f32 v44  }
0x137: {  	v44 =	vperm.xlane v21, v16;
	v22 =	vadd.f32 v32, v22;
	v32 =	vmul.f32 v49, v48  }
0x138: {  	v60 =	vld [tilespmem:s0+$0x820];
	v26 =	vadd.f32 v53, v26;
	v58 =	vmul.f32 v31, v52;
	v59 =	vunpack.i.l.bf16.f32 v50  }
0x139: {  	v63 =	vld [tilespmem:s0+$0x830];
	v61 =	vunpack.i.u.bf16.f32 v50;
	v39 =	vunpack.i.l.bf16.f32 v55;
	v40 =	vunpack.i.u.bf16.f32 v55  }
0x13a: {  	v50 =	vperm.xlane v21, v17;
	v24 =	vadd.f32 v33, v24;
	v27 =	vadd.f32 v30, v27  }
0x13b: {  	v29 =	vadd.f32 v56, v29;
	v31 =	vmul.f32 v59, v57;
	v38 =	vmul.f32 v61, v57  }
0x13c: {  	v51 =	vld [tilespmem:s0+$0x860];
	v41 =	vmul.f32 v40, v62;
	v25 =	vadd.f32 v32, v25;
	v22 =	vadd.f32 v58, v22  }
0x13d: {  	v45 =	vld [tilespmem:s0+$0x840];
	v32 =	vmul.f32 v39, v62;
	v43 =	vunpack.i.u.bf16.f32 v60;
	v33 =	vunpack.i.l.bf16.f32 v60  }
0x13e: {  	v46 =	vunpack.i.l.bf16.f32 v63;
	v48 =	vunpack.i.u.bf16.f32 v63;
	v58 =	vperm.xlane v21, v19  }
0x13f: {  	v21 =	vperm.xlane v21, v20;
	v28 =	vadd.f32 v31, v28;
	v23 =	vadd.f32 v38, v23  }
0x140: {  	v55 =	vld [tilespmem:s0+$0x870];
	v33 =	vmul.f32 v33, v42;
	v31 =	vmul.f32 v43, v42;
	v27 =	vadd.f32 v41, v27  }
0x141: {  	v47 =	vmul.f32 v46, v44;
	v49 =	vmul.f32 v48, v44;
	v59 =	vunpack.i.u.bf16.f32 v51  }
0x142: {  	v24 =	vadd.f32 v32, v24;
	v52 =	vunpack.i.u.bf16.f32 v45;
	v53 =	vunpack.i.l.bf16.f32 v45  }
0x143: {  	v38 =	vld [tilespmem:s0+$0x850];
	v32 =	vunpack.i.l.bf16.f32 v51;
	v62 =	vmul.f32 v59, v58;
	v25 =	vadd.f32 v33, v25  }
0x144: {  	v26 =	vadd.f32 v31, v26;
	v29 =	vadd.f32 v47, v29;
	v34 =	vmul.f32 v53, v50  }
0x145: {  	v31 =	vmul.f32 v52, v50;
	v22 =	vadd.f32 v49, v22;
	v60 =	vunpack.i.l.bf16.f32 v55  }
0x146: {  	v32 =	vmul.f32 v32, v58;
	v61 =	vunpack.i.u.bf16.f32 v55;
	v28 =	vadd.f32 v34, v28  }
0x147: {  	v23 =	vadd.f32 v31, v23;
	v34 =	vmul.f32 v60, v21;
	v21 =	vmul.f32 v61, v21  }
0x148: {  	v25 =	vadd.f32 v32, v25;
	v56 =	vunpack.i.l.bf16.f32 v38;
	v57 =	vunpack.i.u.bf16.f32 v38  }
0x149: {  	v26 =	vadd.f32 v62, v26;
	v33 =	vmul.f32 v56, v54;
	v30 =	vmul.f32 v57, v54  }
0x14a: {  	v29 =	vadd.f32 v34, v29;
	v21 =	vadd.f32 v21, v22  }
0x14b: {  	v24 =	vadd.f32 v33, v24;
	v27 =	vadd.f32 v30, v27  }
0x14c: {  	v63 =	vadd.f32 v29, v25;
	v21 =	vadd.f32 v21, v26  }
0x14d: {  	v22 =	vadd.f32 v24, v28;
	v23 =	vadd.f32 v27, v23;
	_ =	sdelay $0x1  }
0x14e: {  	s11 =	sand.u32 $0x3, s31;
	v22 =	vadd.f32 v63, v22;
	v21 =	vadd.f32 v21, v23  }
0x14f: {  	p1 =	sne.s32 s11, $0x3  }
0x150: {  	v23 =	vadd.f32 @!p1 v22, v21;
	_ =	sdelay $0x1  }
0x151: {  	(xrf2) =	vadd.scan.msk.f32 @!p1 $0xffff, v23;
	_ =	sdelay $0x9  }
0x152: {  	v23, _, _ =	vpop @!p1 (xrf2)  }
0x153: {  	v23 =	vshra.s32 @!p1 v23, $0x17  }
0x154: {  	v23 =	vadd.s32 @!p1 $0xFFFFFF81, v23  }
0x155: {  	v23 =	vbroadcast @!p1 v23, $0xF  }
0x156: {  	v24 =	vld @!p1 [tilespmem:$0x8880]  }
0x157: {  	s31 =	sadd.s32 $0x1, s31;
	v25 =	vshll.u32 @!p1 v23, $0x17  }
0x158: {  	p2 =	sne.s32 s31, $0x20;
	v25 =	vsub.s32 @!p1 $0x3F800000, v25  }
.Ltmp5:
0x159: {  	[tilespmem:$0x8800] =	vst v22;
	v23 =	vcvt.s32.f32 @!p1 v23;
	v22 =	vmul.f32 @!p1 v25, v22;
	(pc) =	sbr.rel @p2 .LBB2_6-.Ltmp5, $4  }
0x15a: {  	[tilespmem:$0x8810] =	vst v21;
	v21 =	vmul.f32 @!p1 v25, v21  }
0x15b: {  	[tilespmem:$0x8800] =	vst @!p1 v22;
	v22 =	vadd.f32 @!p1 v23, v24  }
0x15c: {  	[tilespmem:$0x8810] =	vst @!p1 v21  }
0x15d: {  	s29 =	sadd.s32 $0x200, s29;
	s30 =	sadd.s32 $0x80, s30;
	[tilespmem:$0x8880] =	vst @!p1 v22  }
0x15e: {  	s28 =	sadd.s32 $0x1, s28  }
0x15f: {  	p1 =	sne.s32 s28, s9  }
.Ltmp6:
0x160: {  	_ = 	snop;
	(pc) =	sbr.rel @p1 .LBB2_3-.Ltmp6, $4  }
.Ltmp7:
0x161: {  	_ = 	snop;
	(pc) =	sbr.rel @!p1 .LBB2_8-.Ltmp7, $4  }
0x162: {  	_ = 	snop  }
0x163: {  	_ = 	snop  }
0x164: {  	_ = 	snop  }
0x165: {  	_ = 	snop  }
.LBB2_9:
0x166: {  	_ =	sfence.sel $0x180000  }
0x167: {  	[bflag:$0x0] =	sbarrier.arrive $0xFFFF  }
0x168: {  	_ =	strace $0x9000004A  }
0x169: {  	s0 =	stileid.u32;
	[bflag:$0x2] =	sbarrier.arrive $0xFFFF  }
0x16a: {  	p0 =	sne.s32 s0, $0x0;
	s0 =	rddreg [dreg:$0x1]  }
0x16b: {  	s0 =	sadd.s32 @!p0 $0x100000, s0  }
0x16c: {  	[sflag:s0] =	ssyncadd.tile.s32 @!p0 $0x1;
	_ =	shalt  }
.Lfunc_end2:
_tile_overlayer_lowered:
.L_overlay_start_2:
0x16d: {  	(tag) =	ssettag $0x2  }
0x16e: {  	s0 =	rddreg [dreg:$0x0];
	s2 =	stileid.u32  }
0x16f: {  	s1 =	rddreg [dreg:$0x1];
	p0 =	sne.s32 s2, $0x0  }
0x170: {  	s3 =	rddreg [dreg:$0x2];
	[bflag:$0x3] =	sbarrier.arrive $0xFFFF;
	s2 =	simm.s32 @!p0 $0x1C03  }
0x171: {  	[timem:s3], [sflag:s2] =	dma.local @!p0 [hbm:s0], s1  }
0x172: {  	s0 =	simm.s32 @!p0 $0x3  }
0x173: {  	_ =	swait.ge @!p0 [sflag:s0], s1  }
0x174: {  	s1 =	ssub.s32 @!p0 $0x0, s1;
	[sflag:s0] =	ssyncset.done @!p0 $0x0  }
0x175: {  	[sflag:s0] =	ssyncadd.s32 @!p0 s1  }
0x176: {  	[bflag:$0x3] =	sbarrier.arrive $0xFFFF  }
0x177: {  	_ =	shalt  }

// kernel: sparse-core-data-format-call.cloned.1.call-start
scs
called_computation_lowered:
.L_overlay_start_0:
0x0: {  	s2 =	sld [smem:$0x3FD9]  }
0x1: {  	s3 =	sld [smem:$0x3FFE];
	_ =	sdelay $0x1  }
0x2: {  	s1 =	srdreg.scid  }
0x3: {  	s0 =	sand.u32 $0x1, s1  }
0x4: {  	s18 =	sshll.u32 s0, $0xA;
	s2 =	sadd.s32 s3, s2  }
0x5: {  	s2 =	sadd.s32 s2, s18  }
0x6: {  	[smem:$0x3FC6] =	sst s2  }
0x7: {  	_ = 	snop  }
0x8: {  	s2 =	sld [smem:$0x3FC9];
	(tm) =	ssettm $0x1  }
0x9: {  	s19 =	sld [smem:$0x3FFB];
	_ =	sdelay $0x3  }
0xa: {  	_ =	strace s19  }
0xb: {  	s3 =	sld [smem:$0x3FFC];
	_ =	sdelay $0x3  }
0xc: {  	_ =	strace s3  }
0xd: {  	s3 =	sld [smem:$0x3FFD];
	_ =	sdelay $0x3  }
0xe: {  	_ =	strace s3  }
0xf: {  	_ =	strace $0x8FFFFFFF  }
0x10: {  	s20 =	sld [smem:$0x3FDB];
	_ =	sdelay $0x1  }
0x11: {  	s4 =	simm.s32 $_scs_section_size  }
0x12: {  	s5 =	simm.s32 $_size__tile_overlayer_lowered;
	s6 =	simm.s32 $_tile_overlayer_lowered  }
0x13: {  	s23 =	simm.s32 $0x1BFF;
	s22 =	sshll.u32 s6, $0x1;
	s3 =	sadd.s32 s4, s20  }
0x14: {  	s7 =	simm.s32 $0x0;
	s21 =	sshll.u32 s5, $0x1;
	s5 =	sadd.s32 s22, s3  }
0x15: {  	[timem:s7], [sflag:s23] =	dma.local [hbm:s5], s21  }
0x16: {  	_ =	swait.ge [sflag:s23], s21  }
0x17: {  	s4 =	ssub.s32 $0x0, s21;
	[sflag:s23] =	ssyncset.done $0x0  }
0x18: {  	[sflag:s23] =	ssyncadd.s32 s4;
	_ =	sdelay $0x1  }
0x19: {  	s24 =	simm.s32 $0x1B8B  }
0x1a: {  	_ =	swait.ge [sflag:s24], $0x1  }
0x1b: {  	[sflag:s24] =	ssyncset.done $0x0  }
0x1c: {  	s26 =	simm.s32 $0x1B8E;
	s25 =	sld [smem:$0x3FFE];
	[sflag:s24] =	ssyncadd.s32 $0xFFFFFFFF  }
0x1d: {  	s27 =	simm.s32 $execute0_lowered;
	[smem:$0x3FD2] =	sst s26  }
0x1e: {  	s5 =	sshll.u32 s27, $0x1;
	_ =	strace $0x80000046;
	[dreg:$0x1] =	wrdreg $0xFFFFFFFF  }
0x1f: {  	s28 =	simm.s32 $_size_execute0_lowered;
	s3 =	sadd.s32 s3, s5;
	[dreg:$0x0] =	wrdreg $0x0  }
0x20: {  	s5 =	sshll.u32 s28, $0x1;
	[dreg:$0x2] =	wrdreg s3  }
0x21: {  	[dreg:$0x3] =	wrdreg s5  }
0x22: {  	[dreg:$0x4] =	wrdreg $0xC0  }
0x23: {  	_ =	task [dreg:s7], $0x5FFFF  }
0x24: {  	[dreg:$0x1] =	wrdreg $0xFFFFFFFF  }
0x25: {  	[dreg:$0x0] =	wrdreg $0x60  }
0x26: {  	[dreg:$0x2] =	wrdreg s2  }
0x27: {  	[dreg:$0x3] =	wrdreg s25  }
0x28: {  	[dreg:$0x4] =	wrdreg $0x9  }
0x29: {  	_ =	task.clear_ibuf [dreg:s7], $0x5FFFF;
	_ =	strace $0x90000046  }
0x2a: {  	s29 =	simm.s32 $0x9;
	_ =	strace $0x80000048  }
0x2b: {  	_ =	swait.ge [sflag:s29], $0x1  }
0x2c: {  	[sflag:s29] =	ssyncadd.s32 $0xFFFFFFFF  }
0x2d: {  	_ =	strace $0x90000048  }
0x2e: {  	_ =	sfence  }
0x2f: {  	s30 =	sld [smem:$0x0];
	_ =	sdelay $0x2  }
0x30: {  	s31 =	sshll.u32 s1, $0xD;
	s1 =	sshrl.u32 s1, $0x2  }
0x31: {  	s3 =	sand.u32 $0x4000, s31;
	s1 =	sadd.s32 s1, s30  }
0x32: {  	s0 =	sor.u32 s3, s0;
	s1 =	sshll.u32 s1, $0x11  }
0x33: {  	s0 =	sor.u32 s1, s0  }
0x34: {  	s0 =	sadd.s32 $0x8F2B, s0  }
0x35: {  	[sflag:s0] =	ssyncadd.remote.s32 $0x1  }
0x36: {  	_ =	sfence.sel $0xFFFF  }
0x37: {  	[dreg:$0x0] =	wrdreg $0xFFFFFFFF;
	(pc) =	sbr.abs _section_cstart, $3  }
0x38: {  	[dreg:$0x1] =	wrdreg $0xFFFFFFFF  }
0x39: {  	_ =	task.clear_ibuf [dreg:s7], $0x2FFFF;
	_ =	strace $0x9FFFFFFF  }
0x3a: {  	(tm) =	ssettm $0x7FFFFFFF  }
0x3b: {  	_ =	shalt  }
tec
execute0_lowered:
.L_overlay_start_1:
0x0: {  	(tag) =	ssettag $0x1  }
0x1: {  	s2 =	rddreg [dreg:$0x0]  }
0x2: {  	s8 =	rddreg [dreg:$0x1];
	s1 =	stileid.u32  }
0x3: {  	s0 =	rddreg [dreg:$0x2];
	s4 =	srdreg.scid;
	_ =	strace $0x80000047  }
0x4: {  	s31 =	simm.s32 $0x2;
	s19 =	simm.s32 $0x0;
	s17 =	simm.s32 $0x0  }
0x5: {  	s20 =	simm.s32 $0x0;
	s18 =	simm.s32 $0x0;
	s13 =	simm.s32 $0x0  }
0x6: {  	s16 =	simm.s32 $0x0;
	s3 =	sand.u32 $0x1, s1;
	s5 =	sshll.u32 s1, $0x1  }
0x7: {  	s6 =	sshll.u32 s1, $0x4;
	s7 =	sshll.u32 s4, $0x8;
	s4 =	sand.u32 $0xC, s5  }
0x8: {  	s27 =	sor.u32 s6, s7;
	s28 =	ssub.s32 $0x2, s3;
	s9 =	ssub.s32 $0x10, s4  }
0x9: {  	s7 =	simm.s32 $0x1;
	s29 =	sshrl.u32 s28, $0x1;
	s30 =	sand.u32 $0xC, s9  }
0xa: {  	s6 =	sand.u32 $0x1, s28;
	s5 =	sand.u32 $0x180, s27;
	p0 =	sne.s32 s30, $0x0  }
0xb: {  	s10 =	ssub.s32 $0x4400, s5;
	s9 =	sshrl.u32 s9, $0x4;
	s7 =	simm.s32 @!p0 $0x0  }
0xc: {  	s6 =	sadd.s32 s6, s29;
	s11 =	sand.u32 $0x180, s10;
	s7 =	sadd.s32 s7, s9  }
0xd: {  	p0 =	sne.s32 s11, $0x0;
	s9 =	simm.s32 $0x1;
	s7 =	smul.u32 s6, s7  }
.Ltmp0:
0xe: {  	s10 =	sshrl.u32 s10, $0x9;
	s9 =	simm.s32 @!p0 $0x0;
	(pc) =	sbr.rel .LBB1_1-.Ltmp0, $4  }
0xf: {  	s8 =	sadd.s32 $0x600, s8;
	s15 =	smov.u32 s3;
	s9 =	sadd.s32 s9, s10  }
0x10: {  	s14 =	smov.u32 s4;
	s6 =	simm.s32 $0x1;
	s7 =	smul.u32 s9, s7  }
0x11: {  	s12 =	smov.u32 s5;
	s11 =	simm.s32 $0x0;
	[sflag:s6] =	ssyncpa.u1 $0x0  }
0x12: {  	s10 =	simm.s32 $0x44000;
	[sflag:s31] =	ssyncpa.u1 $0x0;
	s9 =	sadd.s32 $0x1, s7  }
.LBB1_7:
0x13: {  	s21 =	sadd.s32 $0x200, s12  }
0x14: {  	s17 =	sadd.s32 $0x20, s13;
	s22 =	smov.u32 s13;
	p1 =	sgt.s32 s21, $0x43FF  }
0x15: {  	s22 =	smov.u32 @p1 s17  }
0x16: {  	s23 =	smov.u32 s14;
	s17 =	sadd.s32 $0x10, s14;
	p2 =	sgt.s32 s22, $0x1F  }
0x17: {  	s23 =	smov.u32 @p2 s17  }
0x18: {  	s24 =	smov.u32 s15;
	s17 =	sadd.s32 $0x2, s15;
	p3 =	sgt.s32 s23, $0xF  }
0x19: {  	p0 =	slt.u32 s16, $0x2;
	s24 =	smov.u32 @p3 s17  }
0x1a: {  	s19 =	smov.u32 s12;
	s21 =	smov.u32 @p1 s5;
	p1 =	sgt.s32 s24, $0x1  }
0x1b: {  	s25 =	simm.s32 @!p0 $0x2;
	s24 =	smov.u32 @p1 s3;
	p1 =	sne.s32 s16, s9  }
.Ltmp1:
0x1c: {  	s20 =	smov.u32 s14;
	_ =	swait.ge @!p0 [sflag:s25], $0x4000;
	(pc) =	sbr.rel @!p1 .LBB1_8-.Ltmp1, $4  }
0x1d: {  	s18 =	smov.u32 s15;
	s11 =	sadd.s32 $0x4000, s11;
	[sflag:s25] =	ssyncset.done @!p0 $0x0  }
0x1e: {  	s12 =	smov.u32 s21;
	s22 =	simm.s32 @p2 $0x0;
	[sflag:s25] =	ssyncadd.s32 @!p0 $0xFFFFC000  }
0x1f: {  	s23 =	smov.u32 @p3 s4;
	s17 =	smov.u32 s13;
	s13 =	smov.u32 s22  }
0x20: {  	s14 =	smov.u32 s23;
	s16 =	sadd.s32 $0x1, s16;
	s15 =	smov.u32 s24  }
.LBB1_1:
0x21: {  	p0 =	sge.u32 s16, s7  }
0x22: {  	s21 =	sshrl.u32 @!p0 s13, $0x3  }
0x23: {  	s22 =	sshll.u32 @!p0 s12, $0x3;
	s23 =	sshll.u32 @!p0 s13, $0x7;
	s21 =	smul.u32 @!p0 $0x22000, s21  }
0x24: {  	s24 =	sand.u32 @!p0 $0x7F, s12;
	s22 =	sand.u32 @!p0 $0xFFFFFC00, s22;
	s23 =	sand.u32 @!p0 $0x380, s23  }
0x25: {  	s21 =	sadd.s32 @!p0 s21, s22;
	s22 =	sor.u32 @!p0 s24, s23  }
0x26: {  	s22 =	sor.u32 @!p0 s21, s22  }
0x27: {  	s23 =	smulhi.u32 @!p0 $0xF0F0F0F1, s22  }
0x28: {  	s21 =	smulhi.u32 @!p0 $0xF0F0F0F1, s21  }
0x29: {  	s31 =	sadd.s32 $0xFFFFFFFF, s16;
	s25 =	smul.u32 @!p0 $0x110000, s15;
	s23 =	sshrl.u32 @!p0 s23, $0xE  }
0x2a: {  	s24 =	sxor.u32 @!p0 $0xFFFFFFFF, s16;
	s21 =	sshrl.u32 @!p0 s21, $0xE;
	s23 =	smul.u32 @!p0 $0x4400, s23  }
0x2b: {  	s26 =	smul.u32 @!p0 $0x11000, s14;
	s24 =	sshll.u32 @!p0 s24, $0xE;
	s21 =	sand.u32 @!p0 $0x1F, s21  }
0x2c: {  	s21 =	smul.u32 @!p0 $0x880, s21;
	s22 =	ssub.s32 @!p0 s22, s23;
	s23 =	sadd.s32 @!p0 s2, s25  }
0x2d: {  	s24 =	sand.u32 @!p0 $0x4000, s24;
	s23 =	sadd.s32 @!p0 s26, s23;
	s25 =	sand.u32 @!p0 $0x7, s22  }
0x2e: {  	s22 =	sshrl.u32 @!p0 s22, $0x3;
	s21 =	sadd.s32 @!p0 s21, s23;
	s23 =	sshll.u32 @!p0 s25, $0x12  }
0x2f: {  	s21 =	sadd.s32 @!p0 s22, s21;
	s22 =	sor.u32 @!p0 $0x400, s23;
	s23 =	simm.s32 @!p0 $0x22000  }
0x30: {  	[tilespmem:s24], [sflag:$0x1] =	stream.strided.gather @!p0 [hbm4b:s21+s22], $0x4000, s23, s22, $0x38;
	[tilespmem:$0x10000] =	vst v63  }
0x31: {  	p0 =	sge.u32 s31, s7  }
.Ltmp2:
0x32: {  	_ = 	snop;
	(pc) =	sbr.rel @p0 .LBB1_7-.Ltmp2, $1  }
0x33: {  	_ =	sdelay $0x3  }
0x34: {  	s21 =	sand.u32 $0x4000, s11  }
0x35: {  	_ =	swait.ge [sflag:s6], $0x4000;
	s24 =	sshll.u32 s16, $0xE;
	s22 =	sor.u32 $0x8040, s21  }
0x36: {  	s23 =	sor.u32 $0x40, s21;
	[sflag:s6] =	ssyncset.done $0x0;
	s31 =	sand.u32 $0x4000, s24  }
0x37: {  	s24 =	simm.s32 $0x0;
	[sflag:s6] =	ssyncadd.s32 $0xFFFFC000;
	s21 =	sor.u32 $0x8000, s31  }
.LBB1_3:
0x38: {  	v0 =	vmov s23;
	_ =	sdelay $0x3  }
0x39: {  	s26 =	simm.s32 $0x0  }
0x3a: {  	v6 =	vld.idx.msk [tilespmem:v0+s26+$0x30 ss:$0x1], $0xffff  }
0x3b: {  	v7 =	vld.idx.msk [tilespmem:v0+s26+$0xFFFFFFC0 ss:$0x1], $0xffff  }
0x3c: {  	v5 =	vld.idx.msk [tilespmem:v0+s26+$0xFFFFFFD0 ss:$0x1], $0xffff  }
0x3d: {  	v4 =	vld.idx.msk [tilespmem:v0+s26+$0xFFFFFFE0 ss:$0x1], $0xffff  }
0x3e: {  	v3 =	vld.idx.msk [tilespmem:v0+s26+$0xFFFFFFF0 ss:$0x1], $0xffff  }
0x3f: {  	v1 =	vld.idx.msk [tilespmem:v0+s26+$0x0 ss:$0x1], $0xffff  }
0x40: {  	v2 =	vld.idx.msk [tilespmem:v0+s26+$0x10 ss:$0x1], $0xffff;
	[tilespmem:s22+$0x30] =	vst v6  }
0x41: {  	s25 =	simm.s32 $0x80;
	s27 =	simm.s32 $0x400;
	[tilespmem:s22+$0xFFFFFFC0] =	vst v7;
	v6 =	vld.idx.msk [tilespmem:v0+s26+$0x20 ss:$0x1], $0xffff;
	s26 =	smov.u32 s22  }
.LBB1_4:
0x42: {  	p0 =	sne.s32 s27, $0x3E00;
	v7 =	vld.idx.msk [tilespmem:v0+s25+$0x30 ss:$0x1], $0xffff;
	[tilespmem:s26+$0xFFFFFFD0] =	vst v5  }
0x43: {  	v8 =	vld.idx.msk [tilespmem:v0+s25+$0xFFFFFFC0 ss:$0x1], $0xffff;
	[tilespmem:s26+$0xFFFFFFE0] =	vst v4  }
0x44: {  	v5 =	vld.idx.msk [tilespmem:v0+s25+$0xFFFFFFD0 ss:$0x1], $0xffff;
	[tilespmem:s26+$0xFFFFFFF0] =	vst v3  }
.Ltmp3:
0x45: {  	v4 =	vld.idx.msk [tilespmem:v0+s25+$0xFFFFFFE0 ss:$0x1], $0xffff;
	[tilespmem:s26+$0x0] =	vst v1;
	(pc) =	sbr.rel @p0 .LBB1_4-.Ltmp3, $4  }
0x46: {  	v3 =	vld.idx.msk [tilespmem:v0+s25+$0xFFFFFFF0 ss:$0x1], $0xffff;
	[tilespmem:s26+$0x10] =	vst v2  }
0x47: {  	v1 =	vld.idx.msk [tilespmem:v0+s25+$0x0 ss:$0x1], $0xffff;
	[tilespmem:s26+$0x20] =	vst v6;
	s26 =	sadd.s32 $0x200, s26  }
0x48: {  	v2 =	vld.idx.msk [tilespmem:v0+s25+$0x10 ss:$0x1], $0xffff;
	[tilespmem:s26+$0x30] =	vst v7  }
0x49: {  	[tilespmem:s26+$0xFFFFFFC0] =	vst v8;
	v6 =	vld.idx.msk [tilespmem:v0+s25+$0x20 ss:$0x1], $0xffff;
	s25 =	sshra.s32 s27, $0x2;
	s27 =	sadd.s32 $0x200, s27  }
0x4a: {  	_ =	sdelay $0x2  }
0x4b: {  	[tilespmem:s26+$0xFFFFFFD0] =	vst v5  }
0x4c: {  	v56 =	vld.idx.msk [tilespmem:v0+s25+$0x30 ss:$0x1], $0xffff;
	[tilespmem:s26+$0xFFFFFFE0] =	vst v4  }
0x4d: {  	v57 =	vld.idx.msk [tilespmem:v0+s25+$0xFFFFFFC0 ss:$0x1], $0xffff;
	[tilespmem:s26+$0xFFFFFFF0] =	vst v3  }
0x4e: {  	v58 =	vld.idx.msk [tilespmem:v0+s25+$0xFFFFFFD0 ss:$0x1], $0xffff;
	[tilespmem:s26+$0x0] =	vst v1  }
0x4f: {  	v59 =	vld.idx.msk [tilespmem:v0+s25+$0xFFFFFFE0 ss:$0x1], $0xffff;
	[tilespmem:s26+$0x10] =	vst v2  }
0x50: {  	v60 =	vld.idx.msk [tilespmem:v0+s25+$0xFFFFFFF0 ss:$0x1], $0xffff;
	s31 =	sadd.s32 $0x200, s26;
	[tilespmem:s26+$0x20] =	vst v6  }
0x51: {  	v61 =	vld.idx.msk [tilespmem:v0+s25+$0x0 ss:$0x1], $0xffff;
	[tilespmem:s31+$0x30] =	vst v56  }
0x52: {  	v62 =	vld.idx.msk [tilespmem:v0+s25+$0x10 ss:$0x1], $0xffff;
	s24 =	sadd.s32 $0x1, s24;
	[tilespmem:s31+$0xFFFFFFC0] =	vst v57  }
0x53: {  	v63 =	vld.idx.msk [tilespmem:v0+s25+$0x20 ss:$0x1], $0xffff;
	p0 =	sne.s32 s24, $0x4;
	[tilespmem:s31+$0xFFFFFFD0] =	vst v58  }
.Ltmp4:
0x54: {  	[tilespmem:s31+$0xFFFFFFE0] =	vst v59;
	(pc) =	sbr.rel @p0 .LBB1_3-.Ltmp4, $4  }
0x55: {  	[tilespmem:s31+$0xFFFFFFF0] =	vst v60  }
0x56: {  	[tilespmem:s31+$0x0] =	vst v61  }
0x57: {  	[tilespmem:s31+$0x10] =	vst v62  }
0x58: {  	s22 =	sadd.s32 $0x80, s22;
	s23 =	sadd.s32 $0x1000, s23;
	[tilespmem:s31+$0x20] =	vst v63  }
0x59: {  	s22 =	sshrl.u32 s20, $0x3  }
0x5a: {  	s23 =	sshll.u32 s19, $0x3;
	s27 =	sshll.u32 s20, $0x7;
	s22 =	smul.u32 $0x22000, s22  }
0x5b: {  	s28 =	sand.u32 $0x7F, s19;
	s23 =	sand.u32 $0xFFFFFC00, s23;
	s20 =	sand.u32 $0x380, s27  }
0x5c: {  	s19 =	sor.u32 s20, s28;
	s22 =	sadd.s32 s22, s23  }
0x5d: {  	s19 =	sor.u32 s22, s19;
	s22 =	smulhi.u32 $0xF0F0F0F1, s22  }
0x5e: {  	s29 =	smulhi.u32 $0xF0F0F0F1, s19  }
0x5f: {  	s18 =	smul.u32 $0x110000, s18  }
0x60: {  	s17 =	smul.u32 $0x8800, s17;
	s22 =	sshrl.u32 s22, $0xE;
	s20 =	sshrl.u32 s29, $0xE  }
0x61: {  	s22 =	sand.u32 $0xF, s22;
	s20 =	smul.u32 $0x4400, s20  }
0x62: {  	s30 =	smul.u32 $0x880, s22  }
.Ltmp5:
0x63: {  	s18 =	sadd.s32 s8, s18;
	s19 =	ssub.s32 s19, s20;
	(pc) =	sbr.rel .LBB1_7-.Ltmp5, $4  }
0x64: {  	s17 =	sadd.s32 s17, s18;
	s31 =	sand.u32 $0x7, s19  }
0x65: {  	s17 =	sadd.s32 s30, s17;
	s19 =	sshrl.u32 s19, $0x3;
	s18 =	sshll.u32 s31, $0x12  }
0x66: {  	s17 =	sadd.s32 s19, s17;
	s18 =	sor.u32 $0x200, s18  }
0x67: {  	[hbm4b:s17+s18] =	stream.strided.scatter [tilespmem:s21], [sflag:$0x2], $0x4000, s10, s18, $0x38;
	[tilespmem:$0x10000] =	vst v63  }
.LBB1_8:
0x68: {  	_ =	sfence.sel $0x180000  }
0x69: {  	s2 =	simm.s32 $0x1;
	[bflag:$0x0] =	sbarrier.arrive $0xFFFF  }
0x6a: {  	s31 =	simm.s32 $0x2;
	[sflag:s2] =	ssyncpa.u1 $0x1  }
0x6b: {  	[sflag:s31] =	ssyncpa.u1 $0x1  }
0x6c: {  	p0 =	sne.s32 s1, $0x0;
	_ =	strace $0x90000047  }
0x6d: {  	s0 =	sadd.s32 @!p0 $0x100000, s0;
	[bflag:$0x2] =	sbarrier.arrive $0xFFFF  }
0x6e: {  	[sflag:s0] =	ssyncadd.tile.s32 @!p0 $0x1;
	_ =	shalt  }
.Lfunc_end1:
_tile_overlayer_lowered:
.L_overlay_start_2:
0x6f: {  	(tag) =	ssettag $0x2  }
0x70: {  	s0 =	rddreg [dreg:$0x0];
	s2 =	stileid.u32  }
0x71: {  	s1 =	rddreg [dreg:$0x1];
	p0 =	sne.s32 s2, $0x0  }
0x72: {  	s3 =	rddreg [dreg:$0x2];
	[bflag:$0x3] =	sbarrier.arrive $0xFFFF;
	s2 =	simm.s32 @!p0 $0x1C01  }
0x73: {  	[timem:s3], [sflag:s2] =	dma.local @!p0 [hbm:s0], s1  }
0x74: {  	s0 =	simm.s32 @!p0 $0x1  }
0x75: {  	_ =	swait.ge @!p0 [sflag:s0], s1  }
0x76: {  	s1 =	ssub.s32 @!p0 $0x0, s1;
	[sflag:s0] =	ssyncset.done @!p0 $0x0  }
0x77: {  	[sflag:s0] =	ssyncadd.s32 @!p0 s1  }
0x78: {  	[bflag:$0x3] =	sbarrier.arrive $0xFFFF  }
0x79: {  	_ =	shalt  }

</sc_bundles>
